<compile_context>
chip_gen: v7x
topology: tpu7x:2x2x1
jax: 0.10.2.dev20260603
libtpu: 0.0.44.dev20260713+nightly
codegen_flags: <defaults>
</compile_context>

<pallas_src>
import functools

import jax
import jax.numpy as jnp
from jax import lax
from jax.experimental import pallas as pl
from jax.experimental.pallas import tpu as pltpu
from jax.experimental.pallas import tpu_sc as plsc

H, W = 100, 176
NV = H * W
NH, NP, HD = 8, 8, 32
NQ = 40000
D = 256

_VROWS = 2200


def _vproj_body(v_ref, w_ref, b_ref, o_ref):
    v = jnp.dot(v_ref[...], w_ref[...], preferred_element_type=jnp.float32)
    v = v + b_ref[...]
    for h in range(NH):
        o_ref[h] = v[:, h * HD:(h + 1) * HD]


def _make_table(val, vp_wT, vp_b2):
    return pl.pallas_call(
        _vproj_body,
        grid=(NV // _VROWS,),
        in_specs=[
            pl.BlockSpec((_VROWS, D), lambda i: (i, 0)),
            pl.BlockSpec((D, D), lambda i: (0, 0)),
            pl.BlockSpec((1, D), lambda i: (0, 0)),
        ],
        out_specs=pl.BlockSpec((NH, _VROWS, HD), lambda i: (0, i, 0)),
        out_shape=jax.ShapeDtypeStruct((NH, NV, HD), jnp.float32),
    )(val, vp_wT, vp_b2)


_QROWS = 2000


def _prep_body(q_ref, r_ref, wc_ref, bc_ref, sel_ref,
               idxa_ref, idxb_ref, wgta_ref, wgtb_ref):
    qb = q_ref[...]
    hi = lax.Precision.HIGHEST
    big = jnp.dot(qb, wc_ref[...], precision=hi,
                  preferred_element_type=jnp.float32) + bc_ref[...]
    sox = big[:, 0:64]
    soy = big[:, 64:128]
    logits = big[:, 128:192]
    e = jnp.exp(logits)
    l0 = lax.broadcasted_iota(jnp.int32, (64, 64), 0)
    l1 = lax.broadcasted_iota(jnp.int32, (64, 64), 1)
    grp = (l0 // NP == l1 // NP).astype(jnp.float32)
    denom = jnp.dot(e, grp, precision=hi, preferred_element_type=jnp.float32)
    attn = e / denom
    rr = jnp.dot(r_ref[...], sel_ref[...], precision=hi,
                 preferred_element_type=jnp.float32)
    gx = rr[:, 0:64] + sox - 0.5
    gy = rr[:, 64:128] + soy - 0.5
    x0 = jnp.floor(gx)
    y0 = jnp.floor(gy)
    wx1 = gx - x0
    wy1 = gy - y0
    ax0 = (1.0 - wx1) * ((x0 >= 0.0) & (x0 <= W - 1.0)).astype(jnp.float32) * attn
    ax1 = wx1 * ((x0 >= -1.0) & (x0 <= W - 2.0)).astype(jnp.float32) * attn
    cy0 = (1.0 - wy1) * ((y0 >= 0.0) & (y0 <= H - 1.0)).astype(jnp.float32)
    cy1 = wy1 * ((y0 >= -1.0) & (y0 <= H - 2.0)).astype(jnp.float32)
    hl = (lax.broadcasted_iota(jnp.int32, (_QROWS, 64), 1) // NP) * NV
    x0i = jnp.clip(x0, 0.0, W - 1.0).astype(jnp.int32)
    y0i = jnp.clip(y0, 0.0, H - 1.0).astype(jnp.int32)
    x1i = jnp.clip(x0 + 1.0, 0.0, W - 1.0).astype(jnp.int32)
    y1i = jnp.clip(y0 + 1.0, 0.0, H - 1.0).astype(jnp.int32)
    r0 = y0i * W + hl
    r1 = y1i * W + hl
    idxa_ref[...] = jnp.concatenate([r0 + x0i, r0 + x1i], axis=1)
    idxb_ref[...] = jnp.concatenate([r1 + x0i, r1 + x1i], axis=1)
    wgta_ref[...] = jnp.concatenate([ax0 * cy0, ax1 * cy0], axis=1)
    wgtb_ref[...] = jnp.concatenate([ax0 * cy1, ax1 * cy1], axis=1)


def _make_idx_wgt(q, rxy, wcat, bcat, selxy):
    return pl.pallas_call(
        _prep_body,
        grid=(NQ // _QROWS,),
        in_specs=[
            pl.BlockSpec((_QROWS, D), lambda i: (i, 0)),
            pl.BlockSpec((_QROWS, 8), lambda i: (i, 0)),
            pl.BlockSpec((D, 192), lambda i: (0, 0)),
            pl.BlockSpec((1, 192), lambda i: (0, 0)),
            pl.BlockSpec((8, 128), lambda i: (0, 0)),
        ],
        out_specs=[
            pl.BlockSpec((_QROWS, 128), lambda i: (i, 0)),
            pl.BlockSpec((_QROWS, 128), lambda i: (i, 0)),
            pl.BlockSpec((_QROWS, 128), lambda i: (i, 0)),
            pl.BlockSpec((_QROWS, 128), lambda i: (i, 0)),
        ],
        out_shape=[
            jax.ShapeDtypeStruct((NQ, 128), jnp.int32),
            jax.ShapeDtypeStruct((NQ, 128), jnp.int32),
            jax.ShapeDtypeStruct((NQ, 128), jnp.float32),
            jax.ShapeDtypeStruct((NQ, 128), jnp.float32),
        ],
    )(q, rxy, wcat, bcat, selxy)


_CQ = 5
_GPC = _CQ * NH
_RPC = _GPC * 32
_SUB = 128


def _splat(i):
    return jnp.full((16,), i, jnp.int32)


def _sc_gather(table, idxa, idxb, wgta, wgtb):
    nc, ns = 2, 16
    nw = nc * ns
    qpw = NQ // nw
    nch = qpw // _CQ
    mesh = plsc.VectorSubcoreMesh(core_axis_name="c", subcore_axis_name="s",
                                  num_cores=nc, num_subcores=ns)

    @functools.partial(
        pl.kernel,
        out_type=jax.ShapeDtypeStruct((NQ * NH * HD,), jnp.float32),
        mesh=mesh,
        compiler_params=pltpu.CompilerParams(needs_layout_passes=False,
                                             use_tc_tiling_on_sc=False),
        scratch_types=[
            pltpu.VMEM((2 * _CQ * 256,), jnp.int32),
            pltpu.VMEM((2 * _CQ * 256,), jnp.float32),
            pltpu.VMEM((2 * _RPC,), jnp.int32),
            pltpu.VMEM((2 * _RPC, HD), jnp.float32),
            pltpu.VMEM((2 * _RPC,), jnp.float32),
            pltpu.SemaphoreType.DMA,
            pltpu.SemaphoreType.DMA,
            pltpu.SemaphoreType.DMA,
        ],
    )
    def k(table_hbm, idxa_hbm, idxb_hbm, wgta_hbm, wgtb_hbm, out_hbm,
          idx_in, wgt_in, sidx, rows, out_v, sem_in, sem_g, sem_out):
        wid = lax.axis_index("s") * nc + lax.axis_index("c")
        lanes = lax.iota(jnp.int32, 16)
        pat0 = (lanes // 8) * 64 + (lanes % 8)
        NIN = _CQ * 256
        HALF = _CQ * 128

        def in_refs(ci, buf):
            qlo = wid * qpw + ci * _CQ
            return [
                (idxa_hbm.at[pl.ds(qlo * 128, HALF)],
                 idx_in.at[pl.ds(buf * NIN, HALF)]),
                (idxb_hbm.at[pl.ds(qlo * 128, HALF)],
                 idx_in.at[pl.ds(buf * NIN + HALF, HALF)]),
                (wgta_hbm.at[pl.ds(qlo * 128, HALF)],
                 wgt_in.at[pl.ds(buf * NIN, HALF)]),
                (wgtb_hbm.at[pl.ds(qlo * 128, HALF)],
                 wgt_in.at[pl.ds(buf * NIN + HALF, HALF)]),
            ]

        def in_start(ci, buf):
            for s, d in in_refs(ci, buf):
                pltpu.async_copy(s, d, sem_in)

        def in_wait(ci, buf):
            for s, d in in_refs(ci, buf):
                pltpu.make_async_copy(s, d, sem_in).wait()

        def permute(buf):
            def perm_body(g, _):
                base = buf * NIN + (g // NH) * 128 + (g % NH) * 8
                o = buf * _RPC + g * 32
                sidx[pl.ds(o, 16)] = plsc.load_gather(idx_in, [base + pat0])
                sidx[pl.ds(o + 16, 16)] = plsc.load_gather(idx_in, [base + HALF + pat0])
                return 0
            lax.fori_loop(0, _GPC, perm_body, 0)

        def gather_refs(buf, j):
            o = buf * _RPC + j * _SUB
            return (table_hbm.at[sidx.at[pl.ds(o, _SUB)]],
                    rows.at[pl.ds(o, _SUB), :])

        def gather_start(buf):
            for j in range(_RPC // _SUB):
                s, d = gather_refs(buf, j)
                pltpu.async_copy(s, d, sem_g)

        def gather_wait(buf):
            for j in range(_RPC // _SUB):
                s, d = gather_refs(buf, j)
                pltpu.make_async_copy(s, d, sem_g).wait()

        def reduce(buf):
            def red_body(g, _):
                rbase = buf * _RPC + g * 32
                base = buf * NIN + (g // NH) * 128 + (g % NH) * 8
                w0 = plsc.load_gather(wgt_in, [base + pat0])
                w1 = plsc.load_gather(wgt_in, [base + HALF + pat0])
                zero = jnp.zeros((16,), jnp.float32)
                acc0 = [zero, zero, zero, zero]
                acc1 = [zero, zero, zero, zero]
                for s in range(32):
                    wsrc = w0 if s < 16 else w1
                    wv = wsrc.at[_splat(s % 16)].get(mode="promise_in_bounds")
                    k4 = s % 4
                    acc0[k4] = acc0[k4] + wv * rows[rbase + s, pl.ds(0, 16)]
                    acc1[k4] = acc1[k4] + wv * rows[rbase + s, pl.ds(16, 16)]
                out_v[pl.ds(rbase, 16)] = (acc0[0] + acc0[1]) + (acc0[2] + acc0[3])
                out_v[pl.ds(rbase + 16, 16)] = (acc1[0] + acc1[1]) + (acc1[2] + acc1[3])
                return 0
            lax.fori_loop(0, _GPC, red_body, 0)

        def out_refs(ci, buf):
            qlo = wid * qpw + ci * _CQ
            return (out_v.at[pl.ds(buf * _RPC, _RPC)],
                    out_hbm.at[pl.ds(qlo * 256, _RPC)])

        def out_start(ci, buf):
            s, d = out_refs(ci, buf)
            pltpu.async_copy(s, d, sem_out)

        def out_wait(ci, buf):
            s, d = out_refs(ci, buf)
            pltpu.make_async_copy(s, d, sem_out).wait()

        in_start(0, 0)
        in_wait(0, 0)
        permute(0)
        gather_start(0)
        in_start(1, 1)

        def body(i, _):
            cur = i % 2
            nxt = 1 - cur

            @pl.when(i + 1 < nch)
            def _():
                in_wait(i + 1, nxt)
                permute(nxt)

            gather_wait(cur)

            @pl.when(i + 1 < nch)
            def _():
                gather_start(nxt)

            reduce(cur)

            @pl.when(i > 0)
            def _():
                out_wait(i - 1, nxt)

            out_start(i, cur)

            @pl.when(i + 2 < nch)
            def _():
                in_start(i + 2, cur)
            return 0

        lax.fori_loop(0, nch, body, 0)
        out_wait(nch - 1, (nch - 1) % 2)

    return k(table, idxa, idxb, wgta, wgtb)


def kernel(query, value, reference_points, vp_w, vp_b, so_w, so_b, aw_w, aw_b,
           spatial_shapes, level_start_index):
    q = query[0]
    val = value[0]
    table = _make_table(val, vp_w.T, vp_b.reshape(1, D)).reshape(NH * NV, HD)
    rxy = jnp.concatenate(
        [reference_points[0, :, :, 0], reference_points[0, :, :, 1]], axis=1)
    wcat = jnp.concatenate([so_w[0::2].T, so_w[1::2].T, aw_w.T], axis=1)
    bcat = jnp.concatenate([so_b[0::2], so_b[1::2], aw_b]).reshape(1, 192)
    a = jnp.arange(4)
    l = jnp.arange(64)
    selq = (l[None, :] % 4 == a[:, None]).astype(jnp.float32)
    selxy = jnp.zeros((8, 128), jnp.float32)
    selxy = selxy.at[0:4, 0:64].set(selq * float(W))
    selxy = selxy.at[4:8, 64:128].set(selq * float(H))
    idxa, idxb, wgta, wgtb = _make_idx_wgt(q, rxy, wcat, bcat, selxy)
    out = _sc_gather(table, idxa.reshape(-1), idxb.reshape(-1),
                     wgta.reshape(-1), wgtb.reshape(-1))
    return out.reshape(1, NQ, D)

# --- scband reference (transcript-rebuilt; emitter-appended) ---
"""Pipeline reference for scband-msdeformable-attention3-d-14465449853379 (READ-ONLY COPY).

The authoritative reference and input builder live on the scoring server;
editing this copy changes nothing except your own understanding.
"""

import jax, jax.numpy as jnp
import numpy as np


def _grid_sample(img, grid):
    # img: [N, C, H, W]; grid: [N, Hq, Wq, 2] (x, y) in [-1, 1]
    # bilinear, padding_mode='zeros', align_corners=False (matches F.grid_sample)
    N, C, H, W = img.shape
    gx = (grid[..., 0] + 1.0) * (W / 2.0) - 0.5
    gy = (grid[..., 1] + 1.0) * (H / 2.0) - 0.5
    x0 = jnp.floor(gx); y0 = jnp.floor(gy)
    x1 = x0 + 1.0; y1 = y0 + 1.0
    wx1 = gx - x0; wx0 = 1.0 - wx1
    wy1 = gy - y0; wy0 = 1.0 - wy1
    flat = img.reshape(N, C, H * W)
    def gather(ix, iy):
        valid = (ix >= 0) & (ix <= W - 1) & (iy >= 0) & (iy <= H - 1)
        ixc = jnp.clip(ix, 0, W - 1).astype(jnp.int32)
        iyc = jnp.clip(iy, 0, H - 1).astype(jnp.int32)
        idx = (iyc * W + ixc).reshape(N, 1, -1)
        vals = jnp.take_along_axis(flat, idx, axis=2).reshape(N, C, ix.shape[1], ix.shape[2])
        return vals * valid[:, None, :, :].astype(img.dtype)
    out = (gather(x0, y0) * (wx0 * wy0)[:, None]
           + gather(x1, y0) * (wx1 * wy0)[:, None]
           + gather(x0, y1) * (wx0 * wy1)[:, None]
           + gather(x1, y1) * (wx1 * wy1)[:, None])
    return out


def _forward(query, value, reference_points, vp_w, vp_b, so_w, so_b, aw_w, aw_b, spatial_shapes):
    num_heads, num_levels, num_points = 8, 1, 8
    bs, num_query, embed_dims = query.shape
    num_value = value.shape[1]
    head_dim = embed_dims // num_heads
    H, W = 100, 176
    v = value @ vp_w.T + vp_b
    v = v.reshape(bs, num_value, num_heads, head_dim)
    sampling_offsets = (query @ so_w.T + so_b).reshape(bs, num_query, num_heads, num_levels, num_points, 2)
    attn = (query @ aw_w.T + aw_b).reshape(bs, num_query, num_heads, num_levels * num_points)
    attn = jax.nn.softmax(attn, axis=-1).reshape(bs, num_query, num_heads, num_levels, num_points)
    offset_normalizer = jnp.stack([spatial_shapes[..., 1], spatial_shapes[..., 0]], -1).astype(query.dtype)
    num_Z_anchors = reference_points.shape[2]
    ref = reference_points[:, :, None, None, None, :, :]
    sampling_offsets = sampling_offsets / offset_normalizer[None, None, None, :, None, :]
    pts_per_anchor = num_points // num_Z_anchors
    sampling_offsets = sampling_offsets.reshape(bs, num_query, num_heads, num_levels, pts_per_anchor, num_Z_anchors, 2)
    sampling_locations = (ref + sampling_offsets).reshape(bs, num_query, num_heads, num_levels, num_points, 2)
    # multi_scale_deformable_attn (single level)
    value_l = v.reshape(bs, num_value, embed_dims).transpose(0, 2, 1).reshape(bs * num_heads, head_dim, H, W)
    grids = 2.0 * sampling_locations - 1.0
    grid_l = grids[:, :, :, 0].transpose(0, 2, 1, 3, 4).reshape(bs * num_heads, num_query, num_points, 2)
    sampled = _grid_sample(value_l, grid_l)  # [bs*heads, head_dim, nq, pts]
    aw = attn.transpose(0, 2, 1, 3, 4).reshape(bs * num_heads, 1, num_query, num_levels * num_points)
    out = (sampled * aw).sum(-1).reshape(bs, embed_dims, num_query)
    return out.transpose(0, 2, 1)


def setup_inputs(seed: int = 0):
    key = jax.random.key(seed)
    ks = jax.random.split(key, 8)
    bs, num_query, embed_dims = 1, 40000, 256
    H, W = 100, 176
    num_value = H * W
    query = jax.random.normal(ks[0], (bs, num_query, embed_dims), dtype=jnp.float32)
    value = jax.random.normal(ks[1], (bs, num_value, embed_dims), dtype=jnp.float32)
    reference_points = jax.random.uniform(ks[2], (bs, num_query, 4, 2), dtype=jnp.float32)
    spatial_shapes = jnp.array([[H, W]], dtype=jnp.int32)
    level_start_index = jnp.zeros((1,), dtype=jnp.int32)
    vp_w = jax.random.normal(ks[3], (embed_dims, embed_dims), dtype=jnp.float32) * 0.02
    vp_b = jnp.zeros((embed_dims,), jnp.float32)
    so_w = jax.random.normal(ks[4], (128, embed_dims), dtype=jnp.float32) * 0.02
    thetas = np.arange(8, dtype=np.float32) * (2.0 * np.pi / 8)
    grid_init = np.stack([np.cos(thetas), np.sin(thetas)], -1)
    grid_init = grid_init / np.abs(grid_init).max(-1, keepdims=True)
    grid_init = np.tile(grid_init.reshape(8, 1, 1, 2), (1, 1, 8, 1))
    for i in range(8):
        grid_init[:, :, i, :] *= i + 1
    so_b = jnp.asarray(grid_init.reshape(-1), dtype=jnp.float32)
    aw_w = jax.random.normal(ks[5], (64, embed_dims), dtype=jnp.float32) * 0.02
    aw_b = jnp.zeros((64,), jnp.float32)
    return {"query": query, "value": value, "reference_points": reference_points,
            "vp_w": vp_w, "vp_b": vp_b, "so_w": so_w, "so_b": so_b,
            "aw_w": aw_w, "aw_b": aw_b,
            "spatial_shapes": spatial_shapes, "level_start_index": level_start_index}


def reference(query, value, reference_points, vp_w, vp_b, so_w, so_b, aw_w, aw_b, spatial_shapes, level_start_index):
    return _forward(query, value, reference_points, vp_w, vp_b, so_w, so_b, aw_w, aw_b, spatial_shapes)

if __name__ == "__main__":
    import jax
    _d = setup_inputs()
    print(jax.jit(kernel)(*tuple(_d.values())))

</pallas_src>

<mosaic_0001>
#map = affine_map<(d0, d1) -> (0, 0)>
#map1 = affine_map<(d0, d1) -> (0)>
module attributes {stable_mosaic.version = 14 : i64} {
  func.func @k(%arg0: i32, %arg1: i32, %arg2: memref<140800x32xf32, #tpu.memory_space<hbm>>, %arg3: memref<5120000xi32, #tpu.memory_space<hbm>>, %arg4: memref<5120000xi32, #tpu.memory_space<hbm>>, %arg5: memref<5120000xf32, #tpu.memory_space<hbm>>, %arg6: memref<5120000xf32, #tpu.memory_space<hbm>>, %arg7: memref<10240000xf32, #tpu.memory_space<hbm>>, %arg8: memref<2560xi32, #tpu.memory_space<vmem>>, %arg9: memref<2560xf32, #tpu.memory_space<vmem>>, %arg10: memref<2560xi32, #tpu.memory_space<vmem>>, %arg11: memref<2560x32xf32, #tpu.memory_space<vmem>>, %arg12: memref<2560xf32, #tpu.memory_space<vmem>>, %arg13: memref<!tpu.dma_semaphore, #tpu.memory_space<semaphore_mem>>, %arg14: memref<!tpu.dma_semaphore, #tpu.memory_space<semaphore_mem>>, %arg15: memref<!tpu.dma_semaphore, #tpu.memory_space<semaphore_mem>>) attributes {dimension_semantics = [#tpu.dimension_semantics<core_parallel>, #tpu.dimension_semantics<subcore_parallel>], iteration_bounds = array<i64: 2, 16>, scalar_prefetch = 0 : i64, scratch_operands = 8 : i64, tpu.core_type = #tpu.core_type<sc_vector_subcore>, window_params = [{transform_indices = #map}, {transform_indices = #map1}, {transform_indices = #map1}, {transform_indices = #map1}, {transform_indices = #map1}, {transform_indices = #map1}]} {
    %mul3A = arith.constant 2 : i32
    %mul3A_0 = arith.muli %arg1, %mul3A : i32
    %add3A = arith.addi %mul3A_0, %arg0 : i32
    %iota3A = tpu.iota {dimensions = array<i32: 0>} : vector<16xi32>
    %jit3A = arith.constant 8 : i32
    %div3A = vector.broadcast %jit3A : i32 to vector<16xi32>
    %div3A_1 = arith.divsi %iota3A, %div3A : vector<16xi32>
    %sign3A = arith.constant 0 : i32
    %sign3A_2 = vector.broadcast %sign3A : i32 to vector<16xi32>
    %sign3A_3 = arith.cmpi sgt, %iota3A, %sign3A_2 : vector<16xi32>
    %sign3A_4 = arith.extui %sign3A_3 : vector<16xi1> to vector<16xi32>
    %sign3A_5 = arith.constant 0 : i32
    %sign3A_6 = vector.broadcast %sign3A_5 : i32 to vector<16xi32>
    %sign3A_7 = arith.cmpi slt, %iota3A, %sign3A_6 : vector<16xi32>
    %sign3A_8 = arith.extui %sign3A_7 : vector<16xi1> to vector<16xi32>
    %sign3A_9 = arith.subi %sign3A_4, %sign3A_8 : vector<16xi32>
    %sign3A_10 = arith.constant 0 : i32
    %sign3A_11 = arith.cmpi sgt, %jit3A, %sign3A_10 : i32
    %sign3A_12 = arith.extui %sign3A_11 : i1 to i32
    %sign3A_13 = arith.constant 0 : i32
    %sign3A_14 = arith.cmpi slt, %jit3A, %sign3A_13 : i32
    %sign3A_15 = arith.extui %sign3A_14 : i1 to i32
    %sign3A_16 = arith.subi %sign3A_12, %sign3A_15 : i32
    %ne3A = vector.broadcast %sign3A_16 : i32 to vector<16xi32>
    %ne3A_17 = arith.cmpi ne, %sign3A_9, %ne3A : vector<16xi32>
    %rem3A = vector.broadcast %jit3A : i32 to vector<16xi32>
    %rem3A_18 = arith.remsi %iota3A, %rem3A : vector<16xi32>
    %ne3A_19 = arith.constant 0 : i32
    %ne3A_20 = vector.broadcast %ne3A_19 : i32 to vector<16xi32>
    %ne3A_21 = arith.cmpi ne, %rem3A_18, %ne3A_20 : vector<16xi32>
    %and3A = arith.andi %ne3A_17, %ne3A_21 : vector<16xi1>
    %sub3A = arith.constant 1 : i32
    %sub3A_22 = vector.broadcast %sub3A : i32 to vector<16xi32>
    %sub3A_23 = arith.subi %div3A_1, %sub3A_22 : vector<16xi32>
    %select_n3A = arith.select %and3A, %sub3A_23, %div3A_1 : vector<16xi1>, vector<16xi32>
    %mul3A_24 = arith.constant 64 : i32
    %mul3A_25 = vector.broadcast %mul3A_24 : i32 to vector<16xi32>
    %mul3A_26 = arith.muli %select_n3A, %mul3A_25 : vector<16xi32>
    %jit3A_27 = arith.constant 8 : i32
    %eq3A = arith.constant 0 : i32
    %eq3A_28 = arith.cmpi eq, %jit3A_27, %eq3A : i32
    %jit3A_29 = arith.constant 1 : i32
    %select_n3A_30 = arith.select %eq3A_28, %jit3A_29, %jit3A_27 : i32
    %rem3A_31 = vector.broadcast %select_n3A_30 : i32 to vector<16xi32>
    %rem3A_32 = arith.remsi %iota3A, %rem3A_31 : vector<16xi32>
    %ne3A_33 = arith.constant 0 : i32
    %ne3A_34 = vector.broadcast %ne3A_33 : i32 to vector<16xi32>
    %ne3A_35 = arith.cmpi ne, %rem3A_32, %ne3A_34 : vector<16xi32>
    %lt3A = arith.constant 0 : i32
    %lt3A_36 = vector.broadcast %lt3A : i32 to vector<16xi32>
    %lt3A_37 = arith.cmpi slt, %rem3A_32, %lt3A_36 : vector<16xi32>
    %lt3A_38 = arith.constant 0 : i32
    %lt3A_39 = arith.cmpi slt, %select_n3A_30, %lt3A_38 : i32
    %ne3A_40 = vector.broadcast %lt3A_39 : i1 to vector<16xi1>
    %ne3A_41 = vector.broadcast %ne3A_40 : vector<16xi1> to vector<16xi1>
    %ne3A_42 = arith.xori %lt3A_37, %ne3A_41 : vector<16xi1>
    %and3A_43 = arith.andi %ne3A_42, %ne3A_35 : vector<16xi1>
    %add3A_44 = vector.broadcast %select_n3A_30 : i32 to vector<16xi32>
    %add3A_45 = arith.addi %rem3A_32, %add3A_44 : vector<16xi32>
    %select_n3A_46 = arith.select %and3A_43, %add3A_45, %rem3A_32 : vector<16xi1>, vector<16xi32>
    %add3A_47 = arith.addi %mul3A_26, %select_n3A_46 : vector<16xi32>
    %mul3A_48 = arith.constant 1250 : i32
    %mul3A_49 = arith.muli %add3A, %mul3A_48 : i32
    %add3A_50 = arith.constant 0 : i32
    %add3A_51 = arith.addi %mul3A_49, %add3A_50 : i32
    %mul3A_52 = arith.constant 128 : i32
    %mul3A_53 = arith.muli %add3A_51, %mul3A_52 : i32
    %mul3A_54 = arith.constant 128 : i32
    %mul3A_55 = arith.muli %add3A_51, %mul3A_54 : i32
    %mul3A_56 = arith.constant 128 : i32
    %mul3A_57 = arith.muli %add3A_51, %mul3A_56 : i32
    %mul3A_58 = arith.constant 128 : i32
    %mul3A_59 = arith.muli %add3A_51, %mul3A_58 : i32
    %dma_start3A = arith.constant 0 : i32
    %dma_start3A_60 = tpu.memref_slice %arg8[%dma_start3A] : memref<2560xi32, #tpu.memory_space<vmem>> -> memref<640xi32, #tpu.memory_space<vmem>>
    %dma_start3A_61 = tpu.memref_slice %arg3[%mul3A_53] : memref<5120000xi32, #tpu.memory_space<hbm>> -> memref<640xi32, #tpu.memory_space<hbm>>
    %dma_start3A_62 = arith.constant 0 : i32
    %dma_start3A_63 = tpu.memref_slice %arg8[%dma_start3A_62] : memref<2560xi32, #tpu.memory_space<vmem>> -> memref<640xi32, #tpu.memory_space<vmem>>
    %dma_start3A_64 = tpu.memref_slice %arg3[%mul3A_53] : memref<5120000xi32, #tpu.memory_space<hbm>> -> memref<640xi32, #tpu.memory_space<hbm>>
    tpu.enqueue_dma source(%dma_start3A_64 : memref<640xi32, #tpu.memory_space<hbm>>) target(%dma_start3A_63 : memref<640xi32, #tpu.memory_space<vmem>>) target_semaphore(%arg13 : memref<!tpu.dma_semaphore, #tpu.memory_space<semaphore_mem>>)
    %dma_start3A_65 = arith.constant 640 : i32
    %dma_start3A_66 = tpu.memref_slice %arg8[%dma_start3A_65] : memref<2560xi32, #tpu.memory_space<vmem>> -> memref<640xi32, #tpu.memory_space<vmem>>
    %dma_start3A_67 = tpu.memref_slice %arg4[%mul3A_55] : memref<5120000xi32, #tpu.memory_space<hbm>> -> memref<640xi32, #tpu.memory_space<hbm>>
    %dma_start3A_68 = arith.constant 640 : i32
    %dma_start3A_69 = tpu.memref_slice %arg8[%dma_start3A_68] : memref<2560xi32, #tpu.memory_space<vmem>> -> memref<640xi32, #tpu.memory_space<vmem>>
    %dma_start3A_70 = tpu.memref_slice %arg4[%mul3A_55] : memref<5120000xi32, #tpu.memory_space<hbm>> -> memref<640xi32, #tpu.memory_space<hbm>>
    tpu.enqueue_dma source(%dma_start3A_70 : memref<640xi32, #tpu.memory_space<hbm>>) target(%dma_start3A_69 : memref<640xi32, #tpu.memory_space<vmem>>) target_semaphore(%arg13 : memref<!tpu.dma_semaphore, #tpu.memory_space<semaphore_mem>>)
    %dma_start3A_71 = arith.constant 0 : i32
    %dma_start3A_72 = tpu.memref_slice %arg9[%dma_start3A_71] : memref<2560xf32, #tpu.memory_space<vmem>> -> memref<640xf32, #tpu.memory_space<vmem>>
    %dma_start3A_73 = tpu.memref_slice %arg5[%mul3A_57] : memref<5120000xf32, #tpu.memory_space<hbm>> -> memref<640xf32, #tpu.memory_space<hbm>>
    %dma_start3A_74 = arith.constant 0 : i32
    %dma_start3A_75 = tpu.memref_slice %arg9[%dma_start3A_74] : memref<2560xf32, #tpu.memory_space<vmem>> -> memref<640xf32, #tpu.memory_space<vmem>>
    %dma_start3A_76 = tpu.memref_slice %arg5[%mul3A_57] : memref<5120000xf32, #tpu.memory_space<hbm>> -> memref<640xf32, #tpu.memory_space<hbm>>
    tpu.enqueue_dma source(%dma_start3A_76 : memref<640xf32, #tpu.memory_space<hbm>>) target(%dma_start3A_75 : memref<640xf32, #tpu.memory_space<vmem>>) target_semaphore(%arg13 : memref<!tpu.dma_semaphore, #tpu.memory_space<semaphore_mem>>)
    %dma_start3A_77 = arith.constant 640 : i32
    %dma_start3A_78 = tpu.memref_slice %arg9[%dma_start3A_77] : memref<2560xf32, #tpu.memory_space<vmem>> -> memref<640xf32, #tpu.memory_space<vmem>>
    %dma_start3A_79 = tpu.memref_slice %arg6[%mul3A_59] : memref<5120000xf32, #tpu.memory_space<hbm>> -> memref<640xf32, #tpu.memory_space<hbm>>
    %dma_start3A_80 = arith.constant 640 : i32
    %dma_start3A_81 = tpu.memref_slice %arg9[%dma_start3A_80] : memref<2560xf32, #tpu.memory_space<vmem>> -> memref<640xf32, #tpu.memory_space<vmem>>
    %dma_start3A_82 = tpu.memref_slice %arg6[%mul3A_59] : memref<5120000xf32, #tpu.memory_space<hbm>> -> memref<640xf32, #tpu.memory_space<hbm>>
    tpu.enqueue_dma source(%dma_start3A_82 : memref<640xf32, #tpu.memory_space<hbm>>) target(%dma_start3A_81 : memref<640xf32, #tpu.memory_space<vmem>>) target_semaphore(%arg13 : memref<!tpu.dma_semaphore, #tpu.memory_space<semaphore_mem>>)
    %mul3A_83 = arith.constant 1250 : i32
    %mul3A_84 = arith.muli %add3A, %mul3A_83 : i32
    %add3A_85 = arith.constant 0 : i32
    %add3A_86 = arith.addi %mul3A_84, %add3A_85 : i32
    %mul3A_87 = arith.constant 128 : i32
    %mul3A_88 = arith.muli %add3A_86, %mul3A_87 : i32
    %mul3A_89 = arith.constant 128 : i32
    %mul3A_90 = arith.muli %add3A_86, %mul3A_89 : i32
    %mul3A_91 = arith.constant 128 : i32
    %mul3A_92 = arith.muli %add3A_86, %mul3A_91 : i32
    %mul3A_93 = arith.constant 128 : i32
    %mul3A_94 = arith.muli %add3A_86, %mul3A_93 : i32
    %dma_wait3A = arith.constant 0 : i32
    %dma_wait3A_95 = tpu.memref_slice %arg8[%dma_wait3A] : memref<2560xi32, #tpu.memory_space<vmem>> -> memref<640xi32, #tpu.memory_space<vmem>>
    %dma_wait3A_96 = tpu.memref_slice %arg3[%mul3A_88] : memref<5120000xi32, #tpu.memory_space<hbm>> -> memref<640xi32, #tpu.memory_space<hbm>>
    %dma_wait3A_97 = arith.constant 0 : i32
    %dma_wait3A_98 = tpu.memref_slice %arg8[%dma_wait3A_97] : memref<2560xi32, #tpu.memory_space<vmem>> -> memref<640xi32, #tpu.memory_space<vmem>>
    %dma_wait3A_99 = tpu.memref_slice %arg3[%mul3A_88] : memref<5120000xi32, #tpu.memory_space<hbm>> -> memref<640xi32, #tpu.memory_space<hbm>>
    tpu.wait_dma2 semaphore(%arg13 : memref<!tpu.dma_semaphore, #tpu.memory_space<semaphore_mem>>) src(%dma_wait3A_99 : memref<640xi32, #tpu.memory_space<hbm>>) dst(%dma_wait3A_98 : memref<640xi32, #tpu.memory_space<vmem>>)
    %dma_wait3A_100 = arith.constant 640 : i32
    %dma_wait3A_101 = tpu.memref_slice %arg8[%dma_wait3A_100] : memref<2560xi32, #tpu.memory_space<vmem>> -> memref<640xi32, #tpu.memory_space<vmem>>
    %dma_wait3A_102 = tpu.memref_slice %arg4[%mul3A_90] : memref<5120000xi32, #tpu.memory_space<hbm>> -> memref<640xi32, #tpu.memory_space<hbm>>
    %dma_wait3A_103 = arith.constant 640 : i32
    %dma_wait3A_104 = tpu.memref_slice %arg8[%dma_wait3A_103] : memref<2560xi32, #tpu.memory_space<vmem>> -> memref<640xi32, #tpu.memory_space<vmem>>
    %dma_wait3A_105 = tpu.memref_slice %arg4[%mul3A_90] : memref<5120000xi32, #tpu.memory_space<hbm>> -> memref<640xi32, #tpu.memory_space<hbm>>
    tpu.wait_dma2 semaphore(%arg13 : memref<!tpu.dma_semaphore, #tpu.memory_space<semaphore_mem>>) src(%dma_wait3A_105 : memref<640xi32, #tpu.memory_space<hbm>>) dst(%dma_wait3A_104 : memref<640xi32, #tpu.memory_space<vmem>>)
    %dma_wait3A_106 = arith.constant 0 : i32
    %dma_wait3A_107 = tpu.memref_slice %arg9[%dma_wait3A_106] : memref<2560xf32, #tpu.memory_space<vmem>> -> memref<640xf32, #tpu.memory_space<vmem>>
    %dma_wait3A_108 = tpu.memref_slice %arg5[%mul3A_92] : memref<5120000xf32, #tpu.memory_space<hbm>> -> memref<640xf32, #tpu.memory_space<hbm>>
    %dma_wait3A_109 = arith.constant 0 : i32
    %dma_wait3A_110 = tpu.memref_slice %arg9[%dma_wait3A_109] : memref<2560xf32, #tpu.memory_space<vmem>> -> memref<640xf32, #tpu.memory_space<vmem>>
    %dma_wait3A_111 = tpu.memref_slice %arg5[%mul3A_92] : memref<5120000xf32, #tpu.memory_space<hbm>> -> memref<640xf32, #tpu.memory_space<hbm>>
    tpu.wait_dma2 semaphore(%arg13 : memref<!tpu.dma_semaphore, #tpu.memory_space<semaphore_mem>>) src(%dma_wait3A_111 : memref<640xf32, #tpu.memory_space<hbm>>) dst(%dma_wait3A_110 : memref<640xf32, #tpu.memory_space<vmem>>)
    %dma_wait3A_112 = arith.constant 640 : i32
    %dma_wait3A_113 = tpu.memref_slice %arg9[%dma_wait3A_112] : memref<2560xf32, #tpu.memory_space<vmem>> -> memref<640xf32, #tpu.memory_space<vmem>>
    %dma_wait3A_114 = tpu.memref_slice %arg6[%mul3A_94] : memref<5120000xf32, #tpu.memory_space<hbm>> -> memref<640xf32, #tpu.memory_space<hbm>>
    %dma_wait3A_115 = arith.constant 640 : i32
    %dma_wait3A_116 = tpu.memref_slice %arg9[%dma_wait3A_115] : memref<2560xf32, #tpu.memory_space<vmem>> -> memref<640xf32, #tpu.memory_space<vmem>>
    %dma_wait3A_117 = tpu.memref_slice %arg6[%mul3A_94] : memref<5120000xf32, #tpu.memory_space<hbm>> -> memref<640xf32, #tpu.memory_space<hbm>>
    tpu.wait_dma2 semaphore(%arg13 : memref<!tpu.dma_semaphore, #tpu.memory_space<semaphore_mem>>) src(%dma_wait3A_117 : memref<640xf32, #tpu.memory_space<hbm>>) dst(%dma_wait3A_116 : memref<640xf32, #tpu.memory_space<vmem>>)
    %scan3A = arith.constant 0 : i32
    %scan3A_118 = arith.constant 0 : i32
    %scan3A_119 = arith.constant 40 : i32
    %scan3A_120 = arith.addi %scan3A_118, %scan3A_119 : i32
    %scan3A_121 = arith.constant 1 : i32
    %scan3A_122 = scf.for %scan3A_259 = %scan3A_118 to %scan3A_120 step %scan3A_121 iter_args(%scan3A_260 = %scan3A) -> (i32)  : i32 {
      %jit3A_261 = arith.constant 8 : i32
      %div3A_262 = arith.divsi %scan3A_259, %jit3A_261 : i32
      %sign3A_263 = arith.constant 0 : i32
      %sign3A_264 = arith.cmpi sgt, %scan3A_259, %sign3A_263 : i32
      %sign3A_265 = arith.extui %sign3A_264 : i1 to i32
      %sign3A_266 = arith.constant 0 : i32
      %sign3A_267 = arith.cmpi slt, %scan3A_259, %sign3A_266 : i32
      %sign3A_268 = arith.extui %sign3A_267 : i1 to i32
      %sign3A_269 = arith.subi %sign3A_265, %sign3A_268 : i32
      %sign3A_270 = arith.constant 0 : i32
      %sign3A_271 = arith.cmpi sgt, %jit3A_261, %sign3A_270 : i32
      %sign3A_272 = arith.extui %sign3A_271 : i1 to i32
      %sign3A_273 = arith.constant 0 : i32
      %sign3A_274 = arith.cmpi slt, %jit3A_261, %sign3A_273 : i32
      %sign3A_275 = arith.extui %sign3A_274 : i1 to i32
      %sign3A_276 = arith.subi %sign3A_272, %sign3A_275 : i32
      %ne3A_277 = arith.cmpi ne, %sign3A_269, %sign3A_276 : i32
      %rem3A_278 = arith.remsi %scan3A_259, %jit3A_261 : i32
      %ne3A_279 = arith.constant 0 : i32
      %ne3A_280 = arith.cmpi ne, %rem3A_278, %ne3A_279 : i32
      %and3A_281 = arith.andi %ne3A_277, %ne3A_280 : i1
      %sub3A_282 = arith.constant 1 : i32
      %sub3A_283 = arith.subi %div3A_262, %sub3A_282 : i32
      %select_n3A_284 = arith.select %and3A_281, %sub3A_283, %div3A_262 : i32
      %mul3A_285 = arith.constant 128 : i32
      %mul3A_286 = arith.muli %select_n3A_284, %mul3A_285 : i32
      %add3A_287 = arith.constant 0 : i32
      %add3A_288 = arith.addi %add3A_287, %mul3A_286 : i32
      %jit3A_289 = arith.constant 8 : i32
      %eq3A_290 = arith.constant 0 : i32
      %eq3A_291 = arith.cmpi eq, %jit3A_289, %eq3A_290 : i32
      %jit3A_292 = arith.constant 1 : i32
      %select_n3A_293 = arith.select %eq3A_291, %jit3A_292, %jit3A_289 : i32
      %rem3A_294 = arith.remsi %scan3A_259, %select_n3A_293 : i32
      %ne3A_295 = arith.constant 0 : i32
      %ne3A_296 = arith.cmpi ne, %rem3A_294, %ne3A_295 : i32
      %lt3A_297 = arith.constant 0 : i32
      %lt3A_298 = arith.cmpi slt, %rem3A_294, %lt3A_297 : i32
      %lt3A_299 = arith.constant 0 : i32
      %lt3A_300 = arith.cmpi slt, %select_n3A_293, %lt3A_299 : i32
      %ne3A_301 = arith.xori %lt3A_298, %lt3A_300 : i1
      %and3A_302 = arith.andi %ne3A_301, %ne3A_296 : i1
      %add3A_303 = arith.addi %rem3A_294, %select_n3A_293 : i32
      %select_n3A_304 = arith.select %and3A_302, %add3A_303, %rem3A_294 : i32
      %mul3A_305 = arith.constant 8 : i32
      %mul3A_306 = arith.muli %select_n3A_304, %mul3A_305 : i32
      %add3A_307 = arith.addi %add3A_288, %mul3A_306 : i32
      %mul3A_308 = arith.constant 32 : i32
      %mul3A_309 = arith.muli %scan3A_259, %mul3A_308 : i32
      %add3A_310 = arith.constant 0 : i32
      %add3A_311 = arith.addi %add3A_310, %mul3A_309 : i32
      %add3A_312 = vector.broadcast %add3A_307 : i32 to vector<16xi32>
      %add3A_313 = arith.addi %add3A_312, %add3A_47 : vector<16xi32>
      %gather3A = tpu.vector_load_idx %arg8[%add3A_313] : memref<2560xi32, #tpu.memory_space<vmem>>[vector<16xi32>], vector<16xi32>,
      %swap3A = arith.index_cast %add3A_311 : i32 to index
      %swap3A_314 = tpu.vector_load %arg10[%swap3A] {strides = array<i32>} : memref<2560xi32, #tpu.memory_space<vmem>>, vector<16xi32>,
      tpu.vector_store %arg10[%swap3A], %gather3A {strides = array<i32>} : memref<2560xi32, #tpu.memory_space<vmem>>, vector<16xi32>,
      %add3A_315 = arith.constant 640 : i32
      %add3A_316 = arith.addi %add3A_307, %add3A_315 : i32
      %add3A_317 = vector.broadcast %add3A_316 : i32 to vector<16xi32>
      %add3A_318 = arith.addi %add3A_317, %add3A_47 : vector<16xi32>
      %gather3A_319 = tpu.vector_load_idx %arg8[%add3A_318] : memref<2560xi32, #tpu.memory_space<vmem>>[vector<16xi32>], vector<16xi32>,
      %add3A_320 = arith.constant 16 : i32
      %add3A_321 = arith.addi %add3A_311, %add3A_320 : i32
      %swap3A_322 = arith.index_cast %add3A_321 : i32 to index
      %swap3A_323 = tpu.vector_load %arg10[%swap3A_322] {strides = array<i32>} : memref<2560xi32, #tpu.memory_space<vmem>>, vector<16xi32>,
      tpu.vector_store %arg10[%swap3A_322], %gather3A_319 {strides = array<i32>} : memref<2560xi32, #tpu.memory_space<vmem>>, vector<16xi32>,
      %scan3A_324 = arith.constant 0 : i32
      scf.yield %scan3A_324 : i32
    }
    %scan3A_123 = arith.constant 40 : i32
    %dma_start3A_124 = arith.constant 0 : i32
    %dma_start3A_125 = arith.constant 0 : i32
    %dma_start3A_126 = tpu.memref_slice %arg11[%dma_start3A_124, %dma_start3A_125] : memref<2560x32xf32, #tpu.memory_space<vmem>> -> memref<128x32xf32, #tpu.memory_space<vmem>>
    %dma_start3A_127 = arith.constant 0 : i32
    %dma_start3A_128 = tpu.memref_slice %arg10[%dma_start3A_127] : memref<2560xi32, #tpu.memory_space<vmem>> -> memref<128xi32, #tpu.memory_space<vmem>>
    %dma_start3A_129 = arith.constant 0 : i32
    %dma_start3A_130 = arith.constant 0 : i32
    %dma_start3A_131 = tpu.memref_slice %arg2[%dma_start3A_129, %dma_start3A_130] : memref<140800x32xf32, #tpu.memory_space<hbm>> -> memref<140800x32xf32, #tpu.memory_space<hbm>>
    tpu.enqueue_indirect_dma source(%dma_start3A_131 : memref<140800x32xf32, #tpu.memory_space<hbm>>) target(%dma_start3A_126 : memref<128x32xf32, #tpu.memory_space<vmem>>) offsets(%dma_start3A_128 : memref<128xi32, #tpu.memory_space<vmem>>) semaphore(%arg14 : memref<!tpu.dma_semaphore, #tpu.memory_space<semaphore_mem>>)
    %dma_start3A_132 = arith.constant 128 : i32
    %dma_start3A_133 = arith.constant 0 : i32
    %dma_start3A_134 = tpu.memref_slice %arg11[%dma_start3A_132, %dma_start3A_133] : memref<2560x32xf32, #tpu.memory_space<vmem>> -> memref<128x32xf32, #tpu.memory_space<vmem>>
    %dma_start3A_135 = arith.constant 128 : i32
    %dma_start3A_136 = tpu.memref_slice %arg10[%dma_start3A_135] : memref<2560xi32, #tpu.memory_space<vmem>> -> memref<128xi32, #tpu.memory_space<vmem>>
    %dma_start3A_137 = arith.constant 0 : i32
    %dma_start3A_138 = arith.constant 0 : i32
    %dma_start3A_139 = tpu.memref_slice %arg2[%dma_start3A_137, %dma_start3A_138] : memref<140800x32xf32, #tpu.memory_space<hbm>> -> memref<140800x32xf32, #tpu.memory_space<hbm>>
    tpu.enqueue_indirect_dma source(%dma_start3A_139 : memref<140800x32xf32, #tpu.memory_space<hbm>>) target(%dma_start3A_134 : memref<128x32xf32, #tpu.memory_space<vmem>>) offsets(%dma_start3A_136 : memref<128xi32, #tpu.memory_space<vmem>>) semaphore(%arg14 : memref<!tpu.dma_semaphore, #tpu.memory_space<semaphore_mem>>)
    %dma_start3A_140 = arith.constant 256 : i32
    %dma_start3A_141 = arith.constant 0 : i32
    %dma_start3A_142 = tpu.memref_slice %arg11[%dma_start3A_140, %dma_start3A_141] : memref<2560x32xf32, #tpu.memory_space<vmem>> -> memref<128x32xf32, #tpu.memory_space<vmem>>
    %dma_start3A_143 = arith.constant 256 : i32
    %dma_start3A_144 = tpu.memref_slice %arg10[%dma_start3A_143] : memref<2560xi32, #tpu.memory_space<vmem>> -> memref<128xi32, #tpu.memory_space<vmem>>
    %dma_start3A_145 = arith.constant 0 : i32
    %dma_start3A_146 = arith.constant 0 : i32
    %dma_start3A_147 = tpu.memref_slice %arg2[%dma_start3A_145, %dma_start3A_146] : memref<140800x32xf32, #tpu.memory_space<hbm>> -> memref<140800x32xf32, #tpu.memory_space<hbm>>
    tpu.enqueue_indirect_dma source(%dma_start3A_147 : memref<140800x32xf32, #tpu.memory_space<hbm>>) target(%dma_start3A_142 : memref<128x32xf32, #tpu.memory_space<vmem>>) offsets(%dma_start3A_144 : memref<128xi32, #tpu.memory_space<vmem>>) semaphore(%arg14 : memref<!tpu.dma_semaphore, #tpu.memory_space<semaphore_mem>>)
    %dma_start3A_148 = arith.constant 384 : i32
    %dma_start3A_149 = arith.constant 0 : i32
    %dma_start3A_150 = tpu.memref_slice %arg11[%dma_start3A_148, %dma_start3A_149] : memref<2560x32xf32, #tpu.memory_space<vmem>> -> memref<128x32xf32, #tpu.memory_space<vmem>>
    %dma_start3A_151 = arith.constant 384 : i32
    %dma_start3A_152 = tpu.memref_slice %arg10[%dma_start3A_151] : memref<2560xi32, #tpu.memory_space<vmem>> -> memref<128xi32, #tpu.memory_space<vmem>>
    %dma_start3A_153 = arith.constant 0 : i32
    %dma_start3A_154 = arith.constant 0 : i32
    %dma_start3A_155 = tpu.memref_slice %arg2[%dma_start3A_153, %dma_start3A_154] : memref<140800x32xf32, #tpu.memory_space<hbm>> -> memref<140800x32xf32, #tpu.memory_space<hbm>>
    tpu.enqueue_indirect_dma source(%dma_start3A_155 : memref<140800x32xf32, #tpu.memory_space<hbm>>) target(%dma_start3A_150 : memref<128x32xf32, #tpu.memory_space<vmem>>) offsets(%dma_start3A_152 : memref<128xi32, #tpu.memory_space<vmem>>) semaphore(%arg14 : memref<!tpu.dma_semaphore, #tpu.memory_space<semaphore_mem>>)
    %dma_start3A_156 = arith.constant 512 : i32
    %dma_start3A_157 = arith.constant 0 : i32
    %dma_start3A_158 = tpu.memref_slice %arg11[%dma_start3A_156, %dma_start3A_157] : memref<2560x32xf32, #tpu.memory_space<vmem>> -> memref<128x32xf32, #tpu.memory_space<vmem>>
    %dma_start3A_159 = arith.constant 512 : i32
    %dma_start3A_160 = tpu.memref_slice %arg10[%dma_start3A_159] : memref<2560xi32, #tpu.memory_space<vmem>> -> memref<128xi32, #tpu.memory_space<vmem>>
    %dma_start3A_161 = arith.constant 0 : i32
    %dma_start3A_162 = arith.constant 0 : i32
    %dma_start3A_163 = tpu.memref_slice %arg2[%dma_start3A_161, %dma_start3A_162] : memref<140800x32xf32, #tpu.memory_space<hbm>> -> memref<140800x32xf32, #tpu.memory_space<hbm>>
    tpu.enqueue_indirect_dma source(%dma_start3A_163 : memref<140800x32xf32, #tpu.memory_space<hbm>>) target(%dma_start3A_158 : memref<128x32xf32, #tpu.memory_space<vmem>>) offsets(%dma_start3A_160 : memref<128xi32, #tpu.memory_space<vmem>>) semaphore(%arg14 : memref<!tpu.dma_semaphore, #tpu.memory_space<semaphore_mem>>)
    %dma_start3A_164 = arith.constant 640 : i32
    %dma_start3A_165 = arith.constant 0 : i32
    %dma_start3A_166 = tpu.memref_slice %arg11[%dma_start3A_164, %dma_start3A_165] : memref<2560x32xf32, #tpu.memory_space<vmem>> -> memref<128x32xf32, #tpu.memory_space<vmem>>
    %dma_start3A_167 = arith.constant 640 : i32
    %dma_start3A_168 = tpu.memref_slice %arg10[%dma_start3A_167] : memref<2560xi32, #tpu.memory_space<vmem>> -> memref<128xi32, #tpu.memory_space<vmem>>
    %dma_start3A_169 = arith.constant 0 : i32
    %dma_start3A_170 = arith.constant 0 : i32
    %dma_start3A_171 = tpu.memref_slice %arg2[%dma_start3A_169, %dma_start3A_170] : memref<140800x32xf32, #tpu.memory_space<hbm>> -> memref<140800x32xf32, #tpu.memory_space<hbm>>
    tpu.enqueue_indirect_dma source(%dma_start3A_171 : memref<140800x32xf32, #tpu.memory_space<hbm>>) target(%dma_start3A_166 : memref<128x32xf32, #tpu.memory_space<vmem>>) offsets(%dma_start3A_168 : memref<128xi32, #tpu.memory_space<vmem>>) semaphore(%arg14 : memref<!tpu.dma_semaphore, #tpu.memory_space<semaphore_mem>>)
    %dma_start3A_172 = arith.constant 768 : i32
    %dma_start3A_173 = arith.constant 0 : i32
    %dma_start3A_174 = tpu.memref_slice %arg11[%dma_start3A_172, %dma_start3A_173] : memref<2560x32xf32, #tpu.memory_space<vmem>> -> memref<128x32xf32, #tpu.memory_space<vmem>>
    %dma_start3A_175 = arith.constant 768 : i32
    %dma_start3A_176 = tpu.memref_slice %arg10[%dma_start3A_175] : memref<2560xi32, #tpu.memory_space<vmem>> -> memref<128xi32, #tpu.memory_space<vmem>>
    %dma_start3A_177 = arith.constant 0 : i32
    %dma_start3A_178 = arith.constant 0 : i32
    %dma_start3A_179 = tpu.memref_slice %arg2[%dma_start3A_177, %dma_start3A_178] : memref<140800x32xf32, #tpu.memory_space<hbm>> -> memref<140800x32xf32, #tpu.memory_space<hbm>>
    tpu.enqueue_indirect_dma source(%dma_start3A_179 : memref<140800x32xf32, #tpu.memory_space<hbm>>) target(%dma_start3A_174 : memref<128x32xf32, #tpu.memory_space<vmem>>) offsets(%dma_start3A_176 : memref<128xi32, #tpu.memory_space<vmem>>) semaphore(%arg14 : memref<!tpu.dma_semaphore, #tpu.memory_space<semaphore_mem>>)
    %dma_start3A_180 = arith.constant 896 : i32
    %dma_start3A_181 = arith.constant 0 : i32
    %dma_start3A_182 = tpu.memref_slice %arg11[%dma_start3A_180, %dma_start3A_181] : memref<2560x32xf32, #tpu.memory_space<vmem>> -> memref<128x32xf32, #tpu.memory_space<vmem>>
    %dma_start3A_183 = arith.constant 896 : i32
    %dma_start3A_184 = tpu.memref_slice %arg10[%dma_start3A_183] : memref<2560xi32, #tpu.memory_space<vmem>> -> memref<128xi32, #tpu.memory_space<vmem>>
    %dma_start3A_185 = arith.constant 0 : i32
    %dma_start3A_186 = arith.constant 0 : i32
    %dma_start3A_187 = tpu.memref_slice %arg2[%dma_start3A_185, %dma_start3A_186] : memref<140800x32xf32, #tpu.memory_space<hbm>> -> memref<140800x32xf32, #tpu.memory_space<hbm>>
    tpu.enqueue_indirect_dma source(%dma_start3A_187 : memref<140800x32xf32, #tpu.memory_space<hbm>>) target(%dma_start3A_182 : memref<128x32xf32, #tpu.memory_space<vmem>>) offsets(%dma_start3A_184 : memref<128xi32, #tpu.memory_space<vmem>>) semaphore(%arg14 : memref<!tpu.dma_semaphore, #tpu.memory_space<semaphore_mem>>)
    %dma_start3A_188 = arith.constant 1024 : i32
    %dma_start3A_189 = arith.constant 0 : i32
    %dma_start3A_190 = tpu.memref_slice %arg11[%dma_start3A_188, %dma_start3A_189] : memref<2560x32xf32, #tpu.memory_space<vmem>> -> memref<128x32xf32, #tpu.memory_space<vmem>>
    %dma_start3A_191 = arith.constant 1024 : i32
    %dma_start3A_192 = tpu.memref_slice %arg10[%dma_start3A_191] : memref<2560xi32, #tpu.memory_space<vmem>> -> memref<128xi32, #tpu.memory_space<vmem>>
    %dma_start3A_193 = arith.constant 0 : i32
    %dma_start3A_194 = arith.constant 0 : i32
    %dma_start3A_195 = tpu.memref_slice %arg2[%dma_start3A_193, %dma_start3A_194] : memref<140800x32xf32, #tpu.memory_space<hbm>> -> memref<140800x32xf32, #tpu.memory_space<hbm>>
    tpu.enqueue_indirect_dma source(%dma_start3A_195 : memref<140800x32xf32, #tpu.memory_space<hbm>>) target(%dma_start3A_190 : memref<128x32xf32, #tpu.memory_space<vmem>>) offsets(%dma_start3A_192 : memref<128xi32, #tpu.memory_space<vmem>>) semaphore(%arg14 : memref<!tpu.dma_semaphore, #tpu.memory_space<semaphore_mem>>)
    %dma_start3A_196 = arith.constant 1152 : i32
    %dma_start3A_197 = arith.constant 0 : i32
    %dma_start3A_198 = tpu.memref_slice %arg11[%dma_start3A_196, %dma_start3A_197] : memref<2560x32xf32, #tpu.memory_space<vmem>> -> memref<128x32xf32, #tpu.memory_space<vmem>>
    %dma_start3A_199 = arith.constant 1152 : i32
    %dma_start3A_200 = tpu.memref_slice %arg10[%dma_start3A_199] : memref<2560xi32, #tpu.memory_space<vmem>> -> memref<128xi32, #tpu.memory_space<vmem>>
    %dma_start3A_201 = arith.constant 0 : i32
    %dma_start3A_202 = arith.constant 0 : i32
    %dma_start3A_203 = tpu.memref_slice %arg2[%dma_start3A_201, %dma_start3A_202] : memref<140800x32xf32, #tpu.memory_space<hbm>> -> memref<140800x32xf32, #tpu.memory_space<hbm>>
    tpu.enqueue_indirect_dma source(%dma_start3A_203 : memref<140800x32xf32, #tpu.memory_space<hbm>>) target(%dma_start3A_198 : memref<128x32xf32, #tpu.memory_space<vmem>>) offsets(%dma_start3A_200 : memref<128xi32, #tpu.memory_space<vmem>>) semaphore(%arg14 : memref<!tpu.dma_semaphore, #tpu.memory_space<semaphore_mem>>)
    %mul3A_204 = arith.constant 1250 : i32
    %mul3A_205 = arith.muli %add3A, %mul3A_204 : i32
    %add3A_206 = arith.constant 5 : i32
    %add3A_207 = arith.addi %mul3A_205, %add3A_206 : i32
    %mul3A_208 = arith.constant 128 : i32
    %mul3A_209 = arith.muli %add3A_207, %mul3A_208 : i32
    %mul3A_210 = arith.constant 128 : i32
    %mul3A_211 = arith.muli %add3A_207, %mul3A_210 : i32
    %mul3A_212 = arith.constant 128 : i32
    %mul3A_213 = arith.muli %add3A_207, %mul3A_212 : i32
    %mul3A_214 = arith.constant 128 : i32
    %mul3A_215 = arith.muli %add3A_207, %mul3A_214 : i32
    %dma_start3A_216 = arith.constant 1280 : i32
    %dma_start3A_217 = tpu.memref_slice %arg8[%dma_start3A_216] : memref<2560xi32, #tpu.memory_space<vmem>> -> memref<640xi32, #tpu.memory_space<vmem>>
    %dma_start3A_218 = tpu.memref_slice %arg3[%mul3A_209] : memref<5120000xi32, #tpu.memory_space<hbm>> -> memref<640xi32, #tpu.memory_space<hbm>>
    %dma_start3A_219 = arith.constant 1280 : i32
    %dma_start3A_220 = tpu.memref_slice %arg8[%dma_start3A_219] : memref<2560xi32, #tpu.memory_space<vmem>> -> memref<640xi32, #tpu.memory_space<vmem>>
    %dma_start3A_221 = tpu.memref_slice %arg3[%mul3A_209] : memref<5120000xi32, #tpu.memory_space<hbm>> -> memref<640xi32, #tpu.memory_space<hbm>>
    tpu.enqueue_dma source(%dma_start3A_221 : memref<640xi32, #tpu.memory_space<hbm>>) target(%dma_start3A_220 : memref<640xi32, #tpu.memory_space<vmem>>) target_semaphore(%arg13 : memref<!tpu.dma_semaphore, #tpu.memory_space<semaphore_mem>>)
    %dma_start3A_222 = arith.constant 1920 : i32
    %dma_start3A_223 = tpu.memref_slice %arg8[%dma_start3A_222] : memref<2560xi32, #tpu.memory_space<vmem>> -> memref<640xi32, #tpu.memory_space<vmem>>
    %dma_start3A_224 = tpu.memref_slice %arg4[%mul3A_211] : memref<5120000xi32, #tpu.memory_space<hbm>> -> memref<640xi32, #tpu.memory_space<hbm>>
    %dma_start3A_225 = arith.constant 1920 : i32
    %dma_start3A_226 = tpu.memref_slice %arg8[%dma_start3A_225] : memref<2560xi32, #tpu.memory_space<vmem>> -> memref<640xi32, #tpu.memory_space<vmem>>
    %dma_start3A_227 = tpu.memref_slice %arg4[%mul3A_211] : memref<5120000xi32, #tpu.memory_space<hbm>> -> memref<640xi32, #tpu.memory_space<hbm>>
    tpu.enqueue_dma source(%dma_start3A_227 : memref<640xi32, #tpu.memory_space<hbm>>) target(%dma_start3A_226 : memref<640xi32, #tpu.memory_space<vmem>>) target_semaphore(%arg13 : memref<!tpu.dma_semaphore, #tpu.memory_space<semaphore_mem>>)
    %dma_start3A_228 = arith.constant 1280 : i32
    %dma_start3A_229 = tpu.memref_slice %arg9[%dma_start3A_228] : memref<2560xf32, #tpu.memory_space<vmem>> -> memref<640xf32, #tpu.memory_space<vmem>>
    %dma_start3A_230 = tpu.memref_slice %arg5[%mul3A_213] : memref<5120000xf32, #tpu.memory_space<hbm>> -> memref<640xf32, #tpu.memory_space<hbm>>
    %dma_start3A_231 = arith.constant 1280 : i32
    %dma_start3A_232 = tpu.memref_slice %arg9[%dma_start3A_231] : memref<2560xf32, #tpu.memory_space<vmem>> -> memref<640xf32, #tpu.memory_space<vmem>>
    %dma_start3A_233 = tpu.memref_slice %arg5[%mul3A_213] : memref<5120000xf32, #tpu.memory_space<hbm>> -> memref<640xf32, #tpu.memory_space<hbm>>
    tpu.enqueue_dma source(%dma_start3A_233 : memref<640xf32, #tpu.memory_space<hbm>>) target(%dma_start3A_232 : memref<640xf32, #tpu.memory_space<vmem>>) target_semaphore(%arg13 : memref<!tpu.dma_semaphore, #tpu.memory_space<semaphore_mem>>)
    %dma_start3A_234 = arith.constant 1920 : i32
    %dma_start3A_235 = tpu.memref_slice %arg9[%dma_start3A_234] : memref<2560xf32, #tpu.memory_space<vmem>> -> memref<640xf32, #tpu.memory_space<vmem>>
    %dma_start3A_236 = tpu.memref_slice %arg6[%mul3A_215] : memref<5120000xf32, #tpu.memory_space<hbm>> -> memref<640xf32, #tpu.memory_space<hbm>>
    %dma_start3A_237 = arith.constant 1920 : i32
    %dma_start3A_238 = tpu.memref_slice %arg9[%dma_start3A_237] : memref<2560xf32, #tpu.memory_space<vmem>> -> memref<640xf32, #tpu.memory_space<vmem>>
    %dma_start3A_239 = tpu.memref_slice %arg6[%mul3A_215] : memref<5120000xf32, #tpu.memory_space<hbm>> -> memref<640xf32, #tpu.memory_space<hbm>>
    tpu.enqueue_dma source(%dma_start3A_239 : memref<640xf32, #tpu.memory_space<hbm>>) target(%dma_start3A_238 : memref<640xf32, #tpu.memory_space<vmem>>) target_semaphore(%arg13 : memref<!tpu.dma_semaphore, #tpu.memory_space<semaphore_mem>>)
    %scan3A_240 = arith.constant 0 : i32
    %scan3A_241 = arith.constant 0 : i32
    %scan3A_242 = arith.constant 250 : i32
    %scan3A_243 = arith.addi %scan3A_241, %scan3A_242 : i32
    %scan3A_244 = arith.constant 1 : i32
    %scan3A_245 = scf.for %scan3A_259 = %scan3A_241 to %scan3A_243 step %scan3A_244 iter_args(%scan3A_260 = %scan3A_240) -> (i32)  : i32 {
      %jit3A_261 = arith.constant 2 : i32
      %eq3A_262 = arith.constant 0 : i32
      %eq3A_263 = arith.cmpi eq, %jit3A_261, %eq3A_262 : i32
      %jit3A_264 = arith.constant 1 : i32
      %select_n3A_265 = arith.select %eq3A_263, %jit3A_264, %jit3A_261 : i32
      %rem3A_266 = arith.remsi %scan3A_259, %select_n3A_265 : i32
      %ne3A_267 = arith.constant 0 : i32
      %ne3A_268 = arith.cmpi ne, %rem3A_266, %ne3A_267 : i32
      %lt3A_269 = arith.constant 0 : i32
      %lt3A_270 = arith.cmpi slt, %rem3A_266, %lt3A_269 : i32
      %lt3A_271 = arith.constant 0 : i32
      %lt3A_272 = arith.cmpi slt, %select_n3A_265, %lt3A_271 : i32
      %ne3A_273 = arith.xori %lt3A_270, %lt3A_272 : i1
      %and3A_274 = arith.andi %ne3A_273, %ne3A_268 : i1
      %add3A_275 = arith.addi %rem3A_266, %select_n3A_265 : i32
      %select_n3A_276 = arith.select %and3A_274, %add3A_275, %rem3A_266 : i32
      %sub3A_277 = arith.constant 1 : i32
      %sub3A_278 = arith.subi %sub3A_277, %select_n3A_276 : i32
      %add3A_279 = arith.constant 1 : i32
      %add3A_280 = arith.addi %scan3A_259, %add3A_279 : i32
      %lt3A_281 = arith.constant 250 : i32
      %lt3A_282 = arith.cmpi slt, %add3A_280, %lt3A_281 : i32
      %convert_element_type3A = arith.extui %lt3A_282 : i1 to i32
      %cond3A = arith.constant 0 : i32
      %cond3A_283 = arith.cmpi ne, %convert_element_type3A, %cond3A : i32
      scf.if %cond3A_283 {
        %add3A_423 = arith.constant 1 : i32
        %add3A_424 = arith.addi %scan3A_259, %add3A_423 : i32
        %mul3A_425 = arith.constant 1250 : i32
        %mul3A_426 = arith.muli %add3A, %mul3A_425 : i32
        %mul3A_427 = arith.constant 5 : i32
        %mul3A_428 = arith.muli %add3A_424, %mul3A_427 : i32
        %add3A_429 = arith.addi %mul3A_426, %mul3A_428 : i32
        %mul3A_430 = arith.constant 128 : i32
        %mul3A_431 = arith.muli %add3A_429, %mul3A_430 : i32
        %mul3A_432 = arith.constant 1280 : i32
        %mul3A_433 = arith.muli %sub3A_278, %mul3A_432 : i32
        %mul3A_434 = arith.constant 128 : i32
        %mul3A_435 = arith.muli %add3A_429, %mul3A_434 : i32
        %mul3A_436 = arith.constant 1280 : i32
        %mul3A_437 = arith.muli %sub3A_278, %mul3A_436 : i32
        %add3A_438 = arith.constant 640 : i32
        %add3A_439 = arith.addi %mul3A_437, %add3A_438 : i32
        %mul3A_440 = arith.constant 128 : i32
        %mul3A_441 = arith.muli %add3A_429, %mul3A_440 : i32
        %mul3A_442 = arith.constant 1280 : i32
        %mul3A_443 = arith.muli %sub3A_278, %mul3A_442 : i32
        %mul3A_444 = arith.constant 128 : i32
        %mul3A_445 = arith.muli %add3A_429, %mul3A_444 : i32
        %mul3A_446 = arith.constant 1280 : i32
        %mul3A_447 = arith.muli %sub3A_278, %mul3A_446 : i32
        %add3A_448 = arith.constant 640 : i32
        %add3A_449 = arith.addi %mul3A_447, %add3A_448 : i32
        %dma_wait3A_450 = tpu.memref_slice %arg8[%mul3A_433] : memref<2560xi32, #tpu.memory_space<vmem>> -> memref<640xi32, #tpu.memory_space<vmem>>
        %dma_wait3A_451 = tpu.memref_slice %arg3[%mul3A_431] : memref<5120000xi32, #tpu.memory_space<hbm>> -> memref<640xi32, #tpu.memory_space<hbm>>
        %dma_wait3A_452 = tpu.memref_slice %arg8[%mul3A_433] : memref<2560xi32, #tpu.memory_space<vmem>> -> memref<640xi32, #tpu.memory_space<vmem>>
        %dma_wait3A_453 = tpu.memref_slice %arg3[%mul3A_431] : memref<5120000xi32, #tpu.memory_space<hbm>> -> memref<640xi32, #tpu.memory_space<hbm>>
        tpu.wait_dma2 semaphore(%arg13 : memref<!tpu.dma_semaphore, #tpu.memory_space<semaphore_mem>>) src(%dma_wait3A_453 : memref<640xi32, #tpu.memory_space<hbm>>) dst(%dma_wait3A_452 : memref<640xi32, #tpu.memory_space<vmem>>)
        %dma_wait3A_454 = tpu.memref_slice %arg8[%add3A_439] : memref<2560xi32, #tpu.memory_space<vmem>> -> memref<640xi32, #tpu.memory_space<vmem>>
        %dma_wait3A_455 = tpu.memref_slice %arg4[%mul3A_435] : memref<5120000xi32, #tpu.memory_space<hbm>> -> memref<640xi32, #tpu.memory_space<hbm>>
        %dma_wait3A_456 = tpu.memref_slice %arg8[%add3A_439] : memref<2560xi32, #tpu.memory_space<vmem>> -> memref<640xi32, #tpu.memory_space<vmem>>
        %dma_wait3A_457 = tpu.memref_slice %arg4[%mul3A_435] : memref<5120000xi32, #tpu.memory_space<hbm>> -> memref<640xi32, #tpu.memory_space<hbm>>
        tpu.wait_dma2 semaphore(%arg13 : memref<!tpu.dma_semaphore, #tpu.memory_space<semaphore_mem>>) src(%dma_wait3A_457 : memref<640xi32, #tpu.memory_space<hbm>>) dst(%dma_wait3A_456 : memref<640xi32, #tpu.memory_space<vmem>>)
        %dma_wait3A_458 = tpu.memref_slice %arg9[%mul3A_443] : memref<2560xf32, #tpu.memory_space<vmem>> -> memref<640xf32, #tpu.memory_space<vmem>>
        %dma_wait3A_459 = tpu.memref_slice %arg5[%mul3A_441] : memref<5120000xf32, #tpu.memory_space<hbm>> -> memref<640xf32, #tpu.memory_space<hbm>>
        %dma_wait3A_460 = tpu.memref_slice %arg9[%mul3A_443] : memref<2560xf32, #tpu.memory_space<vmem>> -> memref<640xf32, #tpu.memory_space<vmem>>
        %dma_wait3A_461 = tpu.memref_slice %arg5[%mul3A_441] : memref<5120000xf32, #tpu.memory_space<hbm>> -> memref<640xf32, #tpu.memory_space<hbm>>
        tpu.wait_dma2 semaphore(%arg13 : memref<!tpu.dma_semaphore, #tpu.memory_space<semaphore_mem>>) src(%dma_wait3A_461 : memref<640xf32, #tpu.memory_space<hbm>>) dst(%dma_wait3A_460 : memref<640xf32, #tpu.memory_space<vmem>>)
        %dma_wait3A_462 = tpu.memref_slice %arg9[%add3A_449] : memref<2560xf32, #tpu.memory_space<vmem>> -> memref<640xf32, #tpu.memory_space<vmem>>
        %dma_wait3A_463 = tpu.memref_slice %arg6[%mul3A_445] : memref<5120000xf32, #tpu.memory_space<hbm>> -> memref<640xf32, #tpu.memory_space<hbm>>
        %dma_wait3A_464 = tpu.memref_slice %arg9[%add3A_449] : memref<2560xf32, #tpu.memory_space<vmem>> -> memref<640xf32, #tpu.memory_space<vmem>>
        %dma_wait3A_465 = tpu.memref_slice %arg6[%mul3A_445] : memref<5120000xf32, #tpu.memory_space<hbm>> -> memref<640xf32, #tpu.memory_space<hbm>>
        tpu.wait_dma2 semaphore(%arg13 : memref<!tpu.dma_semaphore, #tpu.memory_space<semaphore_mem>>) src(%dma_wait3A_465 : memref<640xf32, #tpu.memory_space<hbm>>) dst(%dma_wait3A_464 : memref<640xf32, #tpu.memory_space<vmem>>)
        %scan3A_466 = arith.constant 0 : i32
        %scan3A_467 = arith.constant 0 : i32
        %scan3A_468 = arith.constant 40 : i32
        %scan3A_469 = arith.addi %scan3A_467, %scan3A_468 : i32
        %scan3A_470 = arith.constant 1 : i32
        %scan3A_471 = scf.for %scan3A_473 = %scan3A_467 to %scan3A_469 step %scan3A_470 iter_args(%scan3A_474 = %scan3A_466) -> (i32)  : i32 {
          %mul3A_475 = arith.constant 1280 : i32
          %mul3A_476 = arith.muli %sub3A_278, %mul3A_475 : i32
          %jit3A_477 = arith.constant 8 : i32
          %div3A_478 = arith.divsi %scan3A_473, %jit3A_477 : i32
          %sign3A_479 = arith.constant 0 : i32
          %sign3A_480 = arith.cmpi sgt, %scan3A_473, %sign3A_479 : i32
          %sign3A_481 = arith.extui %sign3A_480 : i1 to i32
          %sign3A_482 = arith.constant 0 : i32
          %sign3A_483 = arith.cmpi slt, %scan3A_473, %sign3A_482 : i32
          %sign3A_484 = arith.extui %sign3A_483 : i1 to i32
          %sign3A_485 = arith.subi %sign3A_481, %sign3A_484 : i32
          %sign3A_486 = arith.constant 0 : i32
          %sign3A_487 = arith.cmpi sgt, %jit3A_477, %sign3A_486 : i32
          %sign3A_488 = arith.extui %sign3A_487 : i1 to i32
          %sign3A_489 = arith.constant 0 : i32
          %sign3A_490 = arith.cmpi slt, %jit3A_477, %sign3A_489 : i32
          %sign3A_491 = arith.extui %sign3A_490 : i1 to i32
          %sign3A_492 = arith.subi %sign3A_488, %sign3A_491 : i32
          %ne3A_493 = arith.cmpi ne, %sign3A_485, %sign3A_492 : i32
          %rem3A_494 = arith.remsi %scan3A_473, %jit3A_477 : i32
          %ne3A_495 = arith.constant 0 : i32
          %ne3A_496 = arith.cmpi ne, %rem3A_494, %ne3A_495 : i32
          %and3A_497 = arith.andi %ne3A_493, %ne3A_496 : i1
          %sub3A_498 = arith.constant 1 : i32
          %sub3A_499 = arith.subi %div3A_478, %sub3A_498 : i32
          %select_n3A_500 = arith.select %and3A_497, %sub3A_499, %div3A_478 : i32
          %mul3A_501 = arith.constant 128 : i32
          %mul3A_502 = arith.muli %select_n3A_500, %mul3A_501 : i32
          %add3A_503 = arith.addi %mul3A_476, %mul3A_502 : i32
          %jit3A_504 = arith.constant 8 : i32
          %eq3A_505 = arith.constant 0 : i32
          %eq3A_506 = arith.cmpi eq, %jit3A_504, %eq3A_505 : i32
          %jit3A_507 = arith.constant 1 : i32
          %select_n3A_508 = arith.select %eq3A_506, %jit3A_507, %jit3A_504 : i32
          %rem3A_509 = arith.remsi %scan3A_473, %select_n3A_508 : i32
          %ne3A_510 = arith.constant 0 : i32
          %ne3A_511 = arith.cmpi ne, %rem3A_509, %ne3A_510 : i32
          %lt3A_512 = arith.constant 0 : i32
          %lt3A_513 = arith.cmpi slt, %rem3A_509, %lt3A_512 : i32
          %lt3A_514 = arith.constant 0 : i32
          %lt3A_515 = arith.cmpi slt, %select_n3A_508, %lt3A_514 : i32
          %ne3A_516 = arith.xori %lt3A_513, %lt3A_515 : i1
          %and3A_517 = arith.andi %ne3A_516, %ne3A_511 : i1
          %add3A_518 = arith.addi %rem3A_509, %select_n3A_508 : i32
          %select_n3A_519 = arith.select %and3A_517, %add3A_518, %rem3A_509 : i32
          %mul3A_520 = arith.constant 8 : i32
          %mul3A_521 = arith.muli %select_n3A_519, %mul3A_520 : i32
          %add3A_522 = arith.addi %add3A_503, %mul3A_521 : i32
          %mul3A_523 = arith.constant 1280 : i32
          %mul3A_524 = arith.muli %sub3A_278, %mul3A_523 : i32
          %mul3A_525 = arith.constant 32 : i32
          %mul3A_526 = arith.muli %scan3A_473, %mul3A_525 : i32
          %add3A_527 = arith.addi %mul3A_524, %mul3A_526 : i32
          %add3A_528 = vector.broadcast %add3A_522 : i32 to vector<16xi32>
          %add3A_529 = arith.addi %add3A_528, %add3A_47 : vector<16xi32>
          %gather3A = tpu.vector_load_idx %arg8[%add3A_529] : memref<2560xi32, #tpu.memory_space<vmem>>[vector<16xi32>], vector<16xi32>,
          %swap3A = arith.index_cast %add3A_527 : i32 to index
          %swap3A_530 = tpu.vector_load %arg10[%swap3A] {strides = array<i32>} : memref<2560xi32, #tpu.memory_space<vmem>>, vector<16xi32>,
          tpu.vector_store %arg10[%swap3A], %gather3A {strides = array<i32>} : memref<2560xi32, #tpu.memory_space<vmem>>, vector<16xi32>,
          %add3A_531 = arith.constant 640 : i32
          %add3A_532 = arith.addi %add3A_522, %add3A_531 : i32
          %add3A_533 = vector.broadcast %add3A_532 : i32 to vector<16xi32>
          %add3A_534 = arith.addi %add3A_533, %add3A_47 : vector<16xi32>
          %gather3A_535 = tpu.vector_load_idx %arg8[%add3A_534] : memref<2560xi32, #tpu.memory_space<vmem>>[vector<16xi32>], vector<16xi32>,
          %add3A_536 = arith.constant 16 : i32
          %add3A_537 = arith.addi %add3A_527, %add3A_536 : i32
          %swap3A_538 = arith.index_cast %add3A_537 : i32 to index
          %swap3A_539 = tpu.vector_load %arg10[%swap3A_538] {strides = array<i32>} : memref<2560xi32, #tpu.memory_space<vmem>>, vector<16xi32>,
          tpu.vector_store %arg10[%swap3A_538], %gather3A_535 {strides = array<i32>} : memref<2560xi32, #tpu.memory_space<vmem>>, vector<16xi32>,
          %scan3A_540 = arith.constant 0 : i32
          scf.yield %scan3A_540 : i32
        }
        %scan3A_472 = arith.constant 40 : i32
      } else {
      }
      %mul3A_284 = arith.constant 1280 : i32
      %mul3A_285 = arith.muli %select_n3A_276, %mul3A_284 : i32
      %add3A_286 = arith.constant 0 : i32
      %add3A_287 = arith.addi %mul3A_285, %add3A_286 : i32
      %dma_wait3A_288 = arith.constant 0 : i32
      %dma_wait3A_289 = tpu.memref_slice %arg11[%add3A_287, %dma_wait3A_288] : memref<2560x32xf32, #tpu.memory_space<vmem>> -> memref<128x32xf32, #tpu.memory_space<vmem>>
      %dma_wait3A_290 = tpu.memref_slice %arg10[%add3A_287] : memref<2560xi32, #tpu.memory_space<vmem>> -> memref<128xi32, #tpu.memory_space<vmem>>
      %dma_wait3A_291 = arith.constant 0 : i32
      %dma_wait3A_292 = arith.constant 0 : i32
      %dma_wait3A_293 = tpu.memref_slice %arg2[%dma_wait3A_291, %dma_wait3A_292] : memref<140800x32xf32, #tpu.memory_space<hbm>> -> memref<140800x32xf32, #tpu.memory_space<hbm>>
      tpu.wait_indirect_dma semaphore(%arg14 : memref<!tpu.dma_semaphore, #tpu.memory_space<semaphore_mem>>) src(%dma_wait3A_293 : memref<140800x32xf32, #tpu.memory_space<hbm>>) dst(%dma_wait3A_289 : memref<128x32xf32, #tpu.memory_space<vmem>>)
      %mul3A_294 = arith.constant 1280 : i32
      %mul3A_295 = arith.muli %select_n3A_276, %mul3A_294 : i32
      %add3A_296 = arith.constant 128 : i32
      %add3A_297 = arith.addi %mul3A_295, %add3A_296 : i32
      %dma_wait3A_298 = arith.constant 0 : i32
      %dma_wait3A_299 = tpu.memref_slice %arg11[%add3A_297, %dma_wait3A_298] : memref<2560x32xf32, #tpu.memory_space<vmem>> -> memref<128x32xf32, #tpu.memory_space<vmem>>
      %dma_wait3A_300 = tpu.memref_slice %arg10[%add3A_297] : memref<2560xi32, #tpu.memory_space<vmem>> -> memref<128xi32, #tpu.memory_space<vmem>>
      %dma_wait3A_301 = arith.constant 0 : i32
      %dma_wait3A_302 = arith.constant 0 : i32
      %dma_wait3A_303 = tpu.memref_slice %arg2[%dma_wait3A_301, %dma_wait3A_302] : memref<140800x32xf32, #tpu.memory_space<hbm>> -> memref<140800x32xf32, #tpu.memory_space<hbm>>
      tpu.wait_indirect_dma semaphore(%arg14 : memref<!tpu.dma_semaphore, #tpu.memory_space<semaphore_mem>>) src(%dma_wait3A_303 : memref<140800x32xf32, #tpu.memory_space<hbm>>) dst(%dma_wait3A_299 : memref<128x32xf32, #tpu.memory_space<vmem>>)
      %mul3A_304 = arith.constant 1280 : i32
      %mul3A_305 = arith.muli %select_n3A_276, %mul3A_304 : i32
      %add3A_306 = arith.constant 256 : i32
      %add3A_307 = arith.addi %mul3A_305, %add3A_306 : i32
      %dma_wait3A_308 = arith.constant 0 : i32
      %dma_wait3A_309 = tpu.memref_slice %arg11[%add3A_307, %dma_wait3A_308] : memref<2560x32xf32, #tpu.memory_space<vmem>> -> memref<128x32xf32, #tpu.memory_space<vmem>>
      %dma_wait3A_310 = tpu.memref_slice %arg10[%add3A_307] : memref<2560xi32, #tpu.memory_space<vmem>> -> memref<128xi32, #tpu.memory_space<vmem>>
      %dma_wait3A_311 = arith.constant 0 : i32
      %dma_wait3A_312 = arith.constant 0 : i32
      %dma_wait3A_313 = tpu.memref_slice %arg2[%dma_wait3A_311, %dma_wait3A_312] : memref<140800x32xf32, #tpu.memory_space<hbm>> -> memref<140800x32xf32, #tpu.memory_space<hbm>>
      tpu.wait_indirect_dma semaphore(%arg14 : memref<!tpu.dma_semaphore, #tpu.memory_space<semaphore_mem>>) src(%dma_wait3A_313 : memref<140800x32xf32, #tpu.memory_space<hbm>>) dst(%dma_wait3A_309 : memref<128x32xf32, #tpu.memory_space<vmem>>)
      %mul3A_314 = arith.constant 1280 : i32
      %mul3A_315 = arith.muli %select_n3A_276, %mul3A_314 : i32
      %add3A_316 = arith.constant 384 : i32
      %add3A_317 = arith.addi %mul3A_315, %add3A_316 : i32
      %dma_wait3A_318 = arith.constant 0 : i32
      %dma_wait3A_319 = tpu.memref_slice %arg11[%add3A_317, %dma_wait3A_318] : memref<2560x32xf32, #tpu.memory_space<vmem>> -> memref<128x32xf32, #tpu.memory_space<vmem>>
      %dma_wait3A_320 = tpu.memref_slice %arg10[%add3A_317] : memref<2560xi32, #tpu.memory_space<vmem>> -> memref<128xi32, #tpu.memory_space<vmem>>
      %dma_wait3A_321 = arith.constant 0 : i32
      %dma_wait3A_322 = arith.constant 0 : i32
      %dma_wait3A_323 = tpu.memref_slice %arg2[%dma_wait3A_321, %dma_wait3A_322] : memref<140800x32xf32, #tpu.memory_space<hbm>> -> memref<140800x32xf32, #tpu.memory_space<hbm>>
      tpu.wait_indirect_dma semaphore(%arg14 : memref<!tpu.dma_semaphore, #tpu.memory_space<semaphore_mem>>) src(%dma_wait3A_323 : memref<140800x32xf32, #tpu.memory_space<hbm>>) dst(%dma_wait3A_319 : memref<128x32xf32, #tpu.memory_space<vmem>>)
      %mul3A_324 = arith.constant 1280 : i32
      %mul3A_325 = arith.muli %select_n3A_276, %mul3A_324 : i32
      %add3A_326 = arith.constant 512 : i32
      %add3A_327 = arith.addi %mul3A_325, %add3A_326 : i32
      %dma_wait3A_328 = arith.constant 0 : i32
      %dma_wait3A_329 = tpu.memref_slice %arg11[%add3A_327, %dma_wait3A_328] : memref<2560x32xf32, #tpu.memory_space<vmem>> -> memref<128x32xf32, #tpu.memory_space<vmem>>
      %dma_wait3A_330 = tpu.memref_slice %arg10[%add3A_327] : memref<2560xi32, #tpu.memory_space<vmem>> -> memref<128xi32, #tpu.memory_space<vmem>>
      %dma_wait3A_331 = arith.constant 0 : i32
      %dma_wait3A_332 = arith.constant 0 : i32
      %dma_wait3A_333 = tpu.memref_slice %arg2[%dma_wait3A_331, %dma_wait3A_332] : memref<140800x32xf32, #tpu.memory_space<hbm>> -> memref<140800x32xf32, #tpu.memory_space<hbm>>
      tpu.wait_indirect_dma semaphore(%arg14 : memref<!tpu.dma_semaphore, #tpu.memory_space<semaphore_mem>>) src(%dma_wait3A_333 : memref<140800x32xf32, #tpu.memory_space<hbm>>) dst(%dma_wait3A_329 : memref<128x32xf32, #tpu.memory_space<vmem>>)
      %mul3A_334 = arith.constant 1280 : i32
      %mul3A_335 = arith.muli %select_n3A_276, %mul3A_334 : i32
      %add3A_336 = arith.constant 640 : i32
      %add3A_337 = arith.addi %mul3A_335, %add3A_336 : i32
      %dma_wait3A_338 = arith.constant 0 : i32
      %dma_wait3A_339 = tpu.memref_slice %arg11[%add3A_337, %dma_wait3A_338] : memref<2560x32xf32, #tpu.memory_space<vmem>> -> memref<128x32xf32, #tpu.memory_space<vmem>>
      %dma_wait3A_340 = tpu.memref_slice %arg10[%add3A_337] : memref<2560xi32, #tpu.memory_space<vmem>> -> memref<128xi32, #tpu.memory_space<vmem>>
      %dma_wait3A_341 = arith.constant 0 : i32
      %dma_wait3A_342 = arith.constant 0 : i32
      %dma_wait3A_343 = tpu.memref_slice %arg2[%dma_wait3A_341, %dma_wait3A_342] : memref<140800x32xf32, #tpu.memory_space<hbm>> -> memref<140800x32xf32, #tpu.memory_space<hbm>>
      tpu.wait_indirect_dma semaphore(%arg14 : memref<!tpu.dma_semaphore, #tpu.memory_space<semaphore_mem>>) src(%dma_wait3A_343 : memref<140800x32xf32, #tpu.memory_space<hbm>>) dst(%dma_wait3A_339 : memref<128x32xf32, #tpu.memory_space<vmem>>)
      %mul3A_344 = arith.constant 1280 : i32
      %mul3A_345 = arith.muli %select_n3A_276, %mul3A_344 : i32
      %add3A_346 = arith.constant 768 : i32
      %add3A_347 = arith.addi %mul3A_345, %add3A_346 : i32
      %dma_wait3A_348 = arith.constant 0 : i32
      %dma_wait3A_349 = tpu.memref_slice %arg11[%add3A_347, %dma_wait3A_348] : memref<2560x32xf32, #tpu.memory_space<vmem>> -> memref<128x32xf32, #tpu.memory_space<vmem>>
      %dma_wait3A_350 = tpu.memref_slice %arg10[%add3A_347] : memref<2560xi32, #tpu.memory_space<vmem>> -> memref<128xi32, #tpu.memory_space<vmem>>
      %dma_wait3A_351 = arith.constant 0 : i32
      %dma_wait3A_352 = arith.constant 0 : i32
      %dma_wait3A_353 = tpu.memref_slice %arg2[%dma_wait3A_351, %dma_wait3A_352] : memref<140800x32xf32, #tpu.memory_space<hbm>> -> memref<140800x32xf32, #tpu.memory_space<hbm>>
      tpu.wait_indirect_dma semaphore(%arg14 : memref<!tpu.dma_semaphore, #tpu.memory_space<semaphore_mem>>) src(%dma_wait3A_353 : memref<140800x32xf32, #tpu.memory_space<hbm>>) dst(%dma_wait3A_349 : memref<128x32xf32, #tpu.memory_space<vmem>>)
      %mul3A_354 = arith.constant 1280 : i32
      %mul3A_355 = arith.muli %select_n3A_276, %mul3A_354 : i32
      %add3A_356 = arith.constant 896 : i32
      %add3A_357 = arith.addi %mul3A_355, %add3A_356 : i32
      %dma_wait3A_358 = arith.constant 0 : i32
      %dma_wait3A_359 = tpu.memref_slice %arg11[%add3A_357, %dma_wait3A_358] : memref<2560x32xf32, #tpu.memory_space<vmem>> -> memref<128x32xf32, #tpu.memory_space<vmem>>
      %dma_wait3A_360 = tpu.memref_slice %arg10[%add3A_357] : memref<2560xi32, #tpu.memory_space<vmem>> -> memref<128xi32, #tpu.memory_space<vmem>>
      %dma_wait3A_361 = arith.constant 0 : i32
      %dma_wait3A_362 = arith.constant 0 : i32
      %dma_wait3A_363 = tpu.memref_slice %arg2[%dma_wait3A_361, %dma_wait3A_362] : memref<140800x32xf32, #tpu.memory_space<hbm>> -> memref<140800x32xf32, #tpu.memory_space<hbm>>
      tpu.wait_indirect_dma semaphore(%arg14 : memref<!tpu.dma_semaphore, #tpu.memory_space<semaphore_mem>>) src(%dma_wait3A_363 : memref<140800x32xf32, #tpu.memory_space<hbm>>) dst(%dma_wait3A_359 : memref<128x32xf32, #tpu.memory_space<vmem>>)
      %mul3A_364 = arith.constant 1280 : i32
      %mul3A_365 = arith.muli %select_n3A_276, %mul3A_364 : i32
      %add3A_366 = arith.constant 1024 : i32
      %add3A_367 = arith.addi %mul3A_365, %add3A_366 : i32
      %dma_wait3A_368 = arith.constant 0 : i32
      %dma_wait3A_369 = tpu.memref_slice %arg11[%add3A_367, %dma_wait3A_368] : memref<2560x32xf32, #tpu.memory_space<vmem>> -> memref<128x32xf32, #tpu.memory_space<vmem>>
      %dma_wait3A_370 = tpu.memref_slice %arg10[%add3A_367] : memref<2560xi32, #tpu.memory_space<vmem>> -> memref<128xi32, #tpu.memory_space<vmem>>
      %dma_wait3A_371 = arith.constant 0 : i32
      %dma_wait3A_372 = arith.constant 0 : i32
      %dma_wait3A_373 = tpu.memref_slice %arg2[%dma_wait3A_371, %dma_wait3A_372] : memref<140800x32xf32, #tpu.memory_space<hbm>> -> memref<140800x32xf32, #tpu.memory_space<hbm>>
      tpu.wait_indirect_dma semaphore(%arg14 : memref<!tpu.dma_semaphore, #tpu.memory_space<semaphore_mem>>) src(%dma_wait3A_373 : memref<140800x32xf32, #tpu.memory_space<hbm>>) dst(%dma_wait3A_369 : memref<128x32xf32, #tpu.memory_space<vmem>>)
      %mul3A_374 = arith.constant 1280 : i32
      %mul3A_375 = arith.muli %select_n3A_276, %mul3A_374 : i32
      %add3A_376 = arith.constant 1152 : i32
      %add3A_377 = arith.addi %mul3A_375, %add3A_376 : i32
      %dma_wait3A_378 = arith.constant 0 : i32
      %dma_wait3A_379 = tpu.memref_slice %arg11[%add3A_377, %dma_wait3A_378] : memref<2560x32xf32, #tpu.memory_space<vmem>> -> memref<128x32xf32, #tpu.memory_space<vmem>>
      %dma_wait3A_380 = tpu.memref_slice %arg10[%add3A_377] : memref<2560xi32, #tpu.memory_space<vmem>> -> memref<128xi32, #tpu.memory_space<vmem>>
      %dma_wait3A_381 = arith.constant 0 : i32
      %dma_wait3A_382 = arith.constant 0 : i32
      %dma_wait3A_383 = tpu.memref_slice %arg2[%dma_wait3A_381, %dma_wait3A_382] : memref<140800x32xf32, #tpu.memory_space<hbm>> -> memref<140800x32xf32, #tpu.memory_space<hbm>>
      tpu.wait_indirect_dma semaphore(%arg14 : memref<!tpu.dma_semaphore, #tpu.memory_space<semaphore_mem>>) src(%dma_wait3A_383 : memref<140800x32xf32, #tpu.memory_space<hbm>>) dst(%dma_wait3A_379 : memref<128x32xf32, #tpu.memory_space<vmem>>)
      %add3A_384 = arith.constant 1 : i32
      %add3A_385 = arith.addi %scan3A_259, %add3A_384 : i32
      %lt3A_386 = arith.constant 250 : i32
      %lt3A_387 = arith.cmpi slt, %add3A_385, %lt3A_386 : i32
      %convert_element_type3A_388 = arith.extui %lt3A_387 : i1 to i32
      %cond3A_389 = arith.constant 0 : i32
      %cond3A_390 = arith.cmpi ne, %convert_element_type3A_388, %cond3A_389 : i32
      scf.if %cond3A_390 {
        %mul3A_423 = arith.constant 1280 : i32
        %mul3A_424 = arith.muli %sub3A_278, %mul3A_423 : i32
        %add3A_425 = arith.constant 0 : i32
        %add3A_426 = arith.addi %mul3A_424, %add3A_425 : i32
        %dma_start3A_427 = arith.constant 0 : i32
        %dma_start3A_428 = tpu.memref_slice %arg11[%add3A_426, %dma_start3A_427] : memref<2560x32xf32, #tpu.memory_space<vmem>> -> memref<128x32xf32, #tpu.memory_space<vmem>>
        %dma_start3A_429 = tpu.memref_slice %arg10[%add3A_426] : memref<2560xi32, #tpu.memory_space<vmem>> -> memref<128xi32, #tpu.memory_space<vmem>>
        %dma_start3A_430 = arith.constant 0 : i32
        %dma_start3A_431 = arith.constant 0 : i32
        %dma_start3A_432 = tpu.memref_slice %arg2[%dma_start3A_430, %dma_start3A_431] : memref<140800x32xf32, #tpu.memory_space<hbm>> -> memref<140800x32xf32, #tpu.memory_space<hbm>>
        tpu.enqueue_indirect_dma source(%dma_start3A_432 : memref<140800x32xf32, #tpu.memory_space<hbm>>) target(%dma_start3A_428 : memref<128x32xf32, #tpu.memory_space<vmem>>) offsets(%dma_start3A_429 : memref<128xi32, #tpu.memory_space<vmem>>) semaphore(%arg14 : memref<!tpu.dma_semaphore, #tpu.memory_space<semaphore_mem>>)
        %mul3A_433 = arith.constant 1280 : i32
        %mul3A_434 = arith.muli %sub3A_278, %mul3A_433 : i32
        %add3A_435 = arith.constant 128 : i32
        %add3A_436 = arith.addi %mul3A_434, %add3A_435 : i32
        %dma_start3A_437 = arith.constant 0 : i32
        %dma_start3A_438 = tpu.memref_slice %arg11[%add3A_436, %dma_start3A_437] : memref<2560x32xf32, #tpu.memory_space<vmem>> -> memref<128x32xf32, #tpu.memory_space<vmem>>
        %dma_start3A_439 = tpu.memref_slice %arg10[%add3A_436] : memref<2560xi32, #tpu.memory_space<vmem>> -> memref<128xi32, #tpu.memory_space<vmem>>
        %dma_start3A_440 = arith.constant 0 : i32
        %dma_start3A_441 = arith.constant 0 : i32
        %dma_start3A_442 = tpu.memref_slice %arg2[%dma_start3A_440, %dma_start3A_441] : memref<140800x32xf32, #tpu.memory_space<hbm>> -> memref<140800x32xf32, #tpu.memory_space<hbm>>
        tpu.enqueue_indirect_dma source(%dma_start3A_442 : memref<140800x32xf32, #tpu.memory_space<hbm>>) target(%dma_start3A_438 : memref<128x32xf32, #tpu.memory_space<vmem>>) offsets(%dma_start3A_439 : memref<128xi32, #tpu.memory_space<vmem>>) semaphore(%arg14 : memref<!tpu.dma_semaphore, #tpu.memory_space<semaphore_mem>>)
        %mul3A_443 = arith.constant 1280 : i32
        %mul3A_444 = arith.muli %sub3A_278, %mul3A_443 : i32
        %add3A_445 = arith.constant 256 : i32
        %add3A_446 = arith.addi %mul3A_444, %add3A_445 : i32
        %dma_start3A_447 = arith.constant 0 : i32
        %dma_start3A_448 = tpu.memref_slice %arg11[%add3A_446, %dma_start3A_447] : memref<2560x32xf32, #tpu.memory_space<vmem>> -> memref<128x32xf32, #tpu.memory_space<vmem>>
        %dma_start3A_449 = tpu.memref_slice %arg10[%add3A_446] : memref<2560xi32, #tpu.memory_space<vmem>> -> memref<128xi32, #tpu.memory_space<vmem>>
        %dma_start3A_450 = arith.constant 0 : i32
        %dma_start3A_451 = arith.constant 0 : i32
        %dma_start3A_452 = tpu.memref_slice %arg2[%dma_start3A_450, %dma_start3A_451] : memref<140800x32xf32, #tpu.memory_space<hbm>> -> memref<140800x32xf32, #tpu.memory_space<hbm>>
        tpu.enqueue_indirect_dma source(%dma_start3A_452 : memref<140800x32xf32, #tpu.memory_space<hbm>>) target(%dma_start3A_448 : memref<128x32xf32, #tpu.memory_space<vmem>>) offsets(%dma_start3A_449 : memref<128xi32, #tpu.memory_space<vmem>>) semaphore(%arg14 : memref<!tpu.dma_semaphore, #tpu.memory_space<semaphore_mem>>)
        %mul3A_453 = arith.constant 1280 : i32
        %mul3A_454 = arith.muli %sub3A_278, %mul3A_453 : i32
        %add3A_455 = arith.constant 384 : i32
        %add3A_456 = arith.addi %mul3A_454, %add3A_455 : i32
        %dma_start3A_457 = arith.constant 0 : i32
        %dma_start3A_458 = tpu.memref_slice %arg11[%add3A_456, %dma_start3A_457] : memref<2560x32xf32, #tpu.memory_space<vmem>> -> memref<128x32xf32, #tpu.memory_space<vmem>>
        %dma_start3A_459 = tpu.memref_slice %arg10[%add3A_456] : memref<2560xi32, #tpu.memory_space<vmem>> -> memref<128xi32, #tpu.memory_space<vmem>>
        %dma_start3A_460 = arith.constant 0 : i32
        %dma_start3A_461 = arith.constant 0 : i32
        %dma_start3A_462 = tpu.memref_slice %arg2[%dma_start3A_460, %dma_start3A_461] : memref<140800x32xf32, #tpu.memory_space<hbm>> -> memref<140800x32xf32, #tpu.memory_space<hbm>>
        tpu.enqueue_indirect_dma source(%dma_start3A_462 : memref<140800x32xf32, #tpu.memory_space<hbm>>) target(%dma_start3A_458 : memref<128x32xf32, #tpu.memory_space<vmem>>) offsets(%dma_start3A_459 : memref<128xi32, #tpu.memory_space<vmem>>) semaphore(%arg14 : memref<!tpu.dma_semaphore, #tpu.memory_space<semaphore_mem>>)
        %mul3A_463 = arith.constant 1280 : i32
        %mul3A_464 = arith.muli %sub3A_278, %mul3A_463 : i32
        %add3A_465 = arith.constant 512 : i32
        %add3A_466 = arith.addi %mul3A_464, %add3A_465 : i32
        %dma_start3A_467 = arith.constant 0 : i32
        %dma_start3A_468 = tpu.memref_slice %arg11[%add3A_466, %dma_start3A_467] : memref<2560x32xf32, #tpu.memory_space<vmem>> -> memref<128x32xf32, #tpu.memory_space<vmem>>
        %dma_start3A_469 = tpu.memref_slice %arg10[%add3A_466] : memref<2560xi32, #tpu.memory_space<vmem>> -> memref<128xi32, #tpu.memory_space<vmem>>
        %dma_start3A_470 = arith.constant 0 : i32
        %dma_start3A_471 = arith.constant 0 : i32
        %dma_start3A_472 = tpu.memref_slice %arg2[%dma_start3A_470, %dma_start3A_471] : memref<140800x32xf32, #tpu.memory_space<hbm>> -> memref<140800x32xf32, #tpu.memory_space<hbm>>
        tpu.enqueue_indirect_dma source(%dma_start3A_472 : memref<140800x32xf32, #tpu.memory_space<hbm>>) target(%dma_start3A_468 : memref<128x32xf32, #tpu.memory_space<vmem>>) offsets(%dma_start3A_469 : memref<128xi32, #tpu.memory_space<vmem>>) semaphore(%arg14 : memref<!tpu.dma_semaphore, #tpu.memory_space<semaphore_mem>>)
        %mul3A_473 = arith.constant 1280 : i32
        %mul3A_474 = arith.muli %sub3A_278, %mul3A_473 : i32
        %add3A_475 = arith.constant 640 : i32
        %add3A_476 = arith.addi %mul3A_474, %add3A_475 : i32
        %dma_start3A_477 = arith.constant 0 : i32
        %dma_start3A_478 = tpu.memref_slice %arg11[%add3A_476, %dma_start3A_477] : memref<2560x32xf32, #tpu.memory_space<vmem>> -> memref<128x32xf32, #tpu.memory_space<vmem>>
        %dma_start3A_479 = tpu.memref_slice %arg10[%add3A_476] : memref<2560xi32, #tpu.memory_space<vmem>> -> memref<128xi32, #tpu.memory_space<vmem>>
        %dma_start3A_480 = arith.constant 0 : i32
        %dma_start3A_481 = arith.constant 0 : i32
        %dma_start3A_482 = tpu.memref_slice %arg2[%dma_start3A_480, %dma_start3A_481] : memref<140800x32xf32, #tpu.memory_space<hbm>> -> memref<140800x32xf32, #tpu.memory_space<hbm>>
        tpu.enqueue_indirect_dma source(%dma_start3A_482 : memref<140800x32xf32, #tpu.memory_space<hbm>>) target(%dma_start3A_478 : memref<128x32xf32, #tpu.memory_space<vmem>>) offsets(%dma_start3A_479 : memref<128xi32, #tpu.memory_space<vmem>>) semaphore(%arg14 : memref<!tpu.dma_semaphore, #tpu.memory_space<semaphore_mem>>)
        %mul3A_483 = arith.constant 1280 : i32
        %mul3A_484 = arith.muli %sub3A_278, %mul3A_483 : i32
        %add3A_485 = arith.constant 768 : i32
        %add3A_486 = arith.addi %mul3A_484, %add3A_485 : i32
        %dma_start3A_487 = arith.constant 0 : i32
        %dma_start3A_488 = tpu.memref_slice %arg11[%add3A_486, %dma_start3A_487] : memref<2560x32xf32, #tpu.memory_space<vmem>> -> memref<128x32xf32, #tpu.memory_space<vmem>>
        %dma_start3A_489 = tpu.memref_slice %arg10[%add3A_486] : memref<2560xi32, #tpu.memory_space<vmem>> -> memref<128xi32, #tpu.memory_space<vmem>>
        %dma_start3A_490 = arith.constant 0 : i32
        %dma_start3A_491 = arith.constant 0 : i32
        %dma_start3A_492 = tpu.memref_slice %arg2[%dma_start3A_490, %dma_start3A_491] : memref<140800x32xf32, #tpu.memory_space<hbm>> -> memref<140800x32xf32, #tpu.memory_space<hbm>>
        tpu.enqueue_indirect_dma source(%dma_start3A_492 : memref<140800x32xf32, #tpu.memory_space<hbm>>) target(%dma_start3A_488 : memref<128x32xf32, #tpu.memory_space<vmem>>) offsets(%dma_start3A_489 : memref<128xi32, #tpu.memory_space<vmem>>) semaphore(%arg14 : memref<!tpu.dma_semaphore, #tpu.memory_space<semaphore_mem>>)
        %mul3A_493 = arith.constant 1280 : i32
        %mul3A_494 = arith.muli %sub3A_278, %mul3A_493 : i32
        %add3A_495 = arith.constant 896 : i32
        %add3A_496 = arith.addi %mul3A_494, %add3A_495 : i32
        %dma_start3A_497 = arith.constant 0 : i32
        %dma_start3A_498 = tpu.memref_slice %arg11[%add3A_496, %dma_start3A_497] : memref<2560x32xf32, #tpu.memory_space<vmem>> -> memref<128x32xf32, #tpu.memory_space<vmem>>
        %dma_start3A_499 = tpu.memref_slice %arg10[%add3A_496] : memref<2560xi32, #tpu.memory_space<vmem>> -> memref<128xi32, #tpu.memory_space<vmem>>
        %dma_start3A_500 = arith.constant 0 : i32
        %dma_start3A_501 = arith.constant 0 : i32
        %dma_start3A_502 = tpu.memref_slice %arg2[%dma_start3A_500, %dma_start3A_501] : memref<140800x32xf32, #tpu.memory_space<hbm>> -> memref<140800x32xf32, #tpu.memory_space<hbm>>
        tpu.enqueue_indirect_dma source(%dma_start3A_502 : memref<140800x32xf32, #tpu.memory_space<hbm>>) target(%dma_start3A_498 : memref<128x32xf32, #tpu.memory_space<vmem>>) offsets(%dma_start3A_499 : memref<128xi32, #tpu.memory_space<vmem>>) semaphore(%arg14 : memref<!tpu.dma_semaphore, #tpu.memory_space<semaphore_mem>>)
        %mul3A_503 = arith.constant 1280 : i32
        %mul3A_504 = arith.muli %sub3A_278, %mul3A_503 : i32
        %add3A_505 = arith.constant 1024 : i32
        %add3A_506 = arith.addi %mul3A_504, %add3A_505 : i32
        %dma_start3A_507 = arith.constant 0 : i32
        %dma_start3A_508 = tpu.memref_slice %arg11[%add3A_506, %dma_start3A_507] : memref<2560x32xf32, #tpu.memory_space<vmem>> -> memref<128x32xf32, #tpu.memory_space<vmem>>
        %dma_start3A_509 = tpu.memref_slice %arg10[%add3A_506] : memref<2560xi32, #tpu.memory_space<vmem>> -> memref<128xi32, #tpu.memory_space<vmem>>
        %dma_start3A_510 = arith.constant 0 : i32
        %dma_start3A_511 = arith.constant 0 : i32
        %dma_start3A_512 = tpu.memref_slice %arg2[%dma_start3A_510, %dma_start3A_511] : memref<140800x32xf32, #tpu.memory_space<hbm>> -> memref<140800x32xf32, #tpu.memory_space<hbm>>
        tpu.enqueue_indirect_dma source(%dma_start3A_512 : memref<140800x32xf32, #tpu.memory_space<hbm>>) target(%dma_start3A_508 : memref<128x32xf32, #tpu.memory_space<vmem>>) offsets(%dma_start3A_509 : memref<128xi32, #tpu.memory_space<vmem>>) semaphore(%arg14 : memref<!tpu.dma_semaphore, #tpu.memory_space<semaphore_mem>>)
        %mul3A_513 = arith.constant 1280 : i32
        %mul3A_514 = arith.muli %sub3A_278, %mul3A_513 : i32
        %add3A_515 = arith.constant 1152 : i32
        %add3A_516 = arith.addi %mul3A_514, %add3A_515 : i32
        %dma_start3A_517 = arith.constant 0 : i32
        %dma_start3A_518 = tpu.memref_slice %arg11[%add3A_516, %dma_start3A_517] : memref<2560x32xf32, #tpu.memory_space<vmem>> -> memref<128x32xf32, #tpu.memory_space<vmem>>
        %dma_start3A_519 = tpu.memref_slice %arg10[%add3A_516] : memref<2560xi32, #tpu.memory_space<vmem>> -> memref<128xi32, #tpu.memory_space<vmem>>
        %dma_start3A_520 = arith.constant 0 : i32
        %dma_start3A_521 = arith.constant 0 : i32
        %dma_start3A_522 = tpu.memref_slice %arg2[%dma_start3A_520, %dma_start3A_521] : memref<140800x32xf32, #tpu.memory_space<hbm>> -> memref<140800x32xf32, #tpu.memory_space<hbm>>
        tpu.enqueue_indirect_dma source(%dma_start3A_522 : memref<140800x32xf32, #tpu.memory_space<hbm>>) target(%dma_start3A_518 : memref<128x32xf32, #tpu.memory_space<vmem>>) offsets(%dma_start3A_519 : memref<128xi32, #tpu.memory_space<vmem>>) semaphore(%arg14 : memref<!tpu.dma_semaphore, #tpu.memory_space<semaphore_mem>>)
      } else {
      }
      %scan3A_391 = arith.constant 0 : i32
      %scan3A_392 = arith.constant 0 : i32
      %scan3A_393 = arith.constant 40 : i32
      %scan3A_394 = arith.addi %scan3A_392, %scan3A_393 : i32
      %scan3A_395 = arith.constant 1 : i32
      %scan3A_396 = scf.for %scan3A_423 = %scan3A_392 to %scan3A_394 step %scan3A_395 iter_args(%scan3A_424 = %scan3A_391) -> (i32)  : i32 {
        %mul3A_425 = arith.constant 1280 : i32
        %mul3A_426 = arith.muli %select_n3A_276, %mul3A_425 : i32
        %mul3A_427 = arith.constant 32 : i32
        %mul3A_428 = arith.muli %scan3A_423, %mul3A_427 : i32
        %add3A_429 = arith.addi %mul3A_426, %mul3A_428 : i32
        %mul3A_430 = arith.constant 1280 : i32
        %mul3A_431 = arith.muli %select_n3A_276, %mul3A_430 : i32
        %jit3A_432 = arith.constant 8 : i32
        %div3A_433 = arith.divsi %scan3A_423, %jit3A_432 : i32
        %sign3A_434 = arith.constant 0 : i32
        %sign3A_435 = arith.cmpi sgt, %scan3A_423, %sign3A_434 : i32
        %sign3A_436 = arith.extui %sign3A_435 : i1 to i32
        %sign3A_437 = arith.constant 0 : i32
        %sign3A_438 = arith.cmpi slt, %scan3A_423, %sign3A_437 : i32
        %sign3A_439 = arith.extui %sign3A_438 : i1 to i32
        %sign3A_440 = arith.subi %sign3A_436, %sign3A_439 : i32
        %sign3A_441 = arith.constant 0 : i32
        %sign3A_442 = arith.cmpi sgt, %jit3A_432, %sign3A_441 : i32
        %sign3A_443 = arith.extui %sign3A_442 : i1 to i32
        %sign3A_444 = arith.constant 0 : i32
        %sign3A_445 = arith.cmpi slt, %jit3A_432, %sign3A_444 : i32
        %sign3A_446 = arith.extui %sign3A_445 : i1 to i32
        %sign3A_447 = arith.subi %sign3A_443, %sign3A_446 : i32
        %ne3A_448 = arith.cmpi ne, %sign3A_440, %sign3A_447 : i32
        %rem3A_449 = arith.remsi %scan3A_423, %jit3A_432 : i32
        %ne3A_450 = arith.constant 0 : i32
        %ne3A_451 = arith.cmpi ne, %rem3A_449, %ne3A_450 : i32
        %and3A_452 = arith.andi %ne3A_448, %ne3A_451 : i1
        %sub3A_453 = arith.constant 1 : i32
        %sub3A_454 = arith.subi %div3A_433, %sub3A_453 : i32
        %select_n3A_455 = arith.select %and3A_452, %sub3A_454, %div3A_433 : i32
        %mul3A_456 = arith.constant 128 : i32
        %mul3A_457 = arith.muli %select_n3A_455, %mul3A_456 : i32
        %add3A_458 = arith.addi %mul3A_431, %mul3A_457 : i32
        %jit3A_459 = arith.constant 8 : i32
        %eq3A_460 = arith.constant 0 : i32
        %eq3A_461 = arith.cmpi eq, %jit3A_459, %eq3A_460 : i32
        %jit3A_462 = arith.constant 1 : i32
        %select_n3A_463 = arith.select %eq3A_461, %jit3A_462, %jit3A_459 : i32
        %rem3A_464 = arith.remsi %scan3A_423, %select_n3A_463 : i32
        %ne3A_465 = arith.constant 0 : i32
        %ne3A_466 = arith.cmpi ne, %rem3A_464, %ne3A_465 : i32
        %lt3A_467 = arith.constant 0 : i32
        %lt3A_468 = arith.cmpi slt, %rem3A_464, %lt3A_467 : i32
        %lt3A_469 = arith.constant 0 : i32
        %lt3A_470 = arith.cmpi slt, %select_n3A_463, %lt3A_469 : i32
        %ne3A_471 = arith.xori %lt3A_468, %lt3A_470 : i1
        %and3A_472 = arith.andi %ne3A_471, %ne3A_466 : i1
        %add3A_473 = arith.addi %rem3A_464, %select_n3A_463 : i32
        %select_n3A_474 = arith.select %and3A_472, %add3A_473, %rem3A_464 : i32
        %mul3A_475 = arith.constant 8 : i32
        %mul3A_476 = arith.muli %select_n3A_474, %mul3A_475 : i32
        %add3A_477 = arith.addi %add3A_458, %mul3A_476 : i32
        %add3A_478 = vector.broadcast %add3A_477 : i32 to vector<16xi32>
        %add3A_479 = arith.addi %add3A_478, %add3A_47 : vector<16xi32>
        %gather3A = tpu.vector_load_idx %arg9[%add3A_479] : memref<2560xf32, #tpu.memory_space<vmem>>[vector<16xi32>], vector<16xf32>,
        %add3A_480 = arith.constant 640 : i32
        %add3A_481 = arith.addi %add3A_477, %add3A_480 : i32
        %add3A_482 = vector.broadcast %add3A_481 : i32 to vector<16xi32>
        %add3A_483 = arith.addi %add3A_482, %add3A_47 : vector<16xi32>
        %gather3A_484 = tpu.vector_load_idx %arg9[%add3A_483] : memref<2560xf32, #tpu.memory_space<vmem>>[vector<16xi32>], vector<16xf32>,
        %broadcast_in_dim3A = arith.constant 0.000000e+00 : f32
        %broadcast_in_dim3A_485 = vector.broadcast %broadcast_in_dim3A : f32 to vector<16xf32>
        %broadcast_in_dim3A_486 = arith.constant 0 : i32
        %broadcast_in_dim3A_487 = vector.broadcast %broadcast_in_dim3A_486 : i32 to vector<16xi32>
        %lt3A_488 = arith.constant 0 : i32
        %lt3A_489 = vector.broadcast %lt3A_488 : i32 to vector<16xi32>
        %lt3A_490 = arith.cmpi slt, %broadcast_in_dim3A_487, %lt3A_489 : vector<16xi32>
        %add3A_491 = arith.constant 16 : i32
        %add3A_492 = vector.broadcast %add3A_491 : i32 to vector<16xi32>
        %add3A_493 = arith.addi %broadcast_in_dim3A_487, %add3A_492 : vector<16xi32>
        %select_n3A_494 = arith.select %lt3A_490, %add3A_493, %broadcast_in_dim3A_487 : vector<16xi1>, vector<16xi32>
        %broadcast_in_dim3A_495 = vector.shape_cast %select_n3A_494 : vector<16xi32> to vector<16x1xi32>
        %gather3A_496 = vector.shape_cast %broadcast_in_dim3A_495 : vector<16x1xi32> to vector<16xi32>
        %gather3A_497 = tpu.dynamic_gather %gather3A[%gather3A_496] in [0] : vector<16xf32>, vector<16xi32> -> vector<16xf32>
        %add3A_498 = arith.constant 0 : i32
        %add3A_499 = arith.addi %add3A_429, %add3A_498 : i32
        %get3A = arith.index_cast %add3A_499 : i32 to index
        %get3A_500 = arith.constant 0 : index
        %get3A_501 = tpu.vector_load %arg11[%get3A, %get3A_500] {strides = array<i32>} : memref<2560x32xf32, #tpu.memory_space<vmem>>, vector<16xf32>,
        %mul3A_502 = arith.mulf %gather3A_497, %get3A_501 : vector<16xf32>
        %add3A_503 = arith.addf %broadcast_in_dim3A_485, %mul3A_502 : vector<16xf32>
        %add3A_504 = arith.constant 0 : i32
        %add3A_505 = arith.addi %add3A_429, %add3A_504 : i32
        %get3A_506 = arith.index_cast %add3A_505 : i32 to index
        %get3A_507 = arith.constant 16 : index
        %get3A_508 = tpu.vector_load %arg11[%get3A_506, %get3A_507] {strides = array<i32>} : memref<2560x32xf32, #tpu.memory_space<vmem>>, vector<16xf32>,
        %mul3A_509 = arith.mulf %gather3A_497, %get3A_508 : vector<16xf32>
        %add3A_510 = arith.addf %broadcast_in_dim3A_485, %mul3A_509 : vector<16xf32>
        %broadcast_in_dim3A_511 = arith.constant 1 : i32
        %broadcast_in_dim3A_512 = vector.broadcast %broadcast_in_dim3A_511 : i32 to vector<16xi32>
        %lt3A_513 = arith.constant 0 : i32
        %lt3A_514 = vector.broadcast %lt3A_513 : i32 to vector<16xi32>
        %lt3A_515 = arith.cmpi slt, %broadcast_in_dim3A_512, %lt3A_514 : vector<16xi32>
        %add3A_516 = arith.constant 16 : i32
        %add3A_517 = vector.broadcast %add3A_516 : i32 to vector<16xi32>
        %add3A_518 = arith.addi %broadcast_in_dim3A_512, %add3A_517 : vector<16xi32>
        %select_n3A_519 = arith.select %lt3A_515, %add3A_518, %broadcast_in_dim3A_512 : vector<16xi1>, vector<16xi32>
        %broadcast_in_dim3A_520 = vector.shape_cast %select_n3A_519 : vector<16xi32> to vector<16x1xi32>
        %gather3A_521 = vector.shape_cast %broadcast_in_dim3A_520 : vector<16x1xi32> to vector<16xi32>
        %gather3A_522 = tpu.dynamic_gather %gather3A[%gather3A_521] in [0] : vector<16xf32>, vector<16xi32> -> vector<16xf32>
        %add3A_523 = arith.constant 1 : i32
        %add3A_524 = arith.addi %add3A_429, %add3A_523 : i32
        %get3A_525 = arith.index_cast %add3A_524 : i32 to index
        %get3A_526 = arith.constant 0 : index
        %get3A_527 = tpu.vector_load %arg11[%get3A_525, %get3A_526] {strides = array<i32>} : memref<2560x32xf32, #tpu.memory_space<vmem>>, vector<16xf32>,
        %mul3A_528 = arith.mulf %gather3A_522, %get3A_527 : vector<16xf32>
        %add3A_529 = arith.addf %broadcast_in_dim3A_485, %mul3A_528 : vector<16xf32>
        %add3A_530 = arith.constant 1 : i32
        %add3A_531 = arith.addi %add3A_429, %add3A_530 : i32
        %get3A_532 = arith.index_cast %add3A_531 : i32 to index
        %get3A_533 = arith.constant 16 : index
        %get3A_534 = tpu.vector_load %arg11[%get3A_532, %get3A_533] {strides = array<i32>} : memref<2560x32xf32, #tpu.memory_space<vmem>>, vector<16xf32>,
        %mul3A_535 = arith.mulf %gather3A_522, %get3A_534 : vector<16xf32>
        %add3A_536 = arith.addf %broadcast_in_dim3A_485, %mul3A_535 : vector<16xf32>
        %broadcast_in_dim3A_537 = arith.constant 2 : i32
        %broadcast_in_dim3A_538 = vector.broadcast %broadcast_in_dim3A_537 : i32 to vector<16xi32>
        %lt3A_539 = arith.constant 0 : i32
        %lt3A_540 = vector.broadcast %lt3A_539 : i32 to vector<16xi32>
        %lt3A_541 = arith.cmpi slt, %broadcast_in_dim3A_538, %lt3A_540 : vector<16xi32>
        %add3A_542 = arith.constant 16 : i32
        %add3A_543 = vector.broadcast %add3A_542 : i32 to vector<16xi32>
        %add3A_544 = arith.addi %broadcast_in_dim3A_538, %add3A_543 : vector<16xi32>
        %select_n3A_545 = arith.select %lt3A_541, %add3A_544, %broadcast_in_dim3A_538 : vector<16xi1>, vector<16xi32>
        %broadcast_in_dim3A_546 = vector.shape_cast %select_n3A_545 : vector<16xi32> to vector<16x1xi32>
        %gather3A_547 = vector.shape_cast %broadcast_in_dim3A_546 : vector<16x1xi32> to vector<16xi32>
        %gather3A_548 = tpu.dynamic_gather %gather3A[%gather3A_547] in [0] : vector<16xf32>, vector<16xi32> -> vector<16xf32>
        %add3A_549 = arith.constant 2 : i32
        %add3A_550 = arith.addi %add3A_429, %add3A_549 : i32
        %get3A_551 = arith.index_cast %add3A_550 : i32 to index
        %get3A_552 = arith.constant 0 : index
        %get3A_553 = tpu.vector_load %arg11[%get3A_551, %get3A_552] {strides = array<i32>} : memref<2560x32xf32, #tpu.memory_space<vmem>>, vector<16xf32>,
        %mul3A_554 = arith.mulf %gather3A_548, %get3A_553 : vector<16xf32>
        %add3A_555 = arith.addf %broadcast_in_dim3A_485, %mul3A_554 : vector<16xf32>
        %add3A_556 = arith.constant 2 : i32
        %add3A_557 = arith.addi %add3A_429, %add3A_556 : i32
        %get3A_558 = arith.index_cast %add3A_557 : i32 to index
        %get3A_559 = arith.constant 16 : index
        %get3A_560 = tpu.vector_load %arg11[%get3A_558, %get3A_559] {strides = array<i32>} : memref<2560x32xf32, #tpu.memory_space<vmem>>, vector<16xf32>,
        %mul3A_561 = arith.mulf %gather3A_548, %get3A_560 : vector<16xf32>
        %add3A_562 = arith.addf %broadcast_in_dim3A_485, %mul3A_561 : vector<16xf32>
        %broadcast_in_dim3A_563 = arith.constant 3 : i32
        %broadcast_in_dim3A_564 = vector.broadcast %broadcast_in_dim3A_563 : i32 to vector<16xi32>
        %lt3A_565 = arith.constant 0 : i32
        %lt3A_566 = vector.broadcast %lt3A_565 : i32 to vector<16xi32>
        %lt3A_567 = arith.cmpi slt, %broadcast_in_dim3A_564, %lt3A_566 : vector<16xi32>
        %add3A_568 = arith.constant 16 : i32
        %add3A_569 = vector.broadcast %add3A_568 : i32 to vector<16xi32>
        %add3A_570 = arith.addi %broadcast_in_dim3A_564, %add3A_569 : vector<16xi32>
        %select_n3A_571 = arith.select %lt3A_567, %add3A_570, %broadcast_in_dim3A_564 : vector<16xi1>, vector<16xi32>
        %broadcast_in_dim3A_572 = vector.shape_cast %select_n3A_571 : vector<16xi32> to vector<16x1xi32>
        %gather3A_573 = vector.shape_cast %broadcast_in_dim3A_572 : vector<16x1xi32> to vector<16xi32>
        %gather3A_574 = tpu.dynamic_gather %gather3A[%gather3A_573] in [0] : vector<16xf32>, vector<16xi32> -> vector<16xf32>
        %add3A_575 = arith.constant 3 : i32
        %add3A_576 = arith.addi %add3A_429, %add3A_575 : i32
        %get3A_577 = arith.index_cast %add3A_576 : i32 to index
        %get3A_578 = arith.constant 0 : index
        %get3A_579 = tpu.vector_load %arg11[%get3A_577, %get3A_578] {strides = array<i32>} : memref<2560x32xf32, #tpu.memory_space<vmem>>, vector<16xf32>,
        %mul3A_580 = arith.mulf %gather3A_574, %get3A_579 : vector<16xf32>
        %add3A_581 = arith.addf %broadcast_in_dim3A_485, %mul3A_580 : vector<16xf32>
        %add3A_582 = arith.constant 3 : i32
        %add3A_583 = arith.addi %add3A_429, %add3A_582 : i32
        %get3A_584 = arith.index_cast %add3A_583 : i32 to index
        %get3A_585 = arith.constant 16 : index
        %get3A_586 = tpu.vector_load %arg11[%get3A_584, %get3A_585] {strides = array<i32>} : memref<2560x32xf32, #tpu.memory_space<vmem>>, vector<16xf32>,
        %mul3A_587 = arith.mulf %gather3A_574, %get3A_586 : vector<16xf32>
        %add3A_588 = arith.addf %broadcast_in_dim3A_485, %mul3A_587 : vector<16xf32>
        %broadcast_in_dim3A_589 = arith.constant 4 : i32
        %broadcast_in_dim3A_590 = vector.broadcast %broadcast_in_dim3A_589 : i32 to vector<16xi32>
        %lt3A_591 = arith.constant 0 : i32
        %lt3A_592 = vector.broadcast %lt3A_591 : i32 to vector<16xi32>
        %lt3A_593 = arith.cmpi slt, %broadcast_in_dim3A_590, %lt3A_592 : vector<16xi32>
        %add3A_594 = arith.constant 16 : i32
        %add3A_595 = vector.broadcast %add3A_594 : i32 to vector<16xi32>
        %add3A_596 = arith.addi %broadcast_in_dim3A_590, %add3A_595 : vector<16xi32>
        %select_n3A_597 = arith.select %lt3A_593, %add3A_596, %broadcast_in_dim3A_590 : vector<16xi1>, vector<16xi32>
        %broadcast_in_dim3A_598 = vector.shape_cast %select_n3A_597 : vector<16xi32> to vector<16x1xi32>
        %gather3A_599 = vector.shape_cast %broadcast_in_dim3A_598 : vector<16x1xi32> to vector<16xi32>
        %gather3A_600 = tpu.dynamic_gather %gather3A[%gather3A_599] in [0] : vector<16xf32>, vector<16xi32> -> vector<16xf32>
        %add3A_601 = arith.constant 4 : i32
        %add3A_602 = arith.addi %add3A_429, %add3A_601 : i32
        %get3A_603 = arith.index_cast %add3A_602 : i32 to index
        %get3A_604 = arith.constant 0 : index
        %get3A_605 = tpu.vector_load %arg11[%get3A_603, %get3A_604] {strides = array<i32>} : memref<2560x32xf32, #tpu.memory_space<vmem>>, vector<16xf32>,
        %mul3A_606 = arith.mulf %gather3A_600, %get3A_605 : vector<16xf32>
        %add3A_607 = arith.addf %add3A_503, %mul3A_606 : vector<16xf32>
        %add3A_608 = arith.constant 4 : i32
        %add3A_609 = arith.addi %add3A_429, %add3A_608 : i32
        %get3A_610 = arith.index_cast %add3A_609 : i32 to index
        %get3A_611 = arith.constant 16 : index
        %get3A_612 = tpu.vector_load %arg11[%get3A_610, %get3A_611] {strides = array<i32>} : memref<2560x32xf32, #tpu.memory_space<vmem>>, vector<16xf32>,
        %mul3A_613 = arith.mulf %gather3A_600, %get3A_612 : vector<16xf32>
        %add3A_614 = arith.addf %add3A_510, %mul3A_613 : vector<16xf32>
        %broadcast_in_dim3A_615 = arith.constant 5 : i32
        %broadcast_in_dim3A_616 = vector.broadcast %broadcast_in_dim3A_615 : i32 to vector<16xi32>
        %lt3A_617 = arith.constant 0 : i32
        %lt3A_618 = vector.broadcast %lt3A_617 : i32 to vector<16xi32>
        %lt3A_619 = arith.cmpi slt, %broadcast_in_dim3A_616, %lt3A_618 : vector<16xi32>
        %add3A_620 = arith.constant 16 : i32
        %add3A_621 = vector.broadcast %add3A_620 : i32 to vector<16xi32>
        %add3A_622 = arith.addi %broadcast_in_dim3A_616, %add3A_621 : vector<16xi32>
        %select_n3A_623 = arith.select %lt3A_619, %add3A_622, %broadcast_in_dim3A_616 : vector<16xi1>, vector<16xi32>
        %broadcast_in_dim3A_624 = vector.shape_cast %select_n3A_623 : vector<16xi32> to vector<16x1xi32>
        %gather3A_625 = vector.shape_cast %broadcast_in_dim3A_624 : vector<16x1xi32> to vector<16xi32>
        %gather3A_626 = tpu.dynamic_gather %gather3A[%gather3A_625] in [0] : vector<16xf32>, vector<16xi32> -> vector<16xf32>
        %add3A_627 = arith.constant 5 : i32
        %add3A_628 = arith.addi %add3A_429, %add3A_627 : i32
        %get3A_629 = arith.index_cast %add3A_628 : i32 to index
        %get3A_630 = arith.constant 0 : index
        %get3A_631 = tpu.vector_load %arg11[%get3A_629, %get3A_630] {strides = array<i32>} : memref<2560x32xf32, #tpu.memory_space<vmem>>, vector<16xf32>,
        %mul3A_632 = arith.mulf %gather3A_626, %get3A_631 : vector<16xf32>
        %add3A_633 = arith.addf %add3A_529, %mul3A_632 : vector<16xf32>
        %add3A_634 = arith.constant 5 : i32
        %add3A_635 = arith.addi %add3A_429, %add3A_634 : i32
        %get3A_636 = arith.index_cast %add3A_635 : i32 to index
        %get3A_637 = arith.constant 16 : index
        %get3A_638 = tpu.vector_load %arg11[%get3A_636, %get3A_637] {strides = array<i32>} : memref<2560x32xf32, #tpu.memory_space<vmem>>, vector<16xf32>,
        %mul3A_639 = arith.mulf %gather3A_626, %get3A_638 : vector<16xf32>
        %add3A_640 = arith.addf %add3A_536, %mul3A_639 : vector<16xf32>
        %broadcast_in_dim3A_641 = arith.constant 6 : i32
        %broadcast_in_dim3A_642 = vector.broadcast %broadcast_in_dim3A_641 : i32 to vector<16xi32>
        %lt3A_643 = arith.constant 0 : i32
        %lt3A_644 = vector.broadcast %lt3A_643 : i32 to vector<16xi32>
        %lt3A_645 = arith.cmpi slt, %broadcast_in_dim3A_642, %lt3A_644 : vector<16xi32>
        %add3A_646 = arith.constant 16 : i32
        %add3A_647 = vector.broadcast %add3A_646 : i32 to vector<16xi32>
        %add3A_648 = arith.addi %broadcast_in_dim3A_642, %add3A_647 : vector<16xi32>
        %select_n3A_649 = arith.select %lt3A_645, %add3A_648, %broadcast_in_dim3A_642 : vector<16xi1>, vector<16xi32>
        %broadcast_in_dim3A_650 = vector.shape_cast %select_n3A_649 : vector<16xi32> to vector<16x1xi32>
        %gather3A_651 = vector.shape_cast %broadcast_in_dim3A_650 : vector<16x1xi32> to vector<16xi32>
        %gather3A_652 = tpu.dynamic_gather %gather3A[%gather3A_651] in [0] : vector<16xf32>, vector<16xi32> -> vector<16xf32>
        %add3A_653 = arith.constant 6 : i32
        %add3A_654 = arith.addi %add3A_429, %add3A_653 : i32
        %get3A_655 = arith.index_cast %add3A_654 : i32 to index
        %get3A_656 = arith.constant 0 : index
        %get3A_657 = tpu.vector_load %arg11[%get3A_655, %get3A_656] {strides = array<i32>} : memref<2560x32xf32, #tpu.memory_space<vmem>>, vector<16xf32>,
        %mul3A_658 = arith.mulf %gather3A_652, %get3A_657 : vector<16xf32>
        %add3A_659 = arith.addf %add3A_555, %mul3A_658 : vector<16xf32>
        %add3A_660 = arith.constant 6 : i32
        %add3A_661 = arith.addi %add3A_429, %add3A_660 : i32
        %get3A_662 = arith.index_cast %add3A_661 : i32 to index
        %get3A_663 = arith.constant 16 : index
        %get3A_664 = tpu.vector_load %arg11[%get3A_662, %get3A_663] {strides = array<i32>} : memref<2560x32xf32, #tpu.memory_space<vmem>>, vector<16xf32>,
        %mul3A_665 = arith.mulf %gather3A_652, %get3A_664 : vector<16xf32>
        %add3A_666 = arith.addf %add3A_562, %mul3A_665 : vector<16xf32>
        %broadcast_in_dim3A_667 = arith.constant 7 : i32
        %broadcast_in_dim3A_668 = vector.broadcast %broadcast_in_dim3A_667 : i32 to vector<16xi32>
        %lt3A_669 = arith.constant 0 : i32
        %lt3A_670 = vector.broadcast %lt3A_669 : i32 to vector<16xi32>
        %lt3A_671 = arith.cmpi slt, %broadcast_in_dim3A_668, %lt3A_670 : vector<16xi32>
        %add3A_672 = arith.constant 16 : i32
        %add3A_673 = vector.broadcast %add3A_672 : i32 to vector<16xi32>
        %add3A_674 = arith.addi %broadcast_in_dim3A_668, %add3A_673 : vector<16xi32>
        %select_n3A_675 = arith.select %lt3A_671, %add3A_674, %broadcast_in_dim3A_668 : vector<16xi1>, vector<16xi32>
        %broadcast_in_dim3A_676 = vector.shape_cast %select_n3A_675 : vector<16xi32> to vector<16x1xi32>
        %gather3A_677 = vector.shape_cast %broadcast_in_dim3A_676 : vector<16x1xi32> to vector<16xi32>
        %gather3A_678 = tpu.dynamic_gather %gather3A[%gather3A_677] in [0] : vector<16xf32>, vector<16xi32> -> vector<16xf32>
        %add3A_679 = arith.constant 7 : i32
        %add3A_680 = arith.addi %add3A_429, %add3A_679 : i32
        %get3A_681 = arith.index_cast %add3A_680 : i32 to index
        %get3A_682 = arith.constant 0 : index
        %get3A_683 = tpu.vector_load %arg11[%get3A_681, %get3A_682] {strides = array<i32>} : memref<2560x32xf32, #tpu.memory_space<vmem>>, vector<16xf32>,
        %mul3A_684 = arith.mulf %gather3A_678, %get3A_683 : vector<16xf32>
        %add3A_685 = arith.addf %add3A_581, %mul3A_684 : vector<16xf32>
        %add3A_686 = arith.constant 7 : i32
        %add3A_687 = arith.addi %add3A_429, %add3A_686 : i32
        %get3A_688 = arith.index_cast %add3A_687 : i32 to index
        %get3A_689 = arith.constant 16 : index
        %get3A_690 = tpu.vector_load %arg11[%get3A_688, %get3A_689] {strides = array<i32>} : memref<2560x32xf32, #tpu.memory_space<vmem>>, vector<16xf32>,
        %mul3A_691 = arith.mulf %gather3A_678, %get3A_690 : vector<16xf32>
        %add3A_692 = arith.addf %add3A_588, %mul3A_691 : vector<16xf32>
        %broadcast_in_dim3A_693 = arith.constant 8 : i32
        %broadcast_in_dim3A_694 = vector.broadcast %broadcast_in_dim3A_693 : i32 to vector<16xi32>
        %lt3A_695 = arith.constant 0 : i32
        %lt3A_696 = vector.broadcast %lt3A_695 : i32 to vector<16xi32>
        %lt3A_697 = arith.cmpi slt, %broadcast_in_dim3A_694, %lt3A_696 : vector<16xi32>
        %add3A_698 = arith.constant 16 : i32
        %add3A_699 = vector.broadcast %add3A_698 : i32 to vector<16xi32>
        %add3A_700 = arith.addi %broadcast_in_dim3A_694, %add3A_699 : vector<16xi32>
        %select_n3A_701 = arith.select %lt3A_697, %add3A_700, %broadcast_in_dim3A_694 : vector<16xi1>, vector<16xi32>
        %broadcast_in_dim3A_702 = vector.shape_cast %select_n3A_701 : vector<16xi32> to vector<16x1xi32>
        %gather3A_703 = vector.shape_cast %broadcast_in_dim3A_702 : vector<16x1xi32> to vector<16xi32>
        %gather3A_704 = tpu.dynamic_gather %gather3A[%gather3A_703] in [0] : vector<16xf32>, vector<16xi32> -> vector<16xf32>
        %add3A_705 = arith.constant 8 : i32
        %add3A_706 = arith.addi %add3A_429, %add3A_705 : i32
        %get3A_707 = arith.index_cast %add3A_706 : i32 to index
        %get3A_708 = arith.constant 0 : index
        %get3A_709 = tpu.vector_load %arg11[%get3A_707, %get3A_708] {strides = array<i32>} : memref<2560x32xf32, #tpu.memory_space<vmem>>, vector<16xf32>,
        %mul3A_710 = arith.mulf %gather3A_704, %get3A_709 : vector<16xf32>
        %add3A_711 = arith.addf %add3A_607, %mul3A_710 : vector<16xf32>
        %add3A_712 = arith.constant 8 : i32
        %add3A_713 = arith.addi %add3A_429, %add3A_712 : i32
        %get3A_714 = arith.index_cast %add3A_713 : i32 to index
        %get3A_715 = arith.constant 16 : index
        %get3A_716 = tpu.vector_load %arg11[%get3A_714, %get3A_715] {strides = array<i32>} : memref<2560x32xf32, #tpu.memory_space<vmem>>, vector<16xf32>,
        %mul3A_717 = arith.mulf %gather3A_704, %get3A_716 : vector<16xf32>
        %add3A_718 = arith.addf %add3A_614, %mul3A_717 : vector<16xf32>
        %broadcast_in_dim3A_719 = arith.constant 9 : i32
        %broadcast_in_dim3A_720 = vector.broadcast %broadcast_in_dim3A_719 : i32 to vector<16xi32>
        %lt3A_721 = arith.constant 0 : i32
        %lt3A_722 = vector.broadcast %lt3A_721 : i32 to vector<16xi32>
        %lt3A_723 = arith.cmpi slt, %broadcast_in_dim3A_720, %lt3A_722 : vector<16xi32>
        %add3A_724 = arith.constant 16 : i32
        %add3A_725 = vector.broadcast %add3A_724 : i32 to vector<16xi32>
        %add3A_726 = arith.addi %broadcast_in_dim3A_720, %add3A_725 : vector<16xi32>
        %select_n3A_727 = arith.select %lt3A_723, %add3A_726, %broadcast_in_dim3A_720 : vector<16xi1>, vector<16xi32>
        %broadcast_in_dim3A_728 = vector.shape_cast %select_n3A_727 : vector<16xi32> to vector<16x1xi32>
        %gather3A_729 = vector.shape_cast %broadcast_in_dim3A_728 : vector<16x1xi32> to vector<16xi32>
        %gather3A_730 = tpu.dynamic_gather %gather3A[%gather3A_729] in [0] : vector<16xf32>, vector<16xi32> -> vector<16xf32>
        %add3A_731 = arith.constant 9 : i32
        %add3A_732 = arith.addi %add3A_429, %add3A_731 : i32
        %get3A_733 = arith.index_cast %add3A_732 : i32 to index
        %get3A_734 = arith.constant 0 : index
        %get3A_735 = tpu.vector_load %arg11[%get3A_733, %get3A_734] {strides = array<i32>} : memref<2560x32xf32, #tpu.memory_space<vmem>>, vector<16xf32>,
        %mul3A_736 = arith.mulf %gather3A_730, %get3A_735 : vector<16xf32>
        %add3A_737 = arith.addf %add3A_633, %mul3A_736 : vector<16xf32>
        %add3A_738 = arith.constant 9 : i32
        %add3A_739 = arith.addi %add3A_429, %add3A_738 : i32
        %get3A_740 = arith.index_cast %add3A_739 : i32 to index
        %get3A_741 = arith.constant 16 : index
        %get3A_742 = tpu.vector_load %arg11[%get3A_740, %get3A_741] {strides = array<i32>} : memref<2560x32xf32, #tpu.memory_space<vmem>>, vector<16xf32>,
        %mul3A_743 = arith.mulf %gather3A_730, %get3A_742 : vector<16xf32>
        %add3A_744 = arith.addf %add3A_640, %mul3A_743 : vector<16xf32>
        %broadcast_in_dim3A_745 = arith.constant 10 : i32
        %broadcast_in_dim3A_746 = vector.broadcast %broadcast_in_dim3A_745 : i32 to vector<16xi32>
        %lt3A_747 = arith.constant 0 : i32
        %lt3A_748 = vector.broadcast %lt3A_747 : i32 to vector<16xi32>
        %lt3A_749 = arith.cmpi slt, %broadcast_in_dim3A_746, %lt3A_748 : vector<16xi32>
        %add3A_750 = arith.constant 16 : i32
        %add3A_751 = vector.broadcast %add3A_750 : i32 to vector<16xi32>
        %add3A_752 = arith.addi %broadcast_in_dim3A_746, %add3A_751 : vector<16xi32>
        %select_n3A_753 = arith.select %lt3A_749, %add3A_752, %broadcast_in_dim3A_746 : vector<16xi1>, vector<16xi32>
        %broadcast_in_dim3A_754 = vector.shape_cast %select_n3A_753 : vector<16xi32> to vector<16x1xi32>
        %gather3A_755 = vector.shape_cast %broadcast_in_dim3A_754 : vector<16x1xi32> to vector<16xi32>
        %gather3A_756 = tpu.dynamic_gather %gather3A[%gather3A_755] in [0] : vector<16xf32>, vector<16xi32> -> vector<16xf32>
        %add3A_757 = arith.constant 10 : i32
        %add3A_758 = arith.addi %add3A_429, %add3A_757 : i32
        %get3A_759 = arith.index_cast %add3A_758 : i32 to index
        %get3A_760 = arith.constant 0 : index
        %get3A_761 = tpu.vector_load %arg11[%get3A_759, %get3A_760] {strides = array<i32>} : memref<2560x32xf32, #tpu.memory_space<vmem>>, vector<16xf32>,
        %mul3A_762 = arith.mulf %gather3A_756, %get3A_761 : vector<16xf32>
        %add3A_763 = arith.addf %add3A_659, %mul3A_762 : vector<16xf32>
        %add3A_764 = arith.constant 10 : i32
        %add3A_765 = arith.addi %add3A_429, %add3A_764 : i32
        %get3A_766 = arith.index_cast %add3A_765 : i32 to index
        %get3A_767 = arith.constant 16 : index
        %get3A_768 = tpu.vector_load %arg11[%get3A_766, %get3A_767] {strides = array<i32>} : memref<2560x32xf32, #tpu.memory_space<vmem>>, vector<16xf32>,
        %mul3A_769 = arith.mulf %gather3A_756, %get3A_768 : vector<16xf32>
        %add3A_770 = arith.addf %add3A_666, %mul3A_769 : vector<16xf32>
        %broadcast_in_dim3A_771 = arith.constant 11 : i32
        %broadcast_in_dim3A_772 = vector.broadcast %broadcast_in_dim3A_771 : i32 to vector<16xi32>
        %lt3A_773 = arith.constant 0 : i32
        %lt3A_774 = vector.broadcast %lt3A_773 : i32 to vector<16xi32>
        %lt3A_775 = arith.cmpi slt, %broadcast_in_dim3A_772, %lt3A_774 : vector<16xi32>
        %add3A_776 = arith.constant 16 : i32
        %add3A_777 = vector.broadcast %add3A_776 : i32 to vector<16xi32>
        %add3A_778 = arith.addi %broadcast_in_dim3A_772, %add3A_777 : vector<16xi32>
        %select_n3A_779 = arith.select %lt3A_775, %add3A_778, %broadcast_in_dim3A_772 : vector<16xi1>, vector<16xi32>
        %broadcast_in_dim3A_780 = vector.shape_cast %select_n3A_779 : vector<16xi32> to vector<16x1xi32>
        %gather3A_781 = vector.shape_cast %broadcast_in_dim3A_780 : vector<16x1xi32> to vector<16xi32>
        %gather3A_782 = tpu.dynamic_gather %gather3A[%gather3A_781] in [0] : vector<16xf32>, vector<16xi32> -> vector<16xf32>
        %add3A_783 = arith.constant 11 : i32
        %add3A_784 = arith.addi %add3A_429, %add3A_783 : i32
        %get3A_785 = arith.index_cast %add3A_784 : i32 to index
        %get3A_786 = arith.constant 0 : index
        %get3A_787 = tpu.vector_load %arg11[%get3A_785, %get3A_786] {strides = array<i32>} : memref<2560x32xf32, #tpu.memory_space<vmem>>, vector<16xf32>,
        %mul3A_788 = arith.mulf %gather3A_782, %get3A_787 : vector<16xf32>
        %add3A_789 = arith.addf %add3A_685, %mul3A_788 : vector<16xf32>
        %add3A_790 = arith.constant 11 : i32
        %add3A_791 = arith.addi %add3A_429, %add3A_790 : i32
        %get3A_792 = arith.index_cast %add3A_791 : i32 to index
        %get3A_793 = arith.constant 16 : index
        %get3A_794 = tpu.vector_load %arg11[%get3A_792, %get3A_793] {strides = array<i32>} : memref<2560x32xf32, #tpu.memory_space<vmem>>, vector<16xf32>,
        %mul3A_795 = arith.mulf %gather3A_782, %get3A_794 : vector<16xf32>
        %add3A_796 = arith.addf %add3A_692, %mul3A_795 : vector<16xf32>
        %broadcast_in_dim3A_797 = arith.constant 12 : i32
        %broadcast_in_dim3A_798 = vector.broadcast %broadcast_in_dim3A_797 : i32 to vector<16xi32>
        %lt3A_799 = arith.constant 0 : i32
        %lt3A_800 = vector.broadcast %lt3A_799 : i32 to vector<16xi32>
        %lt3A_801 = arith.cmpi slt, %broadcast_in_dim3A_798, %lt3A_800 : vector<16xi32>
        %add3A_802 = arith.constant 16 : i32
        %add3A_803 = vector.broadcast %add3A_802 : i32 to vector<16xi32>
        %add3A_804 = arith.addi %broadcast_in_dim3A_798, %add3A_803 : vector<16xi32>
        %select_n3A_805 = arith.select %lt3A_801, %add3A_804, %broadcast_in_dim3A_798 : vector<16xi1>, vector<16xi32>
        %broadcast_in_dim3A_806 = vector.shape_cast %select_n3A_805 : vector<16xi32> to vector<16x1xi32>
        %gather3A_807 = vector.shape_cast %broadcast_in_dim3A_806 : vector<16x1xi32> to vector<16xi32>
        %gather3A_808 = tpu.dynamic_gather %gather3A[%gather3A_807] in [0] : vector<16xf32>, vector<16xi32> -> vector<16xf32>
        %add3A_809 = arith.constant 12 : i32
        %add3A_810 = arith.addi %add3A_429, %add3A_809 : i32
        %get3A_811 = arith.index_cast %add3A_810 : i32 to index
        %get3A_812 = arith.constant 0 : index
        %get3A_813 = tpu.vector_load %arg11[%get3A_811, %get3A_812] {strides = array<i32>} : memref<2560x32xf32, #tpu.memory_space<vmem>>, vector<16xf32>,
        %mul3A_814 = arith.mulf %gather3A_808, %get3A_813 : vector<16xf32>
        %add3A_815 = arith.addf %add3A_711, %mul3A_814 : vector<16xf32>
        %add3A_816 = arith.constant 12 : i32
        %add3A_817 = arith.addi %add3A_429, %add3A_816 : i32
        %get3A_818 = arith.index_cast %add3A_817 : i32 to index
        %get3A_819 = arith.constant 16 : index
        %get3A_820 = tpu.vector_load %arg11[%get3A_818, %get3A_819] {strides = array<i32>} : memref<2560x32xf32, #tpu.memory_space<vmem>>, vector<16xf32>,
        %mul3A_821 = arith.mulf %gather3A_808, %get3A_820 : vector<16xf32>
        %add3A_822 = arith.addf %add3A_718, %mul3A_821 : vector<16xf32>
        %broadcast_in_dim3A_823 = arith.constant 13 : i32
        %broadcast_in_dim3A_824 = vector.broadcast %broadcast_in_dim3A_823 : i32 to vector<16xi32>
        %lt3A_825 = arith.constant 0 : i32
        %lt3A_826 = vector.broadcast %lt3A_825 : i32 to vector<16xi32>
        %lt3A_827 = arith.cmpi slt, %broadcast_in_dim3A_824, %lt3A_826 : vector<16xi32>
        %add3A_828 = arith.constant 16 : i32
        %add3A_829 = vector.broadcast %add3A_828 : i32 to vector<16xi32>
        %add3A_830 = arith.addi %broadcast_in_dim3A_824, %add3A_829 : vector<16xi32>
        %select_n3A_831 = arith.select %lt3A_827, %add3A_830, %broadcast_in_dim3A_824 : vector<16xi1>, vector<16xi32>
        %broadcast_in_dim3A_832 = vector.shape_cast %select_n3A_831 : vector<16xi32> to vector<16x1xi32>
        %gather3A_833 = vector.shape_cast %broadcast_in_dim3A_832 : vector<16x1xi32> to vector<16xi32>
        %gather3A_834 = tpu.dynamic_gather %gather3A[%gather3A_833] in [0] : vector<16xf32>, vector<16xi32> -> vector<16xf32>
        %add3A_835 = arith.constant 13 : i32
        %add3A_836 = arith.addi %add3A_429, %add3A_835 : i32
        %get3A_837 = arith.index_cast %add3A_836 : i32 to index
        %get3A_838 = arith.constant 0 : index
        %get3A_839 = tpu.vector_load %arg11[%get3A_837, %get3A_838] {strides = array<i32>} : memref<2560x32xf32, #tpu.memory_space<vmem>>, vector<16xf32>,
        %mul3A_840 = arith.mulf %gather3A_834, %get3A_839 : vector<16xf32>
        %add3A_841 = arith.addf %add3A_737, %mul3A_840 : vector<16xf32>
        %add3A_842 = arith.constant 13 : i32
        %add3A_843 = arith.addi %add3A_429, %add3A_842 : i32
        %get3A_844 = arith.index_cast %add3A_843 : i32 to index
        %get3A_845 = arith.constant 16 : index
        %get3A_846 = tpu.vector_load %arg11[%get3A_844, %get3A_845] {strides = array<i32>} : memref<2560x32xf32, #tpu.memory_space<vmem>>, vector<16xf32>,
        %mul3A_847 = arith.mulf %gather3A_834, %get3A_846 : vector<16xf32>
        %add3A_848 = arith.addf %add3A_744, %mul3A_847 : vector<16xf32>
        %broadcast_in_dim3A_849 = arith.constant 14 : i32
        %broadcast_in_dim3A_850 = vector.broadcast %broadcast_in_dim3A_849 : i32 to vector<16xi32>
        %lt3A_851 = arith.constant 0 : i32
        %lt3A_852 = vector.broadcast %lt3A_851 : i32 to vector<16xi32>
        %lt3A_853 = arith.cmpi slt, %broadcast_in_dim3A_850, %lt3A_852 : vector<16xi32>
        %add3A_854 = arith.constant 16 : i32
        %add3A_855 = vector.broadcast %add3A_854 : i32 to vector<16xi32>
        %add3A_856 = arith.addi %broadcast_in_dim3A_850, %add3A_855 : vector<16xi32>
        %select_n3A_857 = arith.select %lt3A_853, %add3A_856, %broadcast_in_dim3A_850 : vector<16xi1>, vector<16xi32>
        %broadcast_in_dim3A_858 = vector.shape_cast %select_n3A_857 : vector<16xi32> to vector<16x1xi32>
        %gather3A_859 = vector.shape_cast %broadcast_in_dim3A_858 : vector<16x1xi32> to vector<16xi32>
        %gather3A_860 = tpu.dynamic_gather %gather3A[%gather3A_859] in [0] : vector<16xf32>, vector<16xi32> -> vector<16xf32>
        %add3A_861 = arith.constant 14 : i32
        %add3A_862 = arith.addi %add3A_429, %add3A_861 : i32
        %get3A_863 = arith.index_cast %add3A_862 : i32 to index
        %get3A_864 = arith.constant 0 : index
        %get3A_865 = tpu.vector_load %arg11[%get3A_863, %get3A_864] {strides = array<i32>} : memref<2560x32xf32, #tpu.memory_space<vmem>>, vector<16xf32>,
        %mul3A_866 = arith.mulf %gather3A_860, %get3A_865 : vector<16xf32>
        %add3A_867 = arith.addf %add3A_763, %mul3A_866 : vector<16xf32>
        %add3A_868 = arith.constant 14 : i32
        %add3A_869 = arith.addi %add3A_429, %add3A_868 : i32
        %get3A_870 = arith.index_cast %add3A_869 : i32 to index
        %get3A_871 = arith.constant 16 : index
        %get3A_872 = tpu.vector_load %arg11[%get3A_870, %get3A_871] {strides = array<i32>} : memref<2560x32xf32, #tpu.memory_space<vmem>>, vector<16xf32>,
        %mul3A_873 = arith.mulf %gather3A_860, %get3A_872 : vector<16xf32>
        %add3A_874 = arith.addf %add3A_770, %mul3A_873 : vector<16xf32>
        %broadcast_in_dim3A_875 = arith.constant 15 : i32
        %broadcast_in_dim3A_876 = vector.broadcast %broadcast_in_dim3A_875 : i32 to vector<16xi32>
        %lt3A_877 = arith.constant 0 : i32
        %lt3A_878 = vector.broadcast %lt3A_877 : i32 to vector<16xi32>
        %lt3A_879 = arith.cmpi slt, %broadcast_in_dim3A_876, %lt3A_878 : vector<16xi32>
        %add3A_880 = arith.constant 16 : i32
        %add3A_881 = vector.broadcast %add3A_880 : i32 to vector<16xi32>
        %add3A_882 = arith.addi %broadcast_in_dim3A_876, %add3A_881 : vector<16xi32>
        %select_n3A_883 = arith.select %lt3A_879, %add3A_882, %broadcast_in_dim3A_876 : vector<16xi1>, vector<16xi32>
        %broadcast_in_dim3A_884 = vector.shape_cast %select_n3A_883 : vector<16xi32> to vector<16x1xi32>
        %gather3A_885 = vector.shape_cast %broadcast_in_dim3A_884 : vector<16x1xi32> to vector<16xi32>
        %gather3A_886 = tpu.dynamic_gather %gather3A[%gather3A_885] in [0] : vector<16xf32>, vector<16xi32> -> vector<16xf32>
        %add3A_887 = arith.constant 15 : i32
        %add3A_888 = arith.addi %add3A_429, %add3A_887 : i32
        %get3A_889 = arith.index_cast %add3A_888 : i32 to index
        %get3A_890 = arith.constant 0 : index
        %get3A_891 = tpu.vector_load %arg11[%get3A_889, %get3A_890] {strides = array<i32>} : memref<2560x32xf32, #tpu.memory_space<vmem>>, vector<16xf32>,
        %mul3A_892 = arith.mulf %gather3A_886, %get3A_891 : vector<16xf32>
        %add3A_893 = arith.addf %add3A_789, %mul3A_892 : vector<16xf32>
        %add3A_894 = arith.constant 15 : i32
        %add3A_895 = arith.addi %add3A_429, %add3A_894 : i32
        %get3A_896 = arith.index_cast %add3A_895 : i32 to index
        %get3A_897 = arith.constant 16 : index
        %get3A_898 = tpu.vector_load %arg11[%get3A_896, %get3A_897] {strides = array<i32>} : memref<2560x32xf32, #tpu.memory_space<vmem>>, vector<16xf32>,
        %mul3A_899 = arith.mulf %gather3A_886, %get3A_898 : vector<16xf32>
        %add3A_900 = arith.addf %add3A_796, %mul3A_899 : vector<16xf32>
        %broadcast_in_dim3A_901 = arith.constant 0 : i32
        %broadcast_in_dim3A_902 = vector.broadcast %broadcast_in_dim3A_901 : i32 to vector<16xi32>
        %lt3A_903 = arith.constant 0 : i32
        %lt3A_904 = vector.broadcast %lt3A_903 : i32 to vector<16xi32>
        %lt3A_905 = arith.cmpi slt, %broadcast_in_dim3A_902, %lt3A_904 : vector<16xi32>
        %add3A_906 = arith.constant 16 : i32
        %add3A_907 = vector.broadcast %add3A_906 : i32 to vector<16xi32>
        %add3A_908 = arith.addi %broadcast_in_dim3A_902, %add3A_907 : vector<16xi32>
        %select_n3A_909 = arith.select %lt3A_905, %add3A_908, %broadcast_in_dim3A_902 : vector<16xi1>, vector<16xi32>
        %broadcast_in_dim3A_910 = vector.shape_cast %select_n3A_909 : vector<16xi32> to vector<16x1xi32>
        %gather3A_911 = vector.shape_cast %broadcast_in_dim3A_910 : vector<16x1xi32> to vector<16xi32>
        %gather3A_912 = tpu.dynamic_gather %gather3A_484[%gather3A_911] in [0] : vector<16xf32>, vector<16xi32> -> vector<16xf32>
        %add3A_913 = arith.constant 16 : i32
        %add3A_914 = arith.addi %add3A_429, %add3A_913 : i32
        %get3A_915 = arith.index_cast %add3A_914 : i32 to index
        %get3A_916 = arith.constant 0 : index
        %get3A_917 = tpu.vector_load %arg11[%get3A_915, %get3A_916] {strides = array<i32>} : memref<2560x32xf32, #tpu.memory_space<vmem>>, vector<16xf32>,
        %mul3A_918 = arith.mulf %gather3A_912, %get3A_917 : vector<16xf32>
        %add3A_919 = arith.addf %add3A_815, %mul3A_918 : vector<16xf32>
        %add3A_920 = arith.constant 16 : i32
        %add3A_921 = arith.addi %add3A_429, %add3A_920 : i32
        %get3A_922 = arith.index_cast %add3A_921 : i32 to index
        %get3A_923 = arith.constant 16 : index
        %get3A_924 = tpu.vector_load %arg11[%get3A_922, %get3A_923] {strides = array<i32>} : memref<2560x32xf32, #tpu.memory_space<vmem>>, vector<16xf32>,
        %mul3A_925 = arith.mulf %gather3A_912, %get3A_924 : vector<16xf32>
        %add3A_926 = arith.addf %add3A_822, %mul3A_925 : vector<16xf32>
        %broadcast_in_dim3A_927 = arith.constant 1 : i32
        %broadcast_in_dim3A_928 = vector.broadcast %broadcast_in_dim3A_927 : i32 to vector<16xi32>
        %lt3A_929 = arith.constant 0 : i32
        %lt3A_930 = vector.broadcast %lt3A_929 : i32 to vector<16xi32>
        %lt3A_931 = arith.cmpi slt, %broadcast_in_dim3A_928, %lt3A_930 : vector<16xi32>
        %add3A_932 = arith.constant 16 : i32
        %add3A_933 = vector.broadcast %add3A_932 : i32 to vector<16xi32>
        %add3A_934 = arith.addi %broadcast_in_dim3A_928, %add3A_933 : vector<16xi32>
        %select_n3A_935 = arith.select %lt3A_931, %add3A_934, %broadcast_in_dim3A_928 : vector<16xi1>, vector<16xi32>
        %broadcast_in_dim3A_936 = vector.shape_cast %select_n3A_935 : vector<16xi32> to vector<16x1xi32>
        %gather3A_937 = vector.shape_cast %broadcast_in_dim3A_936 : vector<16x1xi32> to vector<16xi32>
        %gather3A_938 = tpu.dynamic_gather %gather3A_484[%gather3A_937] in [0] : vector<16xf32>, vector<16xi32> -> vector<16xf32>
        %add3A_939 = arith.constant 17 : i32
        %add3A_940 = arith.addi %add3A_429, %add3A_939 : i32
        %get3A_941 = arith.index_cast %add3A_940 : i32 to index
        %get3A_942 = arith.constant 0 : index
        %get3A_943 = tpu.vector_load %arg11[%get3A_941, %get3A_942] {strides = array<i32>} : memref<2560x32xf32, #tpu.memory_space<vmem>>, vector<16xf32>,
        %mul3A_944 = arith.mulf %gather3A_938, %get3A_943 : vector<16xf32>
        %add3A_945 = arith.addf %add3A_841, %mul3A_944 : vector<16xf32>
        %add3A_946 = arith.constant 17 : i32
        %add3A_947 = arith.addi %add3A_429, %add3A_946 : i32
        %get3A_948 = arith.index_cast %add3A_947 : i32 to index
        %get3A_949 = arith.constant 16 : index
        %get3A_950 = tpu.vector_load %arg11[%get3A_948, %get3A_949] {strides = array<i32>} : memref<2560x32xf32, #tpu.memory_space<vmem>>, vector<16xf32>,
        %mul3A_951 = arith.mulf %gather3A_938, %get3A_950 : vector<16xf32>
        %add3A_952 = arith.addf %add3A_848, %mul3A_951 : vector<16xf32>
        %broadcast_in_dim3A_953 = arith.constant 2 : i32
        %broadcast_in_dim3A_954 = vector.broadcast %broadcast_in_dim3A_953 : i32 to vector<16xi32>
        %lt3A_955 = arith.constant 0 : i32
        %lt3A_956 = vector.broadcast %lt3A_955 : i32 to vector<16xi32>
        %lt3A_957 = arith.cmpi slt, %broadcast_in_dim3A_954, %lt3A_956 : vector<16xi32>
        %add3A_958 = arith.constant 16 : i32
        %add3A_959 = vector.broadcast %add3A_958 : i32 to vector<16xi32>
        %add3A_960 = arith.addi %broadcast_in_dim3A_954, %add3A_959 : vector<16xi32>
        %select_n3A_961 = arith.select %lt3A_957, %add3A_960, %broadcast_in_dim3A_954 : vector<16xi1>, vector<16xi32>
        %broadcast_in_dim3A_962 = vector.shape_cast %select_n3A_961 : vector<16xi32> to vector<16x1xi32>
        %gather3A_963 = vector.shape_cast %broadcast_in_dim3A_962 : vector<16x1xi32> to vector<16xi32>
        %gather3A_964 = tpu.dynamic_gather %gather3A_484[%gather3A_963] in [0] : vector<16xf32>, vector<16xi32> -> vector<16xf32>
        %add3A_965 = arith.constant 18 : i32
        %add3A_966 = arith.addi %add3A_429, %add3A_965 : i32
        %get3A_967 = arith.index_cast %add3A_966 : i32 to index
        %get3A_968 = arith.constant 0 : index
        %get3A_969 = tpu.vector_load %arg11[%get3A_967, %get3A_968] {strides = array<i32>} : memref<2560x32xf32, #tpu.memory_space<vmem>>, vector<16xf32>,
        %mul3A_970 = arith.mulf %gather3A_964, %get3A_969 : vector<16xf32>
        %add3A_971 = arith.addf %add3A_867, %mul3A_970 : vector<16xf32>
        %add3A_972 = arith.constant 18 : i32
        %add3A_973 = arith.addi %add3A_429, %add3A_972 : i32
        %get3A_974 = arith.index_cast %add3A_973 : i32 to index
        %get3A_975 = arith.constant 16 : index
        %get3A_976 = tpu.vector_load %arg11[%get3A_974, %get3A_975] {strides = array<i32>} : memref<2560x32xf32, #tpu.memory_space<vmem>>, vector<16xf32>,
        %mul3A_977 = arith.mulf %gather3A_964, %get3A_976 : vector<16xf32>
        %add3A_978 = arith.addf %add3A_874, %mul3A_977 : vector<16xf32>
        %broadcast_in_dim3A_979 = arith.constant 3 : i32
        %broadcast_in_dim3A_980 = vector.broadcast %broadcast_in_dim3A_979 : i32 to vector<16xi32>
        %lt3A_981 = arith.constant 0 : i32
        %lt3A_982 = vector.broadcast %lt3A_981 : i32 to vector<16xi32>
        %lt3A_983 = arith.cmpi slt, %broadcast_in_dim3A_980, %lt3A_982 : vector<16xi32>
        %add3A_984 = arith.constant 16 : i32
        %add3A_985 = vector.broadcast %add3A_984 : i32 to vector<16xi32>
        %add3A_986 = arith.addi %broadcast_in_dim3A_980, %add3A_985 : vector<16xi32>
        %select_n3A_987 = arith.select %lt3A_983, %add3A_986, %broadcast_in_dim3A_980 : vector<16xi1>, vector<16xi32>
        %broadcast_in_dim3A_988 = vector.shape_cast %select_n3A_987 : vector<16xi32> to vector<16x1xi32>
        %gather3A_989 = vector.shape_cast %broadcast_in_dim3A_988 : vector<16x1xi32> to vector<16xi32>
        %gather3A_990 = tpu.dynamic_gather %gather3A_484[%gather3A_989] in [0] : vector<16xf32>, vector<16xi32> -> vector<16xf32>
        %add3A_991 = arith.constant 19 : i32
        %add3A_992 = arith.addi %add3A_429, %add3A_991 : i32
        %get3A_993 = arith.index_cast %add3A_992 : i32 to index
        %get3A_994 = arith.constant 0 : index
        %get3A_995 = tpu.vector_load %arg11[%get3A_993, %get3A_994] {strides = array<i32>} : memref<2560x32xf32, #tpu.memory_space<vmem>>, vector<16xf32>,
        %mul3A_996 = arith.mulf %gather3A_990, %get3A_995 : vector<16xf32>
        %add3A_997 = arith.addf %add3A_893, %mul3A_996 : vector<16xf32>
        %add3A_998 = arith.constant 19 : i32
        %add3A_999 = arith.addi %add3A_429, %add3A_998 : i32
        %get3A_1000 = arith.index_cast %add3A_999 : i32 to index
        %get3A_1001 = arith.constant 16 : index
        %get3A_1002 = tpu.vector_load %arg11[%get3A_1000, %get3A_1001] {strides = array<i32>} : memref<2560x32xf32, #tpu.memory_space<vmem>>, vector<16xf32>,
        %mul3A_1003 = arith.mulf %gather3A_990, %get3A_1002 : vector<16xf32>
        %add3A_1004 = arith.addf %add3A_900, %mul3A_1003 : vector<16xf32>
        %broadcast_in_dim3A_1005 = arith.constant 4 : i32
        %broadcast_in_dim3A_1006 = vector.broadcast %broadcast_in_dim3A_1005 : i32 to vector<16xi32>
        %lt3A_1007 = arith.constant 0 : i32
        %lt3A_1008 = vector.broadcast %lt3A_1007 : i32 to vector<16xi32>
        %lt3A_1009 = arith.cmpi slt, %broadcast_in_dim3A_1006, %lt3A_1008 : vector<16xi32>
        %add3A_1010 = arith.constant 16 : i32
        %add3A_1011 = vector.broadcast %add3A_1010 : i32 to vector<16xi32>
        %add3A_1012 = arith.addi %broadcast_in_dim3A_1006, %add3A_1011 : vector<16xi32>
        %select_n3A_1013 = arith.select %lt3A_1009, %add3A_1012, %broadcast_in_dim3A_1006 : vector<16xi1>, vector<16xi32>
        %broadcast_in_dim3A_1014 = vector.shape_cast %select_n3A_1013 : vector<16xi32> to vector<16x1xi32>
        %gather3A_1015 = vector.shape_cast %broadcast_in_dim3A_1014 : vector<16x1xi32> to vector<16xi32>
        %gather3A_1016 = tpu.dynamic_gather %gather3A_484[%gather3A_1015] in [0] : vector<16xf32>, vector<16xi32> -> vector<16xf32>
        %add3A_1017 = arith.constant 20 : i32
        %add3A_1018 = arith.addi %add3A_429, %add3A_1017 : i32
        %get3A_1019 = arith.index_cast %add3A_1018 : i32 to index
        %get3A_1020 = arith.constant 0 : index
        %get3A_1021 = tpu.vector_load %arg11[%get3A_1019, %get3A_1020] {strides = array<i32>} : memref<2560x32xf32, #tpu.memory_space<vmem>>, vector<16xf32>,
        %mul3A_1022 = arith.mulf %gather3A_1016, %get3A_1021 : vector<16xf32>
        %add3A_1023 = arith.addf %add3A_919, %mul3A_1022 : vector<16xf32>
        %add3A_1024 = arith.constant 20 : i32
        %add3A_1025 = arith.addi %add3A_429, %add3A_1024 : i32
        %get3A_1026 = arith.index_cast %add3A_1025 : i32 to index
        %get3A_1027 = arith.constant 16 : index
        %get3A_1028 = tpu.vector_load %arg11[%get3A_1026, %get3A_1027] {strides = array<i32>} : memref<2560x32xf32, #tpu.memory_space<vmem>>, vector<16xf32>,
        %mul3A_1029 = arith.mulf %gather3A_1016, %get3A_1028 : vector<16xf32>
        %add3A_1030 = arith.addf %add3A_926, %mul3A_1029 : vector<16xf32>
        %broadcast_in_dim3A_1031 = arith.constant 5 : i32
        %broadcast_in_dim3A_1032 = vector.broadcast %broadcast_in_dim3A_1031 : i32 to vector<16xi32>
        %lt3A_1033 = arith.constant 0 : i32
        %lt3A_1034 = vector.broadcast %lt3A_1033 : i32 to vector<16xi32>
        %lt3A_1035 = arith.cmpi slt, %broadcast_in_dim3A_1032, %lt3A_1034 : vector<16xi32>
        %add3A_1036 = arith.constant 16 : i32
        %add3A_1037 = vector.broadcast %add3A_1036 : i32 to vector<16xi32>
        %add3A_1038 = arith.addi %broadcast_in_dim3A_1032, %add3A_1037 : vector<16xi32>
        %select_n3A_1039 = arith.select %lt3A_1035, %add3A_1038, %broadcast_in_dim3A_1032 : vector<16xi1>, vector<16xi32>
        %broadcast_in_dim3A_1040 = vector.shape_cast %select_n3A_1039 : vector<16xi32> to vector<16x1xi32>
        %gather3A_1041 = vector.shape_cast %broadcast_in_dim3A_1040 : vector<16x1xi32> to vector<16xi32>
        %gather3A_1042 = tpu.dynamic_gather %gather3A_484[%gather3A_1041] in [0] : vector<16xf32>, vector<16xi32> -> vector<16xf32>
        %add3A_1043 = arith.constant 21 : i32
        %add3A_1044 = arith.addi %add3A_429, %add3A_1043 : i32
        %get3A_1045 = arith.index_cast %add3A_1044 : i32 to index
        %get3A_1046 = arith.constant 0 : index
        %get3A_1047 = tpu.vector_load %arg11[%get3A_1045, %get3A_1046] {strides = array<i32>} : memref<2560x32xf32, #tpu.memory_space<vmem>>, vector<16xf32>,
        %mul3A_1048 = arith.mulf %gather3A_1042, %get3A_1047 : vector<16xf32>
        %add3A_1049 = arith.addf %add3A_945, %mul3A_1048 : vector<16xf32>
        %add3A_1050 = arith.constant 21 : i32
        %add3A_1051 = arith.addi %add3A_429, %add3A_1050 : i32
        %get3A_1052 = arith.index_cast %add3A_1051 : i32 to index
        %get3A_1053 = arith.constant 16 : index
        %get3A_1054 = tpu.vector_load %arg11[%get3A_1052, %get3A_1053] {strides = array<i32>} : memref<2560x32xf32, #tpu.memory_space<vmem>>, vector<16xf32>,
        %mul3A_1055 = arith.mulf %gather3A_1042, %get3A_1054 : vector<16xf32>
        %add3A_1056 = arith.addf %add3A_952, %mul3A_1055 : vector<16xf32>
        %broadcast_in_dim3A_1057 = arith.constant 6 : i32
        %broadcast_in_dim3A_1058 = vector.broadcast %broadcast_in_dim3A_1057 : i32 to vector<16xi32>
        %lt3A_1059 = arith.constant 0 : i32
        %lt3A_1060 = vector.broadcast %lt3A_1059 : i32 to vector<16xi32>
        %lt3A_1061 = arith.cmpi slt, %broadcast_in_dim3A_1058, %lt3A_1060 : vector<16xi32>
        %add3A_1062 = arith.constant 16 : i32
        %add3A_1063 = vector.broadcast %add3A_1062 : i32 to vector<16xi32>
        %add3A_1064 = arith.addi %broadcast_in_dim3A_1058, %add3A_1063 : vector<16xi32>
        %select_n3A_1065 = arith.select %lt3A_1061, %add3A_1064, %broadcast_in_dim3A_1058 : vector<16xi1>, vector<16xi32>
        %broadcast_in_dim3A_1066 = vector.shape_cast %select_n3A_1065 : vector<16xi32> to vector<16x1xi32>
        %gather3A_1067 = vector.shape_cast %broadcast_in_dim3A_1066 : vector<16x1xi32> to vector<16xi32>
        %gather3A_1068 = tpu.dynamic_gather %gather3A_484[%gather3A_1067] in [0] : vector<16xf32>, vector<16xi32> -> vector<16xf32>
        %add3A_1069 = arith.constant 22 : i32
        %add3A_1070 = arith.addi %add3A_429, %add3A_1069 : i32
        %get3A_1071 = arith.index_cast %add3A_1070 : i32 to index
        %get3A_1072 = arith.constant 0 : index
        %get3A_1073 = tpu.vector_load %arg11[%get3A_1071, %get3A_1072] {strides = array<i32>} : memref<2560x32xf32, #tpu.memory_space<vmem>>, vector<16xf32>,
        %mul3A_1074 = arith.mulf %gather3A_1068, %get3A_1073 : vector<16xf32>
        %add3A_1075 = arith.addf %add3A_971, %mul3A_1074 : vector<16xf32>
        %add3A_1076 = arith.constant 22 : i32
        %add3A_1077 = arith.addi %add3A_429, %add3A_1076 : i32
        %get3A_1078 = arith.index_cast %add3A_1077 : i32 to index
        %get3A_1079 = arith.constant 16 : index
        %get3A_1080 = tpu.vector_load %arg11[%get3A_1078, %get3A_1079] {strides = array<i32>} : memref<2560x32xf32, #tpu.memory_space<vmem>>, vector<16xf32>,
        %mul3A_1081 = arith.mulf %gather3A_1068, %get3A_1080 : vector<16xf32>
        %add3A_1082 = arith.addf %add3A_978, %mul3A_1081 : vector<16xf32>
        %broadcast_in_dim3A_1083 = arith.constant 7 : i32
        %broadcast_in_dim3A_1084 = vector.broadcast %broadcast_in_dim3A_1083 : i32 to vector<16xi32>
        %lt3A_1085 = arith.constant 0 : i32
        %lt3A_1086 = vector.broadcast %lt3A_1085 : i32 to vector<16xi32>
        %lt3A_1087 = arith.cmpi slt, %broadcast_in_dim3A_1084, %lt3A_1086 : vector<16xi32>
        %add3A_1088 = arith.constant 16 : i32
        %add3A_1089 = vector.broadcast %add3A_1088 : i32 to vector<16xi32>
        %add3A_1090 = arith.addi %broadcast_in_dim3A_1084, %add3A_1089 : vector<16xi32>
        %select_n3A_1091 = arith.select %lt3A_1087, %add3A_1090, %broadcast_in_dim3A_1084 : vector<16xi1>, vector<16xi32>
        %broadcast_in_dim3A_1092 = vector.shape_cast %select_n3A_1091 : vector<16xi32> to vector<16x1xi32>
        %gather3A_1093 = vector.shape_cast %broadcast_in_dim3A_1092 : vector<16x1xi32> to vector<16xi32>
        %gather3A_1094 = tpu.dynamic_gather %gather3A_484[%gather3A_1093] in [0] : vector<16xf32>, vector<16xi32> -> vector<16xf32>
        %add3A_1095 = arith.constant 23 : i32
        %add3A_1096 = arith.addi %add3A_429, %add3A_1095 : i32
        %get3A_1097 = arith.index_cast %add3A_1096 : i32 to index
        %get3A_1098 = arith.constant 0 : index
        %get3A_1099 = tpu.vector_load %arg11[%get3A_1097, %get3A_1098] {strides = array<i32>} : memref<2560x32xf32, #tpu.memory_space<vmem>>, vector<16xf32>,
        %mul3A_1100 = arith.mulf %gather3A_1094, %get3A_1099 : vector<16xf32>
        %add3A_1101 = arith.addf %add3A_997, %mul3A_1100 : vector<16xf32>
        %add3A_1102 = arith.constant 23 : i32
        %add3A_1103 = arith.addi %add3A_429, %add3A_1102 : i32
        %get3A_1104 = arith.index_cast %add3A_1103 : i32 to index
        %get3A_1105 = arith.constant 16 : index
        %get3A_1106 = tpu.vector_load %arg11[%get3A_1104, %get3A_1105] {strides = array<i32>} : memref<2560x32xf32, #tpu.memory_space<vmem>>, vector<16xf32>,
        %mul3A_1107 = arith.mulf %gather3A_1094, %get3A_1106 : vector<16xf32>
        %add3A_1108 = arith.addf %add3A_1004, %mul3A_1107 : vector<16xf32>
        %broadcast_in_dim3A_1109 = arith.constant 8 : i32
        %broadcast_in_dim3A_1110 = vector.broadcast %broadcast_in_dim3A_1109 : i32 to vector<16xi32>
        %lt3A_1111 = arith.constant 0 : i32
        %lt3A_1112 = vector.broadcast %lt3A_1111 : i32 to vector<16xi32>
        %lt3A_1113 = arith.cmpi slt, %broadcast_in_dim3A_1110, %lt3A_1112 : vector<16xi32>
        %add3A_1114 = arith.constant 16 : i32
        %add3A_1115 = vector.broadcast %add3A_1114 : i32 to vector<16xi32>
        %add3A_1116 = arith.addi %broadcast_in_dim3A_1110, %add3A_1115 : vector<16xi32>
        %select_n3A_1117 = arith.select %lt3A_1113, %add3A_1116, %broadcast_in_dim3A_1110 : vector<16xi1>, vector<16xi32>
        %broadcast_in_dim3A_1118 = vector.shape_cast %select_n3A_1117 : vector<16xi32> to vector<16x1xi32>
        %gather3A_1119 = vector.shape_cast %broadcast_in_dim3A_1118 : vector<16x1xi32> to vector<16xi32>
        %gather3A_1120 = tpu.dynamic_gather %gather3A_484[%gather3A_1119] in [0] : vector<16xf32>, vector<16xi32> -> vector<16xf32>
        %add3A_1121 = arith.constant 24 : i32
        %add3A_1122 = arith.addi %add3A_429, %add3A_1121 : i32
        %get3A_1123 = arith.index_cast %add3A_1122 : i32 to index
        %get3A_1124 = arith.constant 0 : index
        %get3A_1125 = tpu.vector_load %arg11[%get3A_1123, %get3A_1124] {strides = array<i32>} : memref<2560x32xf32, #tpu.memory_space<vmem>>, vector<16xf32>,
        %mul3A_1126 = arith.mulf %gather3A_1120, %get3A_1125 : vector<16xf32>
        %add3A_1127 = arith.addf %add3A_1023, %mul3A_1126 : vector<16xf32>
        %add3A_1128 = arith.constant 24 : i32
        %add3A_1129 = arith.addi %add3A_429, %add3A_1128 : i32
        %get3A_1130 = arith.index_cast %add3A_1129 : i32 to index
        %get3A_1131 = arith.constant 16 : index
        %get3A_1132 = tpu.vector_load %arg11[%get3A_1130, %get3A_1131] {strides = array<i32>} : memref<2560x32xf32, #tpu.memory_space<vmem>>, vector<16xf32>,
        %mul3A_1133 = arith.mulf %gather3A_1120, %get3A_1132 : vector<16xf32>
        %add3A_1134 = arith.addf %add3A_1030, %mul3A_1133 : vector<16xf32>
        %broadcast_in_dim3A_1135 = arith.constant 9 : i32
        %broadcast_in_dim3A_1136 = vector.broadcast %broadcast_in_dim3A_1135 : i32 to vector<16xi32>
        %lt3A_1137 = arith.constant 0 : i32
        %lt3A_1138 = vector.broadcast %lt3A_1137 : i32 to vector<16xi32>
        %lt3A_1139 = arith.cmpi slt, %broadcast_in_dim3A_1136, %lt3A_1138 : vector<16xi32>
        %add3A_1140 = arith.constant 16 : i32
        %add3A_1141 = vector.broadcast %add3A_1140 : i32 to vector<16xi32>
        %add3A_1142 = arith.addi %broadcast_in_dim3A_1136, %add3A_1141 : vector<16xi32>
        %select_n3A_1143 = arith.select %lt3A_1139, %add3A_1142, %broadcast_in_dim3A_1136 : vector<16xi1>, vector<16xi32>
        %broadcast_in_dim3A_1144 = vector.shape_cast %select_n3A_1143 : vector<16xi32> to vector<16x1xi32>
        %gather3A_1145 = vector.shape_cast %broadcast_in_dim3A_1144 : vector<16x1xi32> to vector<16xi32>
        %gather3A_1146 = tpu.dynamic_gather %gather3A_484[%gather3A_1145] in [0] : vector<16xf32>, vector<16xi32> -> vector<16xf32>
        %add3A_1147 = arith.constant 25 : i32
        %add3A_1148 = arith.addi %add3A_429, %add3A_1147 : i32
        %get3A_1149 = arith.index_cast %add3A_1148 : i32 to index
        %get3A_1150 = arith.constant 0 : index
        %get3A_1151 = tpu.vector_load %arg11[%get3A_1149, %get3A_1150] {strides = array<i32>} : memref<2560x32xf32, #tpu.memory_space<vmem>>, vector<16xf32>,
        %mul3A_1152 = arith.mulf %gather3A_1146, %get3A_1151 : vector<16xf32>
        %add3A_1153 = arith.addf %add3A_1049, %mul3A_1152 : vector<16xf32>
        %add3A_1154 = arith.constant 25 : i32
        %add3A_1155 = arith.addi %add3A_429, %add3A_1154 : i32
        %get3A_1156 = arith.index_cast %add3A_1155 : i32 to index
        %get3A_1157 = arith.constant 16 : index
        %get3A_1158 = tpu.vector_load %arg11[%get3A_1156, %get3A_1157] {strides = array<i32>} : memref<2560x32xf32, #tpu.memory_space<vmem>>, vector<16xf32>,
        %mul3A_1159 = arith.mulf %gather3A_1146, %get3A_1158 : vector<16xf32>
        %add3A_1160 = arith.addf %add3A_1056, %mul3A_1159 : vector<16xf32>
        %broadcast_in_dim3A_1161 = arith.constant 10 : i32
        %broadcast_in_dim3A_1162 = vector.broadcast %broadcast_in_dim3A_1161 : i32 to vector<16xi32>
        %lt3A_1163 = arith.constant 0 : i32
        %lt3A_1164 = vector.broadcast %lt3A_1163 : i32 to vector<16xi32>
        %lt3A_1165 = arith.cmpi slt, %broadcast_in_dim3A_1162, %lt3A_1164 : vector<16xi32>
        %add3A_1166 = arith.constant 16 : i32
        %add3A_1167 = vector.broadcast %add3A_1166 : i32 to vector<16xi32>
        %add3A_1168 = arith.addi %broadcast_in_dim3A_1162, %add3A_1167 : vector<16xi32>
        %select_n3A_1169 = arith.select %lt3A_1165, %add3A_1168, %broadcast_in_dim3A_1162 : vector<16xi1>, vector<16xi32>
        %broadcast_in_dim3A_1170 = vector.shape_cast %select_n3A_1169 : vector<16xi32> to vector<16x1xi32>
        %gather3A_1171 = vector.shape_cast %broadcast_in_dim3A_1170 : vector<16x1xi32> to vector<16xi32>
        %gather3A_1172 = tpu.dynamic_gather %gather3A_484[%gather3A_1171] in [0] : vector<16xf32>, vector<16xi32> -> vector<16xf32>
        %add3A_1173 = arith.constant 26 : i32
        %add3A_1174 = arith.addi %add3A_429, %add3A_1173 : i32
        %get3A_1175 = arith.index_cast %add3A_1174 : i32 to index
        %get3A_1176 = arith.constant 0 : index
        %get3A_1177 = tpu.vector_load %arg11[%get3A_1175, %get3A_1176] {strides = array<i32>} : memref<2560x32xf32, #tpu.memory_space<vmem>>, vector<16xf32>,
        %mul3A_1178 = arith.mulf %gather3A_1172, %get3A_1177 : vector<16xf32>
        %add3A_1179 = arith.addf %add3A_1075, %mul3A_1178 : vector<16xf32>
        %add3A_1180 = arith.constant 26 : i32
        %add3A_1181 = arith.addi %add3A_429, %add3A_1180 : i32
        %get3A_1182 = arith.index_cast %add3A_1181 : i32 to index
        %get3A_1183 = arith.constant 16 : index
        %get3A_1184 = tpu.vector_load %arg11[%get3A_1182, %get3A_1183] {strides = array<i32>} : memref<2560x32xf32, #tpu.memory_space<vmem>>, vector<16xf32>,
        %mul3A_1185 = arith.mulf %gather3A_1172, %get3A_1184 : vector<16xf32>
        %add3A_1186 = arith.addf %add3A_1082, %mul3A_1185 : vector<16xf32>
        %broadcast_in_dim3A_1187 = arith.constant 11 : i32
        %broadcast_in_dim3A_1188 = vector.broadcast %broadcast_in_dim3A_1187 : i32 to vector<16xi32>
        %lt3A_1189 = arith.constant 0 : i32
        %lt3A_1190 = vector.broadcast %lt3A_1189 : i32 to vector<16xi32>
        %lt3A_1191 = arith.cmpi slt, %broadcast_in_dim3A_1188, %lt3A_1190 : vector<16xi32>
        %add3A_1192 = arith.constant 16 : i32
        %add3A_1193 = vector.broadcast %add3A_1192 : i32 to vector<16xi32>
        %add3A_1194 = arith.addi %broadcast_in_dim3A_1188, %add3A_1193 : vector<16xi32>
        %select_n3A_1195 = arith.select %lt3A_1191, %add3A_1194, %broadcast_in_dim3A_1188 : vector<16xi1>, vector<16xi32>
        %broadcast_in_dim3A_1196 = vector.shape_cast %select_n3A_1195 : vector<16xi32> to vector<16x1xi32>
        %gather3A_1197 = vector.shape_cast %broadcast_in_dim3A_1196 : vector<16x1xi32> to vector<16xi32>
        %gather3A_1198 = tpu.dynamic_gather %gather3A_484[%gather3A_1197] in [0] : vector<16xf32>, vector<16xi32> -> vector<16xf32>
        %add3A_1199 = arith.constant 27 : i32
        %add3A_1200 = arith.addi %add3A_429, %add3A_1199 : i32
        %get3A_1201 = arith.index_cast %add3A_1200 : i32 to index
        %get3A_1202 = arith.constant 0 : index
        %get3A_1203 = tpu.vector_load %arg11[%get3A_1201, %get3A_1202] {strides = array<i32>} : memref<2560x32xf32, #tpu.memory_space<vmem>>, vector<16xf32>,
        %mul3A_1204 = arith.mulf %gather3A_1198, %get3A_1203 : vector<16xf32>
        %add3A_1205 = arith.addf %add3A_1101, %mul3A_1204 : vector<16xf32>
        %add3A_1206 = arith.constant 27 : i32
        %add3A_1207 = arith.addi %add3A_429, %add3A_1206 : i32
        %get3A_1208 = arith.index_cast %add3A_1207 : i32 to index
        %get3A_1209 = arith.constant 16 : index
        %get3A_1210 = tpu.vector_load %arg11[%get3A_1208, %get3A_1209] {strides = array<i32>} : memref<2560x32xf32, #tpu.memory_space<vmem>>, vector<16xf32>,
        %mul3A_1211 = arith.mulf %gather3A_1198, %get3A_1210 : vector<16xf32>
        %add3A_1212 = arith.addf %add3A_1108, %mul3A_1211 : vector<16xf32>
        %broadcast_in_dim3A_1213 = arith.constant 12 : i32
        %broadcast_in_dim3A_1214 = vector.broadcast %broadcast_in_dim3A_1213 : i32 to vector<16xi32>
        %lt3A_1215 = arith.constant 0 : i32
        %lt3A_1216 = vector.broadcast %lt3A_1215 : i32 to vector<16xi32>
        %lt3A_1217 = arith.cmpi slt, %broadcast_in_dim3A_1214, %lt3A_1216 : vector<16xi32>
        %add3A_1218 = arith.constant 16 : i32
        %add3A_1219 = vector.broadcast %add3A_1218 : i32 to vector<16xi32>
        %add3A_1220 = arith.addi %broadcast_in_dim3A_1214, %add3A_1219 : vector<16xi32>
        %select_n3A_1221 = arith.select %lt3A_1217, %add3A_1220, %broadcast_in_dim3A_1214 : vector<16xi1>, vector<16xi32>
        %broadcast_in_dim3A_1222 = vector.shape_cast %select_n3A_1221 : vector<16xi32> to vector<16x1xi32>
        %gather3A_1223 = vector.shape_cast %broadcast_in_dim3A_1222 : vector<16x1xi32> to vector<16xi32>
        %gather3A_1224 = tpu.dynamic_gather %gather3A_484[%gather3A_1223] in [0] : vector<16xf32>, vector<16xi32> -> vector<16xf32>
        %add3A_1225 = arith.constant 28 : i32
        %add3A_1226 = arith.addi %add3A_429, %add3A_1225 : i32
        %get3A_1227 = arith.index_cast %add3A_1226 : i32 to index
        %get3A_1228 = arith.constant 0 : index
        %get3A_1229 = tpu.vector_load %arg11[%get3A_1227, %get3A_1228] {strides = array<i32>} : memref<2560x32xf32, #tpu.memory_space<vmem>>, vector<16xf32>,
        %mul3A_1230 = arith.mulf %gather3A_1224, %get3A_1229 : vector<16xf32>
        %add3A_1231 = arith.addf %add3A_1127, %mul3A_1230 : vector<16xf32>
        %add3A_1232 = arith.constant 28 : i32
        %add3A_1233 = arith.addi %add3A_429, %add3A_1232 : i32
        %get3A_1234 = arith.index_cast %add3A_1233 : i32 to index
        %get3A_1235 = arith.constant 16 : index
        %get3A_1236 = tpu.vector_load %arg11[%get3A_1234, %get3A_1235] {strides = array<i32>} : memref<2560x32xf32, #tpu.memory_space<vmem>>, vector<16xf32>,
        %mul3A_1237 = arith.mulf %gather3A_1224, %get3A_1236 : vector<16xf32>
        %add3A_1238 = arith.addf %add3A_1134, %mul3A_1237 : vector<16xf32>
        %broadcast_in_dim3A_1239 = arith.constant 13 : i32
        %broadcast_in_dim3A_1240 = vector.broadcast %broadcast_in_dim3A_1239 : i32 to vector<16xi32>
        %lt3A_1241 = arith.constant 0 : i32
        %lt3A_1242 = vector.broadcast %lt3A_1241 : i32 to vector<16xi32>
        %lt3A_1243 = arith.cmpi slt, %broadcast_in_dim3A_1240, %lt3A_1242 : vector<16xi32>
        %add3A_1244 = arith.constant 16 : i32
        %add3A_1245 = vector.broadcast %add3A_1244 : i32 to vector<16xi32>
        %add3A_1246 = arith.addi %broadcast_in_dim3A_1240, %add3A_1245 : vector<16xi32>
        %select_n3A_1247 = arith.select %lt3A_1243, %add3A_1246, %broadcast_in_dim3A_1240 : vector<16xi1>, vector<16xi32>
        %broadcast_in_dim3A_1248 = vector.shape_cast %select_n3A_1247 : vector<16xi32> to vector<16x1xi32>
        %gather3A_1249 = vector.shape_cast %broadcast_in_dim3A_1248 : vector<16x1xi32> to vector<16xi32>
        %gather3A_1250 = tpu.dynamic_gather %gather3A_484[%gather3A_1249] in [0] : vector<16xf32>, vector<16xi32> -> vector<16xf32>
        %add3A_1251 = arith.constant 29 : i32
        %add3A_1252 = arith.addi %add3A_429, %add3A_1251 : i32
        %get3A_1253 = arith.index_cast %add3A_1252 : i32 to index
        %get3A_1254 = arith.constant 0 : index
        %get3A_1255 = tpu.vector_load %arg11[%get3A_1253, %get3A_1254] {strides = array<i32>} : memref<2560x32xf32, #tpu.memory_space<vmem>>, vector<16xf32>,
        %mul3A_1256 = arith.mulf %gather3A_1250, %get3A_1255 : vector<16xf32>
        %add3A_1257 = arith.addf %add3A_1153, %mul3A_1256 : vector<16xf32>
        %add3A_1258 = arith.constant 29 : i32
        %add3A_1259 = arith.addi %add3A_429, %add3A_1258 : i32
        %get3A_1260 = arith.index_cast %add3A_1259 : i32 to index
        %get3A_1261 = arith.constant 16 : index
        %get3A_1262 = tpu.vector_load %arg11[%get3A_1260, %get3A_1261] {strides = array<i32>} : memref<2560x32xf32, #tpu.memory_space<vmem>>, vector<16xf32>,
        %mul3A_1263 = arith.mulf %gather3A_1250, %get3A_1262 : vector<16xf32>
        %add3A_1264 = arith.addf %add3A_1160, %mul3A_1263 : vector<16xf32>
        %broadcast_in_dim3A_1265 = arith.constant 14 : i32
        %broadcast_in_dim3A_1266 = vector.broadcast %broadcast_in_dim3A_1265 : i32 to vector<16xi32>
        %lt3A_1267 = arith.constant 0 : i32
        %lt3A_1268 = vector.broadcast %lt3A_1267 : i32 to vector<16xi32>
        %lt3A_1269 = arith.cmpi slt, %broadcast_in_dim3A_1266, %lt3A_1268 : vector<16xi32>
        %add3A_1270 = arith.constant 16 : i32
        %add3A_1271 = vector.broadcast %add3A_1270 : i32 to vector<16xi32>
        %add3A_1272 = arith.addi %broadcast_in_dim3A_1266, %add3A_1271 : vector<16xi32>
        %select_n3A_1273 = arith.select %lt3A_1269, %add3A_1272, %broadcast_in_dim3A_1266 : vector<16xi1>, vector<16xi32>
        %broadcast_in_dim3A_1274 = vector.shape_cast %select_n3A_1273 : vector<16xi32> to vector<16x1xi32>
        %gather3A_1275 = vector.shape_cast %broadcast_in_dim3A_1274 : vector<16x1xi32> to vector<16xi32>
        %gather3A_1276 = tpu.dynamic_gather %gather3A_484[%gather3A_1275] in [0] : vector<16xf32>, vector<16xi32> -> vector<16xf32>
        %add3A_1277 = arith.constant 30 : i32
        %add3A_1278 = arith.addi %add3A_429, %add3A_1277 : i32
        %get3A_1279 = arith.index_cast %add3A_1278 : i32 to index
        %get3A_1280 = arith.constant 0 : index
        %get3A_1281 = tpu.vector_load %arg11[%get3A_1279, %get3A_1280] {strides = array<i32>} : memref<2560x32xf32, #tpu.memory_space<vmem>>, vector<16xf32>,
        %mul3A_1282 = arith.mulf %gather3A_1276, %get3A_1281 : vector<16xf32>
        %add3A_1283 = arith.addf %add3A_1179, %mul3A_1282 : vector<16xf32>
        %add3A_1284 = arith.constant 30 : i32
        %add3A_1285 = arith.addi %add3A_429, %add3A_1284 : i32
        %get3A_1286 = arith.index_cast %add3A_1285 : i32 to index
        %get3A_1287 = arith.constant 16 : index
        %get3A_1288 = tpu.vector_load %arg11[%get3A_1286, %get3A_1287] {strides = array<i32>} : memref<2560x32xf32, #tpu.memory_space<vmem>>, vector<16xf32>,
        %mul3A_1289 = arith.mulf %gather3A_1276, %get3A_1288 : vector<16xf32>
        %add3A_1290 = arith.addf %add3A_1186, %mul3A_1289 : vector<16xf32>
        %broadcast_in_dim3A_1291 = arith.constant 15 : i32
        %broadcast_in_dim3A_1292 = vector.broadcast %broadcast_in_dim3A_1291 : i32 to vector<16xi32>
        %lt3A_1293 = arith.constant 0 : i32
        %lt3A_1294 = vector.broadcast %lt3A_1293 : i32 to vector<16xi32>
        %lt3A_1295 = arith.cmpi slt, %broadcast_in_dim3A_1292, %lt3A_1294 : vector<16xi32>
        %add3A_1296 = arith.constant 16 : i32
        %add3A_1297 = vector.broadcast %add3A_1296 : i32 to vector<16xi32>
        %add3A_1298 = arith.addi %broadcast_in_dim3A_1292, %add3A_1297 : vector<16xi32>
        %select_n3A_1299 = arith.select %lt3A_1295, %add3A_1298, %broadcast_in_dim3A_1292 : vector<16xi1>, vector<16xi32>
        %broadcast_in_dim3A_1300 = vector.shape_cast %select_n3A_1299 : vector<16xi32> to vector<16x1xi32>
        %gather3A_1301 = vector.shape_cast %broadcast_in_dim3A_1300 : vector<16x1xi32> to vector<16xi32>
        %gather3A_1302 = tpu.dynamic_gather %gather3A_484[%gather3A_1301] in [0] : vector<16xf32>, vector<16xi32> -> vector<16xf32>
        %add3A_1303 = arith.constant 31 : i32
        %add3A_1304 = arith.addi %add3A_429, %add3A_1303 : i32
        %get3A_1305 = arith.index_cast %add3A_1304 : i32 to index
        %get3A_1306 = arith.constant 0 : index
        %get3A_1307 = tpu.vector_load %arg11[%get3A_1305, %get3A_1306] {strides = array<i32>} : memref<2560x32xf32, #tpu.memory_space<vmem>>, vector<16xf32>,
        %mul3A_1308 = arith.mulf %gather3A_1302, %get3A_1307 : vector<16xf32>
        %add3A_1309 = arith.addf %add3A_1205, %mul3A_1308 : vector<16xf32>
        %add3A_1310 = arith.constant 31 : i32
        %add3A_1311 = arith.addi %add3A_429, %add3A_1310 : i32
        %get3A_1312 = arith.index_cast %add3A_1311 : i32 to index
        %get3A_1313 = arith.constant 16 : index
        %get3A_1314 = tpu.vector_load %arg11[%get3A_1312, %get3A_1313] {strides = array<i32>} : memref<2560x32xf32, #tpu.memory_space<vmem>>, vector<16xf32>,
        %mul3A_1315 = arith.mulf %gather3A_1302, %get3A_1314 : vector<16xf32>
        %add3A_1316 = arith.addf %add3A_1212, %mul3A_1315 : vector<16xf32>
        %add3A_1317 = arith.addf %add3A_1231, %add3A_1257 : vector<16xf32>
        %add3A_1318 = arith.addf %add3A_1283, %add3A_1309 : vector<16xf32>
        %add3A_1319 = arith.addf %add3A_1317, %add3A_1318 : vector<16xf32>
        %swap3A = arith.index_cast %add3A_429 : i32 to index
        %swap3A_1320 = tpu.vector_load %arg12[%swap3A] {strides = array<i32>} : memref<2560xf32, #tpu.memory_space<vmem>>, vector<16xf32>,
        tpu.vector_store %arg12[%swap3A], %add3A_1319 {strides = array<i32>} : memref<2560xf32, #tpu.memory_space<vmem>>, vector<16xf32>,
        %add3A_1321 = arith.addf %add3A_1238, %add3A_1264 : vector<16xf32>
        %add3A_1322 = arith.addf %add3A_1290, %add3A_1316 : vector<16xf32>
        %add3A_1323 = arith.addf %add3A_1321, %add3A_1322 : vector<16xf32>
        %add3A_1324 = arith.constant 16 : i32
        %add3A_1325 = arith.addi %add3A_429, %add3A_1324 : i32
        %swap3A_1326 = arith.index_cast %add3A_1325 : i32 to index
        %swap3A_1327 = tpu.vector_load %arg12[%swap3A_1326] {strides = array<i32>} : memref<2560xf32, #tpu.memory_space<vmem>>, vector<16xf32>,
        tpu.vector_store %arg12[%swap3A_1326], %add3A_1323 {strides = array<i32>} : memref<2560xf32, #tpu.memory_space<vmem>>, vector<16xf32>,
        %scan3A_1328 = arith.constant 0 : i32
        scf.yield %scan3A_1328 : i32
      }
      %scan3A_397 = arith.constant 40 : i32
      %gt3A = arith.constant 0 : i32
      %gt3A_398 = arith.cmpi sgt, %scan3A_259, %gt3A : i32
      %convert_element_type3A_399 = arith.extui %gt3A_398 : i1 to i32
      %cond3A_400 = arith.constant 0 : i32
      %cond3A_401 = arith.cmpi ne, %convert_element_type3A_399, %cond3A_400 : i32
      scf.if %cond3A_401 {
        %sub3A_423 = arith.constant 1 : i32
        %sub3A_424 = arith.subi %scan3A_259, %sub3A_423 : i32
        %mul3A_425 = arith.constant 1250 : i32
        %mul3A_426 = arith.muli %add3A, %mul3A_425 : i32
        %mul3A_427 = arith.constant 5 : i32
        %mul3A_428 = arith.muli %sub3A_424, %mul3A_427 : i32
        %add3A_429 = arith.addi %mul3A_426, %mul3A_428 : i32
        %mul3A_430 = arith.constant 1280 : i32
        %mul3A_431 = arith.muli %sub3A_278, %mul3A_430 : i32
        %mul3A_432 = arith.constant 256 : i32
        %mul3A_433 = arith.muli %add3A_429, %mul3A_432 : i32
        %dma_wait3A_434 = tpu.memref_slice %arg12[%mul3A_431] : memref<2560xf32, #tpu.memory_space<vmem>> -> memref<1280xf32, #tpu.memory_space<vmem>>
        %dma_wait3A_435 = tpu.memref_slice %arg7[%mul3A_433] : memref<10240000xf32, #tpu.memory_space<hbm>> -> memref<1280xf32, #tpu.memory_space<hbm>>
        %dma_wait3A_436 = tpu.memref_slice %arg7[%mul3A_433] : memref<10240000xf32, #tpu.memory_space<hbm>> -> memref<1280xf32, #tpu.memory_space<hbm>>
        %dma_wait3A_437 = tpu.memref_slice %arg12[%mul3A_431] : memref<2560xf32, #tpu.memory_space<vmem>> -> memref<1280xf32, #tpu.memory_space<vmem>>
        tpu.wait_dma2 semaphore(%arg15 : memref<!tpu.dma_semaphore, #tpu.memory_space<semaphore_mem>>) src(%dma_wait3A_437 : memref<1280xf32, #tpu.memory_space<vmem>>) dst(%dma_wait3A_436 : memref<1280xf32, #tpu.memory_space<hbm>>)
      } else {
      }
      %mul3A_402 = arith.constant 1250 : i32
      %mul3A_403 = arith.muli %add3A, %mul3A_402 : i32
      %mul3A_404 = arith.constant 5 : i32
      %mul3A_405 = arith.muli %scan3A_259, %mul3A_404 : i32
      %add3A_406 = arith.addi %mul3A_403, %mul3A_405 : i32
      %mul3A_407 = arith.constant 1280 : i32
      %mul3A_408 = arith.muli %select_n3A_276, %mul3A_407 : i32
      %mul3A_409 = arith.constant 256 : i32
      %mul3A_410 = arith.muli %add3A_406, %mul3A_409 : i32
      %dma_start3A_411 = tpu.memref_slice %arg12[%mul3A_408] : memref<2560xf32, #tpu.memory_space<vmem>> -> memref<1280xf32, #tpu.memory_space<vmem>>
      %dma_start3A_412 = tpu.memref_slice %arg7[%mul3A_410] : memref<10240000xf32, #tpu.memory_space<hbm>> -> memref<1280xf32, #tpu.memory_space<hbm>>
      %dma_start3A_413 = tpu.memref_slice %arg7[%mul3A_410] : memref<10240000xf32, #tpu.memory_space<hbm>> -> memref<1280xf32, #tpu.memory_space<hbm>>
      %dma_start3A_414 = tpu.memref_slice %arg12[%mul3A_408] : memref<2560xf32, #tpu.memory_space<vmem>> -> memref<1280xf32, #tpu.memory_space<vmem>>
      tpu.enqueue_dma source(%dma_start3A_414 : memref<1280xf32, #tpu.memory_space<vmem>>) target(%dma_start3A_413 : memref<1280xf32, #tpu.memory_space<hbm>>) target_semaphore(%arg15 : memref<!tpu.dma_semaphore, #tpu.memory_space<semaphore_mem>>)
      %add3A_415 = arith.constant 2 : i32
      %add3A_416 = arith.addi %scan3A_259, %add3A_415 : i32
      %lt3A_417 = arith.constant 250 : i32
      %lt3A_418 = arith.cmpi slt, %add3A_416, %lt3A_417 : i32
      %convert_element_type3A_419 = arith.extui %lt3A_418 : i1 to i32
      %cond3A_420 = arith.constant 0 : i32
      %cond3A_421 = arith.cmpi ne, %convert_element_type3A_419, %cond3A_420 : i32
      scf.if %cond3A_421 {
        %add3A_423 = arith.constant 2 : i32
        %add3A_424 = arith.addi %scan3A_259, %add3A_423 : i32
        %mul3A_425 = arith.constant 1250 : i32
        %mul3A_426 = arith.muli %add3A, %mul3A_425 : i32
        %mul3A_427 = arith.constant 5 : i32
        %mul3A_428 = arith.muli %add3A_424, %mul3A_427 : i32
        %add3A_429 = arith.addi %mul3A_426, %mul3A_428 : i32
        %mul3A_430 = arith.constant 128 : i32
        %mul3A_431 = arith.muli %add3A_429, %mul3A_430 : i32
        %mul3A_432 = arith.constant 1280 : i32
        %mul3A_433 = arith.muli %select_n3A_276, %mul3A_432 : i32
        %mul3A_434 = arith.constant 128 : i32
        %mul3A_435 = arith.muli %add3A_429, %mul3A_434 : i32
        %mul3A_436 = arith.constant 1280 : i32
        %mul3A_437 = arith.muli %select_n3A_276, %mul3A_436 : i32
        %add3A_438 = arith.constant 640 : i32
        %add3A_439 = arith.addi %mul3A_437, %add3A_438 : i32
        %mul3A_440 = arith.constant 128 : i32
        %mul3A_441 = arith.muli %add3A_429, %mul3A_440 : i32
        %mul3A_442 = arith.constant 1280 : i32
        %mul3A_443 = arith.muli %select_n3A_276, %mul3A_442 : i32
        %mul3A_444 = arith.constant 128 : i32
        %mul3A_445 = arith.muli %add3A_429, %mul3A_444 : i32
        %mul3A_446 = arith.constant 1280 : i32
        %mul3A_447 = arith.muli %select_n3A_276, %mul3A_446 : i32
        %add3A_448 = arith.constant 640 : i32
        %add3A_449 = arith.addi %mul3A_447, %add3A_448 : i32
        %dma_start3A_450 = tpu.memref_slice %arg8[%mul3A_433] : memref<2560xi32, #tpu.memory_space<vmem>> -> memref<640xi32, #tpu.memory_space<vmem>>
        %dma_start3A_451 = tpu.memref_slice %arg3[%mul3A_431] : memref<5120000xi32, #tpu.memory_space<hbm>> -> memref<640xi32, #tpu.memory_space<hbm>>
        %dma_start3A_452 = tpu.memref_slice %arg8[%mul3A_433] : memref<2560xi32, #tpu.memory_space<vmem>> -> memref<640xi32, #tpu.memory_space<vmem>>
        %dma_start3A_453 = tpu.memref_slice %arg3[%mul3A_431] : memref<5120000xi32, #tpu.memory_space<hbm>> -> memref<640xi32, #tpu.memory_space<hbm>>
        tpu.enqueue_dma source(%dma_start3A_453 : memref<640xi32, #tpu.memory_space<hbm>>) target(%dma_start3A_452 : memref<640xi32, #tpu.memory_space<vmem>>) target_semaphore(%arg13 : memref<!tpu.dma_semaphore, #tpu.memory_space<semaphore_mem>>)
        %dma_start3A_454 = tpu.memref_slice %arg8[%add3A_439] : memref<2560xi32, #tpu.memory_space<vmem>> -> memref<640xi32, #tpu.memory_space<vmem>>
        %dma_start3A_455 = tpu.memref_slice %arg4[%mul3A_435] : memref<5120000xi32, #tpu.memory_space<hbm>> -> memref<640xi32, #tpu.memory_space<hbm>>
        %dma_start3A_456 = tpu.memref_slice %arg8[%add3A_439] : memref<2560xi32, #tpu.memory_space<vmem>> -> memref<640xi32, #tpu.memory_space<vmem>>
        %dma_start3A_457 = tpu.memref_slice %arg4[%mul3A_435] : memref<5120000xi32, #tpu.memory_space<hbm>> -> memref<640xi32, #tpu.memory_space<hbm>>
        tpu.enqueue_dma source(%dma_start3A_457 : memref<640xi32, #tpu.memory_space<hbm>>) target(%dma_start3A_456 : memref<640xi32, #tpu.memory_space<vmem>>) target_semaphore(%arg13 : memref<!tpu.dma_semaphore, #tpu.memory_space<semaphore_mem>>)
        %dma_start3A_458 = tpu.memref_slice %arg9[%mul3A_443] : memref<2560xf32, #tpu.memory_space<vmem>> -> memref<640xf32, #tpu.memory_space<vmem>>
        %dma_start3A_459 = tpu.memref_slice %arg5[%mul3A_441] : memref<5120000xf32, #tpu.memory_space<hbm>> -> memref<640xf32, #tpu.memory_space<hbm>>
        %dma_start3A_460 = tpu.memref_slice %arg9[%mul3A_443] : memref<2560xf32, #tpu.memory_space<vmem>> -> memref<640xf32, #tpu.memory_space<vmem>>
        %dma_start3A_461 = tpu.memref_slice %arg5[%mul3A_441] : memref<5120000xf32, #tpu.memory_space<hbm>> -> memref<640xf32, #tpu.memory_space<hbm>>
        tpu.enqueue_dma source(%dma_start3A_461 : memref<640xf32, #tpu.memory_space<hbm>>) target(%dma_start3A_460 : memref<640xf32, #tpu.memory_space<vmem>>) target_semaphore(%arg13 : memref<!tpu.dma_semaphore, #tpu.memory_space<semaphore_mem>>)
        %dma_start3A_462 = tpu.memref_slice %arg9[%add3A_449] : memref<2560xf32, #tpu.memory_space<vmem>> -> memref<640xf32, #tpu.memory_space<vmem>>
        %dma_start3A_463 = tpu.memref_slice %arg6[%mul3A_445] : memref<5120000xf32, #tpu.memory_space<hbm>> -> memref<640xf32, #tpu.memory_space<hbm>>
        %dma_start3A_464 = tpu.memref_slice %arg9[%add3A_449] : memref<2560xf32, #tpu.memory_space<vmem>> -> memref<640xf32, #tpu.memory_space<vmem>>
        %dma_start3A_465 = tpu.memref_slice %arg6[%mul3A_445] : memref<5120000xf32, #tpu.memory_space<hbm>> -> memref<640xf32, #tpu.memory_space<hbm>>
        tpu.enqueue_dma source(%dma_start3A_465 : memref<640xf32, #tpu.memory_space<hbm>>) target(%dma_start3A_464 : memref<640xf32, #tpu.memory_space<vmem>>) target_semaphore(%arg13 : memref<!tpu.dma_semaphore, #tpu.memory_space<semaphore_mem>>)
      } else {
      }
      %scan3A_422 = arith.constant 0 : i32
      scf.yield %scan3A_422 : i32
    }
    %scan3A_246 = arith.constant 250 : i32
    %mul3A_247 = arith.constant 1250 : i32
    %mul3A_248 = arith.muli %add3A, %mul3A_247 : i32
    %add3A_249 = arith.constant 1245 : i32
    %add3A_250 = arith.addi %mul3A_248, %add3A_249 : i32
    %mul3A_251 = arith.constant 256 : i32
    %mul3A_252 = arith.muli %add3A_250, %mul3A_251 : i32
    %dma_wait3A_253 = arith.constant 1280 : i32
    %dma_wait3A_254 = tpu.memref_slice %arg12[%dma_wait3A_253] : memref<2560xf32, #tpu.memory_space<vmem>> -> memref<1280xf32, #tpu.memory_space<vmem>>
    %dma_wait3A_255 = tpu.memref_slice %arg7[%mul3A_252] : memref<10240000xf32, #tpu.memory_space<hbm>> -> memref<1280xf32, #tpu.memory_space<hbm>>
    %dma_wait3A_256 = tpu.memref_slice %arg7[%mul3A_252] : memref<10240000xf32, #tpu.memory_space<hbm>> -> memref<1280xf32, #tpu.memory_space<hbm>>
    %dma_wait3A_257 = arith.constant 1280 : i32
    %dma_wait3A_258 = tpu.memref_slice %arg12[%dma_wait3A_257] : memref<2560xf32, #tpu.memory_space<vmem>> -> memref<1280xf32, #tpu.memory_space<vmem>>
    tpu.wait_dma2 semaphore(%arg15 : memref<!tpu.dma_semaphore, #tpu.memory_space<semaphore_mem>>) src(%dma_wait3A_258 : memref<1280xf32, #tpu.memory_space<vmem>>) dst(%dma_wait3A_256 : memref<1280xf32, #tpu.memory_space<hbm>>)
    return
  }
}

module attributes {stable_mosaic.version = 14 : i64} {
  func.func @_vproj_body(%arg0: i32, %arg1: memref<2200x256xf32, #tpu.memory_space<vmem>>, %arg2: memref<256x256xf32, #tpu.memory_space<vmem>>, %arg3: memref<1x256xf32, #tpu.memory_space<vmem>>, %arg4: memref<8x2200x32xf32, #tpu.memory_space<vmem>>) attributes {dimension_semantics = [#tpu.dimension_semantics<arbitrary>], iteration_bounds = array<i64: 8>, scalar_prefetch = 0 : i64, scratch_operands = 0 : i64, tpu.core_type = #tpu.core_type<tc>, window_params = [{transform_indices = @transform_0, window_bounds = array<i64: 2200, 256>}, {pipeline_mode = #tpu.pipeline_mode<synchronous>, transform_indices = @transform_1, window_bounds = array<i64: 256, 256>}, {pipeline_mode = #tpu.pipeline_mode<synchronous>, transform_indices = @transform_2, window_bounds = array<i64: 1, 256>}, {transform_indices = @transform_3, window_bounds = array<i64: 8, 2200, 32>}]} {
    %get3A = arith.constant 0 : index
    %get3A_0 = arith.constant 0 : index
    %get3A_1 = vector.load %arg1[%get3A, %get3A_0] : memref<2200x256xf32, #tpu.memory_space<vmem>>, vector<2200x256xf32>
    %get3A_2 = arith.constant 0 : index
    %get3A_3 = arith.constant 0 : index
    %get3A_4 = vector.load %arg2[%get3A_2, %get3A_3] : memref<256x256xf32, #tpu.memory_space<vmem>>, vector<256x256xf32>
    %dot_general3A = arith.constant dense<0.000000e+00> : vector<2200x256xf32>
    %dot_general3A_5 = tpu.matmul %get3A_1, %get3A_4, %dot_general3A {dimension_numbers = #tpu.dot_dimension_numbers<[1], [0], [0], [1], [0, 0, 1, 1], [], []>, transpose_lhs_hint = false} : vector<2200x256xf32>, vector<256x256xf32>, vector<2200x256xf32> -> vector<2200x256xf32>
    %get3A_6 = arith.constant 0 : index
    %get3A_7 = arith.constant 0 : index
    %get3A_8 = vector.load %arg3[%get3A_6, %get3A_7] : memref<1x256xf32, #tpu.memory_space<vmem>>, vector<1x256xf32>
    %add3A = vector.broadcast %get3A_8 : vector<1x256xf32> to vector<2200x256xf32>
    %add3A_9 = arith.addf %dot_general3A_5, %add3A : vector<2200x256xf32>
    %slice3A = vector.extract_strided_slice %add3A_9 {offsets = [0, 0], sizes = [2200, 32], strides = [1, 1]} : vector<2200x256xf32> to vector<2200x32xf32>
    %swap3A = arith.constant 0 : index
    %swap3A_10 = arith.constant 0 : index
    %swap3A_11 = arith.constant 0 : index
    %swap3A_12 = vector.load %arg4[%swap3A, %swap3A_10, %swap3A_11] : memref<8x2200x32xf32, #tpu.memory_space<vmem>>, vector<1x2200x32xf32>
    %swap3A_13 = vector.shape_cast %swap3A_12 : vector<1x2200x32xf32> to vector<2200x32xf32>
    %swap3A_14 = vector.shape_cast %slice3A : vector<2200x32xf32> to vector<1x2200x32xf32>
    tpu.vector_store %arg4[%swap3A, %swap3A_10, %swap3A_11], %swap3A_14 {strides = array<i32>} : memref<8x2200x32xf32, #tpu.memory_space<vmem>>, vector<1x2200x32xf32>,
    %slice3A_15 = vector.extract_strided_slice %add3A_9 {offsets = [0, 32], sizes = [2200, 32], strides = [1, 1]} : vector<2200x256xf32> to vector<2200x32xf32>
    %swap3A_16 = arith.constant 1 : index
    %swap3A_17 = arith.constant 0 : index
    %swap3A_18 = arith.constant 0 : index
    %swap3A_19 = vector.load %arg4[%swap3A_16, %swap3A_17, %swap3A_18] : memref<8x2200x32xf32, #tpu.memory_space<vmem>>, vector<1x2200x32xf32>
    %swap3A_20 = vector.shape_cast %swap3A_19 : vector<1x2200x32xf32> to vector<2200x32xf32>
    %swap3A_21 = vector.shape_cast %slice3A_15 : vector<2200x32xf32> to vector<1x2200x32xf32>
    tpu.vector_store %arg4[%swap3A_16, %swap3A_17, %swap3A_18], %swap3A_21 {strides = array<i32>} : memref<8x2200x32xf32, #tpu.memory_space<vmem>>, vector<1x2200x32xf32>,
    %slice3A_22 = vector.extract_strided_slice %add3A_9 {offsets = [0, 64], sizes = [2200, 32], strides = [1, 1]} : vector<2200x256xf32> to vector<2200x32xf32>
    %swap3A_23 = arith.constant 2 : index
    %swap3A_24 = arith.constant 0 : index
    %swap3A_25 = arith.constant 0 : index
    %swap3A_26 = vector.load %arg4[%swap3A_23, %swap3A_24, %swap3A_25] : memref<8x2200x32xf32, #tpu.memory_space<vmem>>, vector<1x2200x32xf32>
    %swap3A_27 = vector.shape_cast %swap3A_26 : vector<1x2200x32xf32> to vector<2200x32xf32>
    %swap3A_28 = vector.shape_cast %slice3A_22 : vector<2200x32xf32> to vector<1x2200x32xf32>
    tpu.vector_store %arg4[%swap3A_23, %swap3A_24, %swap3A_25], %swap3A_28 {strides = array<i32>} : memref<8x2200x32xf32, #tpu.memory_space<vmem>>, vector<1x2200x32xf32>,
    %slice3A_29 = vector.extract_strided_slice %add3A_9 {offsets = [0, 96], sizes = [2200, 32], strides = [1, 1]} : vector<2200x256xf32> to vector<2200x32xf32>
    %swap3A_30 = arith.constant 3 : index
    %swap3A_31 = arith.constant 0 : index
    %swap3A_32 = arith.constant 0 : index
    %swap3A_33 = vector.load %arg4[%swap3A_30, %swap3A_31, %swap3A_32] : memref<8x2200x32xf32, #tpu.memory_space<vmem>>, vector<1x2200x32xf32>
    %swap3A_34 = vector.shape_cast %swap3A_33 : vector<1x2200x32xf32> to vector<2200x32xf32>
    %swap3A_35 = vector.shape_cast %slice3A_29 : vector<2200x32xf32> to vector<1x2200x32xf32>
    tpu.vector_store %arg4[%swap3A_30, %swap3A_31, %swap3A_32], %swap3A_35 {strides = array<i32>} : memref<8x2200x32xf32, #tpu.memory_space<vmem>>, vector<1x2200x32xf32>,
    %slice3A_36 = vector.extract_strided_slice %add3A_9 {offsets = [0, 128], sizes = [2200, 32], strides = [1, 1]} : vector<2200x256xf32> to vector<2200x32xf32>
    %swap3A_37 = arith.constant 4 : index
    %swap3A_38 = arith.constant 0 : index
    %swap3A_39 = arith.constant 0 : index
    %swap3A_40 = vector.load %arg4[%swap3A_37, %swap3A_38, %swap3A_39] : memref<8x2200x32xf32, #tpu.memory_space<vmem>>, vector<1x2200x32xf32>
    %swap3A_41 = vector.shape_cast %swap3A_40 : vector<1x2200x32xf32> to vector<2200x32xf32>
    %swap3A_42 = vector.shape_cast %slice3A_36 : vector<2200x32xf32> to vector<1x2200x32xf32>
    tpu.vector_store %arg4[%swap3A_37, %swap3A_38, %swap3A_39], %swap3A_42 {strides = array<i32>} : memref<8x2200x32xf32, #tpu.memory_space<vmem>>, vector<1x2200x32xf32>,
    %slice3A_43 = vector.extract_strided_slice %add3A_9 {offsets = [0, 160], sizes = [2200, 32], strides = [1, 1]} : vector<2200x256xf32> to vector<2200x32xf32>
    %swap3A_44 = arith.constant 5 : index
    %swap3A_45 = arith.constant 0 : index
    %swap3A_46 = arith.constant 0 : index
    %swap3A_47 = vector.load %arg4[%swap3A_44, %swap3A_45, %swap3A_46] : memref<8x2200x32xf32, #tpu.memory_space<vmem>>, vector<1x2200x32xf32>
    %swap3A_48 = vector.shape_cast %swap3A_47 : vector<1x2200x32xf32> to vector<2200x32xf32>
    %swap3A_49 = vector.shape_cast %slice3A_43 : vector<2200x32xf32> to vector<1x2200x32xf32>
    tpu.vector_store %arg4[%swap3A_44, %swap3A_45, %swap3A_46], %swap3A_49 {strides = array<i32>} : memref<8x2200x32xf32, #tpu.memory_space<vmem>>, vector<1x2200x32xf32>,
    %slice3A_50 = vector.extract_strided_slice %add3A_9 {offsets = [0, 192], sizes = [2200, 32], strides = [1, 1]} : vector<2200x256xf32> to vector<2200x32xf32>
    %swap3A_51 = arith.constant 6 : index
    %swap3A_52 = arith.constant 0 : index
    %swap3A_53 = arith.constant 0 : index
    %swap3A_54 = vector.load %arg4[%swap3A_51, %swap3A_52, %swap3A_53] : memref<8x2200x32xf32, #tpu.memory_space<vmem>>, vector<1x2200x32xf32>
    %swap3A_55 = vector.shape_cast %swap3A_54 : vector<1x2200x32xf32> to vector<2200x32xf32>
    %swap3A_56 = vector.shape_cast %slice3A_50 : vector<2200x32xf32> to vector<1x2200x32xf32>
    tpu.vector_store %arg4[%swap3A_51, %swap3A_52, %swap3A_53], %swap3A_56 {strides = array<i32>} : memref<8x2200x32xf32, #tpu.memory_space<vmem>>, vector<1x2200x32xf32>,
    %slice3A_57 = vector.extract_strided_slice %add3A_9 {offsets = [0, 224], sizes = [2200, 32], strides = [1, 1]} : vector<2200x256xf32> to vector<2200x32xf32>
    %swap3A_58 = arith.constant 7 : index
    %swap3A_59 = arith.constant 0 : index
    %swap3A_60 = arith.constant 0 : index
    %swap3A_61 = vector.load %arg4[%swap3A_58, %swap3A_59, %swap3A_60] : memref<8x2200x32xf32, #tpu.memory_space<vmem>>, vector<1x2200x32xf32>
    %swap3A_62 = vector.shape_cast %swap3A_61 : vector<1x2200x32xf32> to vector<2200x32xf32>
    %swap3A_63 = vector.shape_cast %slice3A_57 : vector<2200x32xf32> to vector<1x2200x32xf32>
    tpu.vector_store %arg4[%swap3A_58, %swap3A_59, %swap3A_60], %swap3A_63 {strides = array<i32>} : memref<8x2200x32xf32, #tpu.memory_space<vmem>>, vector<1x2200x32xf32>,
    return
  }
  func.func @transform_0(%arg0: i32) -> (i32, i32) {
    %c0_i32 = arith.constant 0 : i32
    %c0_i32_0 = arith.constant 0 : i32
    return %arg0, %c0_i32 : i32, i32
  }
  func.func @transform_1(%arg0: i32) -> (i32, i32) {
    %c0_i32 = arith.constant 0 : i32
    %c0_i32_0 = arith.constant 0 : i32
    %c0_i32_1 = arith.constant 0 : i32
    return %c0_i32, %c0_i32_0 : i32, i32
  }
  func.func @transform_2(%arg0: i32) -> (i32, i32) {
    %c0_i32 = arith.constant 0 : i32
    %c0_i32_0 = arith.constant 0 : i32
    %c0_i32_1 = arith.constant 0 : i32
    return %c0_i32, %c0_i32_0 : i32, i32
  }
  func.func @transform_3(%arg0: i32) -> (i32, i32, i32) {
    %c0_i32 = arith.constant 0 : i32
    %c0_i32_0 = arith.constant 0 : i32
    %c0_i32_1 = arith.constant 0 : i32
    return %c0_i32, %arg0, %c0_i32_0 : i32, i32, i32
  }
}

module attributes {stable_mosaic.version = 14 : i64} {
  func.func @_prep_body(%arg0: i32, %arg1: memref<2000x256xf32, #tpu.memory_space<vmem>>, %arg2: memref<2000x8xf32, #tpu.memory_space<vmem>>, %arg3: memref<256x192xf32, #tpu.memory_space<vmem>>, %arg4: memref<1x192xf32, #tpu.memory_space<vmem>>, %arg5: memref<8x128xf32, #tpu.memory_space<vmem>>, %arg6: memref<2000x128xi32, #tpu.memory_space<vmem>>, %arg7: memref<2000x128xi32, #tpu.memory_space<vmem>>, %arg8: memref<2000x128xf32, #tpu.memory_space<vmem>>, %arg9: memref<2000x128xf32, #tpu.memory_space<vmem>>) attributes {dimension_semantics = [#tpu.dimension_semantics<arbitrary>], iteration_bounds = array<i64: 20>, scalar_prefetch = 0 : i64, scratch_operands = 0 : i64, tpu.core_type = #tpu.core_type<tc>, window_params = [{transform_indices = @transform_0, window_bounds = array<i64: 2000, 256>}, {transform_indices = @transform_1, window_bounds = array<i64: 2000, 8>}, {pipeline_mode = #tpu.pipeline_mode<synchronous>, transform_indices = @transform_2, window_bounds = array<i64: 256, 192>}, {pipeline_mode = #tpu.pipeline_mode<synchronous>, transform_indices = @transform_3, window_bounds = array<i64: 1, 192>}, {pipeline_mode = #tpu.pipeline_mode<synchronous>, transform_indices = @transform_4, window_bounds = array<i64: 8, 128>}, {transform_indices = @transform_5, window_bounds = array<i64: 2000, 128>}, {transform_indices = @transform_6, window_bounds = array<i64: 2000, 128>}, {transform_indices = @transform_7, window_bounds = array<i64: 2000, 128>}, {transform_indices = @transform_8, window_bounds = array<i64: 2000, 128>}]} {
    %get3A = arith.constant 0 : index
    %get3A_0 = arith.constant 0 : index
    %get3A_1 = vector.load %arg1[%get3A, %get3A_0] : memref<2000x256xf32, #tpu.memory_space<vmem>>, vector<2000x256xf32>
    %get3A_2 = arith.constant 0 : index
    %get3A_3 = arith.constant 0 : index
    %get3A_4 = vector.load %arg3[%get3A_2, %get3A_3] : memref<256x192xf32, #tpu.memory_space<vmem>>, vector<256x192xf32>
    %dot_general3A = arith.constant dense<0.000000e+00> : vector<2000x192xf32>
    %dot_general3A_5 = tpu.matmul %get3A_1, %get3A_4, %dot_general3A {dimension_numbers = #tpu.dot_dimension_numbers<[1], [0], [0], [1], [0, 0, 1, 1], [], []>, precision = #tpu.contract_precision<fp32>, transpose_lhs_hint = false} : vector<2000x256xf32>, vector<256x192xf32>, vector<2000x192xf32> -> vector<2000x192xf32>
    %get3A_6 = arith.constant 0 : index
    %get3A_7 = arith.constant 0 : index
    %get3A_8 = vector.load %arg4[%get3A_6, %get3A_7] : memref<1x192xf32, #tpu.memory_space<vmem>>, vector<1x192xf32>
    %add3A = vector.broadcast %get3A_8 : vector<1x192xf32> to vector<2000x192xf32>
    %add3A_9 = arith.addf %dot_general3A_5, %add3A : vector<2000x192xf32>
    %slice3A = vector.extract_strided_slice %add3A_9 {offsets = [0, 0], sizes = [2000, 64], strides = [1, 1]} : vector<2000x192xf32> to vector<2000x64xf32>
    %slice3A_10 = vector.extract_strided_slice %add3A_9 {offsets = [0, 64], sizes = [2000, 64], strides = [1, 1]} : vector<2000x192xf32> to vector<2000x64xf32>
    %slice3A_11 = vector.extract_strided_slice %add3A_9 {offsets = [0, 128], sizes = [2000, 64], strides = [1, 1]} : vector<2000x192xf32> to vector<2000x64xf32>
    %exp3A = math.exp %slice3A_11 : vector<2000x64xf32>
    %iota3A = tpu.iota {dimensions = array<i32: 0>} : vector<64x64xi32>
    %iota3A_12 = tpu.iota {dimensions = array<i32: 1>} : vector<64x64xi32>
    %jit3A = arith.constant 8 : i32
    %div3A = vector.broadcast %jit3A : i32 to vector<64x64xi32>
    %div3A_13 = arith.divsi %iota3A, %div3A : vector<64x64xi32>
    %sign3A = arith.constant 0 : i32
    %sign3A_14 = vector.broadcast %sign3A : i32 to vector<64x64xi32>
    %sign3A_15 = arith.cmpi sgt, %iota3A, %sign3A_14 : vector<64x64xi32>
    %sign3A_16 = arith.extui %sign3A_15 : vector<64x64xi1> to vector<64x64xi32>
    %sign3A_17 = arith.constant 0 : i32
    %sign3A_18 = vector.broadcast %sign3A_17 : i32 to vector<64x64xi32>
    %sign3A_19 = arith.cmpi slt, %iota3A, %sign3A_18 : vector<64x64xi32>
    %sign3A_20 = arith.extui %sign3A_19 : vector<64x64xi1> to vector<64x64xi32>
    %sign3A_21 = arith.subi %sign3A_16, %sign3A_20 : vector<64x64xi32>
    %sign3A_22 = arith.constant 0 : i32
    %sign3A_23 = arith.cmpi sgt, %jit3A, %sign3A_22 : i32
    %sign3A_24 = arith.extui %sign3A_23 : i1 to i32
    %sign3A_25 = arith.constant 0 : i32
    %sign3A_26 = arith.cmpi slt, %jit3A, %sign3A_25 : i32
    %sign3A_27 = arith.extui %sign3A_26 : i1 to i32
    %sign3A_28 = arith.subi %sign3A_24, %sign3A_27 : i32
    %ne3A = vector.broadcast %sign3A_28 : i32 to vector<64x64xi32>
    %ne3A_29 = arith.cmpi ne, %sign3A_21, %ne3A : vector<64x64xi32>
    %rem3A = vector.broadcast %jit3A : i32 to vector<64x64xi32>
    %rem3A_30 = arith.remsi %iota3A, %rem3A : vector<64x64xi32>
    %ne3A_31 = arith.constant 0 : i32
    %ne3A_32 = vector.broadcast %ne3A_31 : i32 to vector<64x64xi32>
    %ne3A_33 = arith.cmpi ne, %rem3A_30, %ne3A_32 : vector<64x64xi32>
    %and3A = arith.andi %ne3A_29, %ne3A_33 : vector<64x64xi1>
    %sub3A = arith.constant 1 : i32
    %sub3A_34 = vector.broadcast %sub3A : i32 to vector<64x64xi32>
    %sub3A_35 = arith.subi %div3A_13, %sub3A_34 : vector<64x64xi32>
    %select_n3A = arith.select %and3A, %sub3A_35, %div3A_13 : vector<64x64xi1>, vector<64x64xi32>
    %jit3A_36 = arith.constant 8 : i32
    %div3A_37 = vector.broadcast %jit3A_36 : i32 to vector<64x64xi32>
    %div3A_38 = arith.divsi %iota3A_12, %div3A_37 : vector<64x64xi32>
    %sign3A_39 = arith.constant 0 : i32
    %sign3A_40 = vector.broadcast %sign3A_39 : i32 to vector<64x64xi32>
    %sign3A_41 = arith.cmpi sgt, %iota3A_12, %sign3A_40 : vector<64x64xi32>
    %sign3A_42 = arith.extui %sign3A_41 : vector<64x64xi1> to vector<64x64xi32>
    %sign3A_43 = arith.constant 0 : i32
    %sign3A_44 = vector.broadcast %sign3A_43 : i32 to vector<64x64xi32>
    %sign3A_45 = arith.cmpi slt, %iota3A_12, %sign3A_44 : vector<64x64xi32>
    %sign3A_46 = arith.extui %sign3A_45 : vector<64x64xi1> to vector<64x64xi32>
    %sign3A_47 = arith.subi %sign3A_42, %sign3A_46 : vector<64x64xi32>
    %sign3A_48 = arith.constant 0 : i32
    %sign3A_49 = arith.cmpi sgt, %jit3A_36, %sign3A_48 : i32
    %sign3A_50 = arith.extui %sign3A_49 : i1 to i32
    %sign3A_51 = arith.constant 0 : i32
    %sign3A_52 = arith.cmpi slt, %jit3A_36, %sign3A_51 : i32
    %sign3A_53 = arith.extui %sign3A_52 : i1 to i32
    %sign3A_54 = arith.subi %sign3A_50, %sign3A_53 : i32
    %ne3A_55 = vector.broadcast %sign3A_54 : i32 to vector<64x64xi32>
    %ne3A_56 = arith.cmpi ne, %sign3A_47, %ne3A_55 : vector<64x64xi32>
    %rem3A_57 = vector.broadcast %jit3A_36 : i32 to vector<64x64xi32>
    %rem3A_58 = arith.remsi %iota3A_12, %rem3A_57 : vector<64x64xi32>
    %ne3A_59 = arith.constant 0 : i32
    %ne3A_60 = vector.broadcast %ne3A_59 : i32 to vector<64x64xi32>
    %ne3A_61 = arith.cmpi ne, %rem3A_58, %ne3A_60 : vector<64x64xi32>
    %and3A_62 = arith.andi %ne3A_56, %ne3A_61 : vector<64x64xi1>
    %sub3A_63 = arith.constant 1 : i32
    %sub3A_64 = vector.broadcast %sub3A_63 : i32 to vector<64x64xi32>
    %sub3A_65 = arith.subi %div3A_38, %sub3A_64 : vector<64x64xi32>
    %select_n3A_66 = arith.select %and3A_62, %sub3A_65, %div3A_38 : vector<64x64xi1>, vector<64x64xi32>
    %eq3A = arith.cmpi eq, %select_n3A, %select_n3A_66 : vector<64x64xi32>
    %convert_element_type3A = arith.extui %eq3A : vector<64x64xi1> to vector<64x64xi32>
    %convert_element_type3A_67 = arith.sitofp %convert_element_type3A : vector<64x64xi32> to vector<64x64xf32>
    %dot_general3A_68 = arith.constant dense<0.000000e+00> : vector<2000x64xf32>
    %dot_general3A_69 = tpu.matmul %exp3A, %convert_element_type3A_67, %dot_general3A_68 {dimension_numbers = #tpu.dot_dimension_numbers<[1], [0], [0], [1], [0, 0, 1, 1], [], []>, precision = #tpu.contract_precision<fp32>, transpose_lhs_hint = false} : vector<2000x64xf32>, vector<64x64xf32>, vector<2000x64xf32> -> vector<2000x64xf32>
    %div3A_70 = arith.divf %exp3A, %dot_general3A_69 : vector<2000x64xf32>
    %get3A_71 = arith.constant 0 : index
    %get3A_72 = arith.constant 0 : index
    %get3A_73 = vector.load %arg2[%get3A_71, %get3A_72] : memref<2000x8xf32, #tpu.memory_space<vmem>>, vector<2000x8xf32>
    %get3A_74 = arith.constant 0 : index
    %get3A_75 = arith.constant 0 : index
    %get3A_76 = vector.load %arg5[%get3A_74, %get3A_75] : memref<8x128xf32, #tpu.memory_space<vmem>>, vector<8x128xf32>
    %dot_general3A_77 = arith.constant dense<0.000000e+00> : vector<2000x128xf32>
    %dot_general3A_78 = tpu.matmul %get3A_73, %get3A_76, %dot_general3A_77 {dimension_numbers = #tpu.dot_dimension_numbers<[1], [0], [0], [1], [0, 0, 1, 1], [], []>, precision = #tpu.contract_precision<fp32>, transpose_lhs_hint = false} : vector<2000x8xf32>, vector<8x128xf32>, vector<2000x128xf32> -> vector<2000x128xf32>
    %slice3A_79 = vector.extract_strided_slice %dot_general3A_78 {offsets = [0, 0], sizes = [2000, 64], strides = [1, 1]} : vector<2000x128xf32> to vector<2000x64xf32>
    %add3A_80 = arith.addf %slice3A_79, %slice3A : vector<2000x64xf32>
    %sub3A_81 = arith.constant 5.000000e-01 : f32
    %sub3A_82 = vector.broadcast %sub3A_81 : f32 to vector<2000x64xf32>
    %sub3A_83 = arith.subf %add3A_80, %sub3A_82 : vector<2000x64xf32>
    %slice3A_84 = vector.extract_strided_slice %dot_general3A_78 {offsets = [0, 64], sizes = [2000, 64], strides = [1, 1]} : vector<2000x128xf32> to vector<2000x64xf32>
    %add3A_85 = arith.addf %slice3A_84, %slice3A_10 : vector<2000x64xf32>
    %sub3A_86 = arith.constant 5.000000e-01 : f32
    %sub3A_87 = vector.broadcast %sub3A_86 : f32 to vector<2000x64xf32>
    %sub3A_88 = arith.subf %add3A_85, %sub3A_87 : vector<2000x64xf32>
    %floor3A = math.floor %sub3A_83 : vector<2000x64xf32>
    %floor3A_89 = math.floor %sub3A_88 : vector<2000x64xf32>
    %sub3A_90 = arith.subf %sub3A_83, %floor3A : vector<2000x64xf32>
    %sub3A_91 = arith.subf %sub3A_88, %floor3A_89 : vector<2000x64xf32>
    %sub3A_92 = arith.constant 1.000000e+00 : f32
    %sub3A_93 = vector.broadcast %sub3A_92 : f32 to vector<2000x64xf32>
    %sub3A_94 = arith.subf %sub3A_93, %sub3A_90 : vector<2000x64xf32>
    %ge3A = arith.constant 0.000000e+00 : f32
    %ge3A_95 = vector.broadcast %ge3A : f32 to vector<2000x64xf32>
    %ge3A_96 = arith.cmpf oge, %floor3A, %ge3A_95 : vector<2000x64xf32>
    %le3A = arith.constant 1.750000e+02 : f32
    %le3A_97 = vector.broadcast %le3A : f32 to vector<2000x64xf32>
    %le3A_98 = arith.cmpf ole, %floor3A, %le3A_97 : vector<2000x64xf32>
    %and3A_99 = arith.andi %ge3A_96, %le3A_98 : vector<2000x64xi1>
    %convert_element_type3A_100 = arith.extui %and3A_99 : vector<2000x64xi1> to vector<2000x64xi32>
    %convert_element_type3A_101 = arith.sitofp %convert_element_type3A_100 : vector<2000x64xi32> to vector<2000x64xf32>
    %mul3A = arith.mulf %sub3A_94, %convert_element_type3A_101 : vector<2000x64xf32>
    %mul3A_102 = arith.mulf %mul3A, %div3A_70 : vector<2000x64xf32>
    %ge3A_103 = arith.constant -1.000000e+00 : f32
    %ge3A_104 = vector.broadcast %ge3A_103 : f32 to vector<2000x64xf32>
    %ge3A_105 = arith.cmpf oge, %floor3A, %ge3A_104 : vector<2000x64xf32>
    %le3A_106 = arith.constant 1.740000e+02 : f32
    %le3A_107 = vector.broadcast %le3A_106 : f32 to vector<2000x64xf32>
    %le3A_108 = arith.cmpf ole, %floor3A, %le3A_107 : vector<2000x64xf32>
    %and3A_109 = arith.andi %ge3A_105, %le3A_108 : vector<2000x64xi1>
    %convert_element_type3A_110 = arith.extui %and3A_109 : vector<2000x64xi1> to vector<2000x64xi32>
    %convert_element_type3A_111 = arith.sitofp %convert_element_type3A_110 : vector<2000x64xi32> to vector<2000x64xf32>
    %mul3A_112 = arith.mulf %sub3A_90, %convert_element_type3A_111 : vector<2000x64xf32>
    %mul3A_113 = arith.mulf %mul3A_112, %div3A_70 : vector<2000x64xf32>
    %sub3A_114 = arith.constant 1.000000e+00 : f32
    %sub3A_115 = vector.broadcast %sub3A_114 : f32 to vector<2000x64xf32>
    %sub3A_116 = arith.subf %sub3A_115, %sub3A_91 : vector<2000x64xf32>
    %ge3A_117 = arith.constant 0.000000e+00 : f32
    %ge3A_118 = vector.broadcast %ge3A_117 : f32 to vector<2000x64xf32>
    %ge3A_119 = arith.cmpf oge, %floor3A_89, %ge3A_118 : vector<2000x64xf32>
    %le3A_120 = arith.constant 9.900000e+01 : f32
    %le3A_121 = vector.broadcast %le3A_120 : f32 to vector<2000x64xf32>
    %le3A_122 = arith.cmpf ole, %floor3A_89, %le3A_121 : vector<2000x64xf32>
    %and3A_123 = arith.andi %ge3A_119, %le3A_122 : vector<2000x64xi1>
    %convert_element_type3A_124 = arith.extui %and3A_123 : vector<2000x64xi1> to vector<2000x64xi32>
    %convert_element_type3A_125 = arith.sitofp %convert_element_type3A_124 : vector<2000x64xi32> to vector<2000x64xf32>
    %mul3A_126 = arith.mulf %sub3A_116, %convert_element_type3A_125 : vector<2000x64xf32>
    %ge3A_127 = arith.constant -1.000000e+00 : f32
    %ge3A_128 = vector.broadcast %ge3A_127 : f32 to vector<2000x64xf32>
    %ge3A_129 = arith.cmpf oge, %floor3A_89, %ge3A_128 : vector<2000x64xf32>
    %le3A_130 = arith.constant 9.800000e+01 : f32
    %le3A_131 = vector.broadcast %le3A_130 : f32 to vector<2000x64xf32>
    %le3A_132 = arith.cmpf ole, %floor3A_89, %le3A_131 : vector<2000x64xf32>
    %and3A_133 = arith.andi %ge3A_129, %le3A_132 : vector<2000x64xi1>
    %convert_element_type3A_134 = arith.extui %and3A_133 : vector<2000x64xi1> to vector<2000x64xi32>
    %convert_element_type3A_135 = arith.sitofp %convert_element_type3A_134 : vector<2000x64xi32> to vector<2000x64xf32>
    %mul3A_136 = arith.mulf %sub3A_91, %convert_element_type3A_135 : vector<2000x64xf32>
    %iota3A_137 = tpu.iota {dimensions = array<i32: 1>} : vector<2000x64xi32>
    %jit3A_138 = arith.constant 8 : i32
    %div3A_139 = vector.broadcast %jit3A_138 : i32 to vector<2000x64xi32>
    %div3A_140 = arith.divsi %iota3A_137, %div3A_139 : vector<2000x64xi32>
    %sign3A_141 = arith.constant 0 : i32
    %sign3A_142 = vector.broadcast %sign3A_141 : i32 to vector<2000x64xi32>
    %sign3A_143 = arith.cmpi sgt, %iota3A_137, %sign3A_142 : vector<2000x64xi32>
    %sign3A_144 = arith.extui %sign3A_143 : vector<2000x64xi1> to vector<2000x64xi32>
    %sign3A_145 = arith.constant 0 : i32
    %sign3A_146 = vector.broadcast %sign3A_145 : i32 to vector<2000x64xi32>
    %sign3A_147 = arith.cmpi slt, %iota3A_137, %sign3A_146 : vector<2000x64xi32>
    %sign3A_148 = arith.extui %sign3A_147 : vector<2000x64xi1> to vector<2000x64xi32>
    %sign3A_149 = arith.subi %sign3A_144, %sign3A_148 : vector<2000x64xi32>
    %sign3A_150 = arith.constant 0 : i32
    %sign3A_151 = arith.cmpi sgt, %jit3A_138, %sign3A_150 : i32
    %sign3A_152 = arith.extui %sign3A_151 : i1 to i32
    %sign3A_153 = arith.constant 0 : i32
    %sign3A_154 = arith.cmpi slt, %jit3A_138, %sign3A_153 : i32
    %sign3A_155 = arith.extui %sign3A_154 : i1 to i32
    %sign3A_156 = arith.subi %sign3A_152, %sign3A_155 : i32
    %ne3A_157 = vector.broadcast %sign3A_156 : i32 to vector<2000x64xi32>
    %ne3A_158 = arith.cmpi ne, %sign3A_149, %ne3A_157 : vector<2000x64xi32>
    %rem3A_159 = vector.broadcast %jit3A_138 : i32 to vector<2000x64xi32>
    %rem3A_160 = arith.remsi %iota3A_137, %rem3A_159 : vector<2000x64xi32>
    %ne3A_161 = arith.constant 0 : i32
    %ne3A_162 = vector.broadcast %ne3A_161 : i32 to vector<2000x64xi32>
    %ne3A_163 = arith.cmpi ne, %rem3A_160, %ne3A_162 : vector<2000x64xi32>
    %and3A_164 = arith.andi %ne3A_158, %ne3A_163 : vector<2000x64xi1>
    %sub3A_165 = arith.constant 1 : i32
    %sub3A_166 = vector.broadcast %sub3A_165 : i32 to vector<2000x64xi32>
    %sub3A_167 = arith.subi %div3A_140, %sub3A_166 : vector<2000x64xi32>
    %select_n3A_168 = arith.select %and3A_164, %sub3A_167, %div3A_140 : vector<2000x64xi1>, vector<2000x64xi32>
    %mul3A_169 = arith.constant 17600 : i32
    %mul3A_170 = vector.broadcast %mul3A_169 : i32 to vector<2000x64xi32>
    %mul3A_171 = arith.muli %select_n3A_168, %mul3A_170 : vector<2000x64xi32>
    %jit3A_172 = arith.constant 0.000000e+00 : f32
    %jit3A_173 = arith.constant 1.750000e+02 : f32
    %max3A = vector.broadcast %jit3A_172 : f32 to vector<2000x64xf32>
    %max3A_174 = arith.maximumf %max3A, %floor3A : vector<2000x64xf32>
    %min3A = vector.broadcast %jit3A_173 : f32 to vector<2000x64xf32>
    %min3A_175 = arith.minimumf %min3A, %max3A_174 : vector<2000x64xf32>
    %convert_element_type3A_176 = arith.fptosi %min3A_175 : vector<2000x64xf32> to vector<2000x64xi32>
    %jit3A_177 = arith.constant 0.000000e+00 : f32
    %jit3A_178 = arith.constant 9.900000e+01 : f32
    %max3A_179 = vector.broadcast %jit3A_177 : f32 to vector<2000x64xf32>
    %max3A_180 = arith.maximumf %max3A_179, %floor3A_89 : vector<2000x64xf32>
    %min3A_181 = vector.broadcast %jit3A_178 : f32 to vector<2000x64xf32>
    %min3A_182 = arith.minimumf %min3A_181, %max3A_180 : vector<2000x64xf32>
    %convert_element_type3A_183 = arith.fptosi %min3A_182 : vector<2000x64xf32> to vector<2000x64xi32>
    %add3A_184 = arith.constant 1.000000e+00 : f32
    %add3A_185 = vector.broadcast %add3A_184 : f32 to vector<2000x64xf32>
    %add3A_186 = arith.addf %floor3A, %add3A_185 : vector<2000x64xf32>
    %jit3A_187 = arith.constant 0.000000e+00 : f32
    %jit3A_188 = arith.constant 1.750000e+02 : f32
    %max3A_189 = vector.broadcast %jit3A_187 : f32 to vector<2000x64xf32>
    %max3A_190 = arith.maximumf %max3A_189, %add3A_186 : vector<2000x64xf32>
    %min3A_191 = vector.broadcast %jit3A_188 : f32 to vector<2000x64xf32>
    %min3A_192 = arith.minimumf %min3A_191, %max3A_190 : vector<2000x64xf32>
    %convert_element_type3A_193 = arith.fptosi %min3A_192 : vector<2000x64xf32> to vector<2000x64xi32>
    %add3A_194 = arith.constant 1.000000e+00 : f32
    %add3A_195 = vector.broadcast %add3A_194 : f32 to vector<2000x64xf32>
    %add3A_196 = arith.addf %floor3A_89, %add3A_195 : vector<2000x64xf32>
    %jit3A_197 = arith.constant 0.000000e+00 : f32
    %jit3A_198 = arith.constant 9.900000e+01 : f32
    %max3A_199 = vector.broadcast %jit3A_197 : f32 to vector<2000x64xf32>
    %max3A_200 = arith.maximumf %max3A_199, %add3A_196 : vector<2000x64xf32>
    %min3A_201 = vector.broadcast %jit3A_198 : f32 to vector<2000x64xf32>
    %min3A_202 = arith.minimumf %min3A_201, %max3A_200 : vector<2000x64xf32>
    %convert_element_type3A_203 = arith.fptosi %min3A_202 : vector<2000x64xf32> to vector<2000x64xi32>
    %mul3A_204 = arith.constant 176 : i32
    %mul3A_205 = vector.broadcast %mul3A_204 : i32 to vector<2000x64xi32>
    %mul3A_206 = arith.muli %convert_element_type3A_183, %mul3A_205 : vector<2000x64xi32>
    %add3A_207 = arith.addi %mul3A_206, %mul3A_171 : vector<2000x64xi32>
    %mul3A_208 = arith.constant 176 : i32
    %mul3A_209 = vector.broadcast %mul3A_208 : i32 to vector<2000x64xi32>
    %mul3A_210 = arith.muli %convert_element_type3A_203, %mul3A_209 : vector<2000x64xi32>
    %add3A_211 = arith.addi %mul3A_210, %mul3A_171 : vector<2000x64xi32>
    %add3A_212 = arith.addi %add3A_207, %convert_element_type3A_176 : vector<2000x64xi32>
    %add3A_213 = arith.addi %add3A_207, %convert_element_type3A_193 : vector<2000x64xi32>
    %concatenate3A = tpu.concatenate %add3A_212, %add3A_213 in 1 : vector<2000x64xi32>, vector<2000x64xi32> -> vector<2000x128xi32>
    %swap3A = arith.constant 0 : index
    %swap3A_214 = arith.constant 0 : index
    %swap3A_215 = vector.load %arg6[%swap3A, %swap3A_214] : memref<2000x128xi32, #tpu.memory_space<vmem>>, vector<2000x128xi32>
    tpu.vector_store %arg6[%swap3A, %swap3A_214], %concatenate3A {strides = array<i32>} : memref<2000x128xi32, #tpu.memory_space<vmem>>, vector<2000x128xi32>,
    %add3A_216 = arith.addi %add3A_211, %convert_element_type3A_176 : vector<2000x64xi32>
    %add3A_217 = arith.addi %add3A_211, %convert_element_type3A_193 : vector<2000x64xi32>
    %concatenate3A_218 = tpu.concatenate %add3A_216, %add3A_217 in 1 : vector<2000x64xi32>, vector<2000x64xi32> -> vector<2000x128xi32>
    %swap3A_219 = arith.constant 0 : index
    %swap3A_220 = arith.constant 0 : index
    %swap3A_221 = vector.load %arg7[%swap3A_219, %swap3A_220] : memref<2000x128xi32, #tpu.memory_space<vmem>>, vector<2000x128xi32>
    tpu.vector_store %arg7[%swap3A_219, %swap3A_220], %concatenate3A_218 {strides = array<i32>} : memref<2000x128xi32, #tpu.memory_space<vmem>>, vector<2000x128xi32>,
    %mul3A_222 = arith.mulf %mul3A_102, %mul3A_126 : vector<2000x64xf32>
    %mul3A_223 = arith.mulf %mul3A_113, %mul3A_126 : vector<2000x64xf32>
    %concatenate3A_224 = tpu.concatenate %mul3A_222, %mul3A_223 in 1 : vector<2000x64xf32>, vector<2000x64xf32> -> vector<2000x128xf32>
    %swap3A_225 = arith.constant 0 : index
    %swap3A_226 = arith.constant 0 : index
    %swap3A_227 = vector.load %arg8[%swap3A_225, %swap3A_226] : memref<2000x128xf32, #tpu.memory_space<vmem>>, vector<2000x128xf32>
    tpu.vector_store %arg8[%swap3A_225, %swap3A_226], %concatenate3A_224 {strides = array<i32>} : memref<2000x128xf32, #tpu.memory_space<vmem>>, vector<2000x128xf32>,
    %mul3A_228 = arith.mulf %mul3A_102, %mul3A_136 : vector<2000x64xf32>
    %mul3A_229 = arith.mulf %mul3A_113, %mul3A_136 : vector<2000x64xf32>
    %concatenate3A_230 = tpu.concatenate %mul3A_228, %mul3A_229 in 1 : vector<2000x64xf32>, vector<2000x64xf32> -> vector<2000x128xf32>
    %swap3A_231 = arith.constant 0 : index
    %swap3A_232 = arith.constant 0 : index
    %swap3A_233 = vector.load %arg9[%swap3A_231, %swap3A_232] : memref<2000x128xf32, #tpu.memory_space<vmem>>, vector<2000x128xf32>
    tpu.vector_store %arg9[%swap3A_231, %swap3A_232], %concatenate3A_230 {strides = array<i32>} : memref<2000x128xf32, #tpu.memory_space<vmem>>, vector<2000x128xf32>,
    return
  }
  func.func @transform_0(%arg0: i32) -> (i32, i32) {
    %c0_i32 = arith.constant 0 : i32
    %c0_i32_0 = arith.constant 0 : i32
    return %arg0, %c0_i32 : i32, i32
  }
  func.func @transform_1(%arg0: i32) -> (i32, i32) {
    %c0_i32 = arith.constant 0 : i32
    %c0_i32_0 = arith.constant 0 : i32
    return %arg0, %c0_i32 : i32, i32
  }
  func.func @transform_2(%arg0: i32) -> (i32, i32) {
    %c0_i32 = arith.constant 0 : i32
    %c0_i32_0 = arith.constant 0 : i32
    %c0_i32_1 = arith.constant 0 : i32
    return %c0_i32, %c0_i32_0 : i32, i32
  }
  func.func @transform_3(%arg0: i32) -> (i32, i32) {
    %c0_i32 = arith.constant 0 : i32
    %c0_i32_0 = arith.constant 0 : i32
    %c0_i32_1 = arith.constant 0 : i32
    return %c0_i32, %c0_i32_0 : i32, i32
  }
  func.func @transform_4(%arg0: i32) -> (i32, i32) {
    %c0_i32 = arith.constant 0 : i32
    %c0_i32_0 = arith.constant 0 : i32
    %c0_i32_1 = arith.constant 0 : i32
    return %c0_i32, %c0_i32_0 : i32, i32
  }
  func.func @transform_5(%arg0: i32) -> (i32, i32) {
    %c0_i32 = arith.constant 0 : i32
    %c0_i32_0 = arith.constant 0 : i32
    return %arg0, %c0_i32 : i32, i32
  }
  func.func @transform_6(%arg0: i32) -> (i32, i32) {
    %c0_i32 = arith.constant 0 : i32
    %c0_i32_0 = arith.constant 0 : i32
    return %arg0, %c0_i32 : i32, i32
  }
  func.func @transform_7(%arg0: i32) -> (i32, i32) {
    %c0_i32 = arith.constant 0 : i32
    %c0_i32_0 = arith.constant 0 : i32
    return %arg0, %c0_i32 : i32, i32
  }
  func.func @transform_8(%arg0: i32) -> (i32, i32) {
    %c0_i32 = arith.constant 0 : i32
    %c0_i32_0 = arith.constant 0 : i32
    return %arg0, %c0_i32 : i32, i32
  }
}

</mosaic_0001>

<sc_bundles>
// kernel: kernel.5.cloned.1.call-start
scs
__scs_entry_jumppad:
0x0: {  	(pc) =	sbr.rel $0x88, $3  }
0x1: {  	(tag) =	ssettag $0x0;
	lr =	simm.s32 $0x1  }
0x2: {  	[smem:$0x3F98] =	sst lr;
	_ =	strace $0xD0000000  }
0x3: {  	_ = 	snop  }
0x4: {  	_ = 	snop  }
0x5: {  	_ = 	snop  }
0x6: {  	_ = 	snop  }
0x7: {  	_ = 	snop  }
__scs_overlays_trampoline_lowered:
0x8: {  	[smem:$0x3FA7] =	sst s0  }
0x9: {  	[smem:$0x3FA8] =	sst s1  }
0xa: {  	[smem:$0x3FA9] =	sst s2  }
0xb: {  	[smem:$0x3FAA] =	sst s3  }
0xc: {  	[smem:$0x3FAB] =	sst s4  }
0xd: {  	[smem:$0x3FAC] =	sst s5  }
0xe: {  	[smem:$0x3FAD] =	sst s6  }
0xf: {  	[smem:$0x3FAE] =	sst s7  }
0x10: {  	[smem:$0x3FAF] =	sst s8  }
0x11: {  	[smem:$0x3FB0] =	sst s9;
	s0 =	simm.s32 @!p0 $0x0  }
0x12: {  	s1 =	sld [smem:$0x3F96];
	s0 =	simm.s32 @p0 $0x1  }
0x13: {  	[smem:$0x3FB1] =	sst s0;
	s0 =	simm.s32 @!p1 $0x0  }
0x14: {  	s2 =	sld [smem:$0x3F95];
	s0 =	simm.s32 @p1 $0x1  }
0x15: {  	[smem:$0x3FB2] =	sst s0;
	s0 =	simm.s32 @!p2 $0x0  }
0x16: {  	s3 =	sld [smem:$0x3FDB];
	s0 =	simm.s32 @p2 $0x1  }
0x17: {  	s4 =	simm.s32 $0x1BF5;
	[smem:$0x3FB4] =	sst s0  }
0x18: {  	s0 =	sld [smem:$0x3F97];
	_ =	swait.ge [sflag:s4], $0x0  }
0x19: {  	s7 =	sld [smem:$0x3F98]  }
0x1a: {  	s8 =	sadd.s32 $0xFFFFE003, lr  }
0x1b: {  	s9 =	sadd.s32 $0xFFFFFEF7, lr;
	s5 =	simm.s32 $0xFFFFFFFF;
	p2 =	slt.u32 s8, $0xFFFFF086  }
0x1c: {  	p1 =	slt.u32 s9, $0xF7A;
	s5 =	simm.s32 @!p2 $0x0  }
0x1d: {  	s5 =	simm.s32 @p1 $0x1;
	p0 =	seq.s32 s7, s2  }
0x1e: {  	s7 =	smul.u32 @!p0 $0xF7A, s2;
	p2 =	seq.s32 @!p0 s5, $0x0  }
0x1f: {  	s9 =	smul.u32 $0xF7A, s1;
	s8 =	simm.s32 @!p0 $0x1BF5;
	p2 =	por !p2, p0  }
0x20: {  	[sflag:s8] =	ssyncset.s32 @!p0 $0xFFFFF086;
	s6 =	sadd.s32 @!p0 s3, s7;
	s7 =	simm.s32 @!p0 $0x108  }
0x21: {  	s3 =	sadd.s32 s3, s9;
	s6 =	sadd.s32 @!p0 $0x88, s6;
	s7 =	simm.s32 @p2 $0x1082  }
0x22: {  	[simem:s7], [sflag:s8] =	dma.local @!p0 [hbm:s6], $0xF7A  }
0x23: {  	s9 =	sor.u32 $0xD0000000, s2;
	s6 =	simm.s32 $0x108;
	_ =	swait.ge @!p0 [sflag:s8], $0x0  }
0x24: {  	s3 =	sadd.s32 $0x88, s3;
	s6 =	simm.s32 @!p1 $0x1082;
	[sflag:s4] =	ssyncset.s32 $0xFFFFF086  }
0x25: {  	[simem:s6], [sflag:s4] =	dma.local [hbm:s3], $0xF7A  }
0x26: {  	[smem:$0x3F98] =	sst s1;
	(tag) =	ssettag s2;
	_ =	strace s9  }
0x27: {  	s1 =	sld [smem:$0x3FA8]  }
0x28: {  	s2 =	sld [smem:$0x3FA9]  }
0x29: {  	s4 =	sld [smem:$0x3FAB]  }
0x2a: {  	p0 =	seq.s32 s5, $0x0;
	s5 =	sld [smem:$0x3FAC]  }
0x2b: {  	s6 =	sld [smem:$0x3FAD]  }
0x2c: {  	s7 =	sld [smem:$0x3FAE]  }
0x2d: {  	s3 =	simm.s32 $0x108;
	s8 =	sld [smem:$0x3FAF]  }
0x2e: {  	s3 =	simm.s32 @!p0 $0x1082;
	s9 =	sld [smem:$0x3FB0]  }
0x2f: {  	lr =	sadd.s32 s0, s3;
	s0 =	sld [smem:$0x3FA7]  }
0x30: {  	s3 =	sld [smem:$0x3FAA]  }
0x31: {  	[smem:$0x3FB3] =	sst s10  }
0x32: {  	s10 =	sld [smem:$0x3FB1];
	_ =	sdelay $0x3  }
0x33: {  	p0 =	seq.s32 s10, $0x1;
	s10 =	sld [smem:$0x3FB3];
	_ =	sdelay $0x3  }
0x34: {  	[smem:$0x3FB3] =	sst s10  }
0x35: {  	s10 =	sld [smem:$0x3FB2];
	_ =	sdelay $0x3  }
0x36: {  	p1 =	seq.s32 s10, $0x1;
	s10 =	sld [smem:$0x3FB3];
	_ =	sdelay $0x3  }
0x37: {  	[smem:$0x3FB3] =	sst s10  }
0x38: {  	s10 =	sld [smem:$0x3FB4]  }
0x39: {  	_ = 	snop;
	(pc) =	sbr.ind lr, $3  }
0x3a: {  	_ = 	snop  }
0x3b: {  	_ = 	snop  }
0x3c: {  	p2 =	seq.s32 s10, $0x1;
	s10 =	sld [smem:$0x3FB3]  }
0x3d: {  	_ =	shalt  }
0x3e: {  	_ =	shalt  }
0x3f: {  	_ =	shalt  }
0x40: {  	_ =	shalt  }
0x41: {  	_ =	shalt  }
0x42: {  	_ =	shalt  }
0x43: {  	_ =	shalt  }
0x44: {  	_ =	shalt  }
0x45: {  	_ =	shalt  }
0x46: {  	_ =	shalt  }
0x47: {  	_ =	shalt  }
0x48: {  	_ =	shalt  }
0x49: {  	_ =	shalt  }
0x4a: {  	_ =	shalt  }
0x4b: {  	_ =	shalt  }
0x4c: {  	_ =	shalt  }
0x4d: {  	_ =	shalt  }
0x4e: {  	_ =	shalt  }
0x4f: {  	_ =	shalt  }
0x50: {  	_ =	shalt  }
0x51: {  	_ =	shalt  }
0x52: {  	_ =	shalt  }
0x53: {  	_ =	shalt  }
0x54: {  	_ =	shalt  }
0x55: {  	_ =	shalt  }
0x56: {  	_ =	shalt  }
0x57: {  	_ =	shalt  }
0x58: {  	_ =	shalt  }
0x59: {  	_ =	shalt  }
0x5a: {  	_ =	shalt  }
0x5b: {  	_ =	shalt  }
0x5c: {  	_ =	shalt  }
0x5d: {  	_ =	shalt  }
0x5e: {  	_ =	shalt  }
0x5f: {  	_ =	shalt  }
0x60: {  	_ =	shalt  }
0x61: {  	_ =	shalt  }
0x62: {  	_ =	shalt  }
0x63: {  	_ =	shalt  }
0x64: {  	_ =	shalt  }
0x65: {  	_ =	shalt  }
0x66: {  	_ =	shalt  }
0x67: {  	_ =	shalt  }
0x68: {  	_ =	shalt  }
0x69: {  	_ =	shalt  }
0x6a: {  	_ =	shalt  }
0x6b: {  	_ =	shalt  }
0x6c: {  	_ =	shalt  }
0x6d: {  	_ =	shalt  }
0x6e: {  	_ =	shalt  }
0x6f: {  	_ =	shalt  }
0x70: {  	_ =	shalt  }
0x71: {  	_ =	shalt  }
0x72: {  	_ =	shalt  }
0x73: {  	_ =	shalt  }
0x74: {  	_ =	shalt  }
0x75: {  	_ =	shalt  }
0x76: {  	_ =	shalt  }
0x77: {  	_ =	shalt  }
0x78: {  	_ =	shalt  }
0x79: {  	_ =	shalt  }
0x7a: {  	_ =	shalt  }
0x7b: {  	_ =	shalt  }
0x7c: {  	_ =	shalt  }
0x7d: {  	_ =	shalt  }
0x7e: {  	_ =	shalt  }
0x7f: {  	_ =	shalt  }
0x80: {  	_ =	shalt  }
0x81: {  	_ =	shalt  }
0x82: {  	_ =	shalt  }
0x83: {  	_ =	shalt  }
0x84: {  	_ =	shalt  }
0x85: {  	_ =	shalt  }
0x86: {  	_ =	shalt  }
0x87: {  	_ =	shalt  }
.Lfunc_end0:
.L_simem_size_0:
called_computation_lowered:
.L_overlay_start_0:
0x88: {  	s2 =	sld [smem:$0x3FD9]  }
0x89: {  	s3 =	sld [smem:$0x3FFE];
	_ =	sdelay $0x1  }
0x8a: {  	s1 =	srdreg.scid  }
0x8b: {  	s0 =	sand.u32 $0x1, s1  }
0x8c: {  	s17 =	sshll.u32 s0, $0xA;
	s2 =	sadd.s32 s3, s2  }
0x8d: {  	s2 =	sadd.s32 s2, s17  }
0x8e: {  	[smem:$0x3FBF] =	sst s2  }
0x8f: {  	_ = 	snop  }
0x90: {  	s2 =	sld [smem:$0x3FD0];
	(tm) =	ssettm $0x1  }
0x91: {  	s18 =	sld [smem:$0x3FFB];
	_ =	sdelay $0x3  }
0x92: {  	_ =	strace s18  }
0x93: {  	s3 =	sld [smem:$0x3FFC];
	_ =	sdelay $0x3  }
0x94: {  	_ =	strace s3  }
0x95: {  	s3 =	sld [smem:$0x3FFD];
	_ =	sdelay $0x3  }
0x96: {  	_ =	strace s3  }
0x97: {  	_ =	strace $0x8FFFFFFF  }
0x98: {  	s19 =	sld [smem:$0x3FDB];
	_ =	sdelay $0x1  }
0x99: {  	s4 =	simm.s32 $_scs_section_size  }
0x9a: {  	s5 =	simm.s32 $_size__tile_overlayer_lowered;
	s6 =	simm.s32 $_tile_overlayer_lowered  }
0x9b: {  	s22 =	simm.s32 $0x1BFF;
	s21 =	sshll.u32 s6, $0x1;
	s3 =	sadd.s32 s4, s19  }
0x9c: {  	s7 =	simm.s32 $0x0;
	s20 =	sshll.u32 s5, $0x1;
	s5 =	sadd.s32 s21, s3  }
0x9d: {  	[timem:s7], [sflag:s22] =	dma.local [hbm:s5], s20  }
0x9e: {  	_ =	swait.ge [sflag:s22], s20  }
0x9f: {  	s4 =	ssub.s32 $0x0, s20;
	[sflag:s22] =	ssyncset.done $0x0  }
0xa0: {  	[sflag:s22] =	ssyncadd.s32 s4;
	_ =	sdelay $0x1  }
0xa1: {  	s23 =	simm.s32 $0x1B8B  }
0xa2: {  	_ =	swait.ge [sflag:s23], $0x1  }
0xa3: {  	[sflag:s23] =	ssyncset.done $0x0  }
0xa4: {  	s25 =	simm.s32 $0x1B8E;
	s24 =	sld [smem:$0x3FFE];
	[sflag:s23] =	ssyncadd.s32 $0xFFFFFFFF  }
0xa5: {  	s26 =	simm.s32 $execute0_lowered;
	[smem:$0x3FD2] =	sst s25  }
0xa6: {  	s5 =	sshll.u32 s26, $0x1;
	_ =	strace $0x80000046;
	[dreg:$0x1] =	wrdreg $0xFFFFFFFF  }
0xa7: {  	s28 =	simm.s32 $_size_execute0_lowered;
	s3 =	sadd.s32 s3, s5;
	[dreg:$0x0] =	wrdreg $0x0  }
0xa8: {  	s5 =	sshll.u32 s28, $0x1;
	[dreg:$0x2] =	wrdreg s3  }
0xa9: {  	[dreg:$0x3] =	wrdreg s5  }
0xaa: {  	[dreg:$0x4] =	wrdreg $0xC0  }
0xab: {  	_ =	task [dreg:s7], $0x5FFFF  }
0xac: {  	[dreg:$0x1] =	wrdreg $0xFFFFFFFF  }
0xad: {  	[dreg:$0x0] =	wrdreg $0x60  }
0xae: {  	[dreg:$0x2] =	wrdreg s24  }
0xaf: {  	[dreg:$0x3] =	wrdreg s2  }
0xb0: {  	[dreg:$0x4] =	wrdreg $0x9  }
0xb1: {  	_ =	task.clear_ibuf [dreg:s7], $0x5FFFF;
	_ =	strace $0x90000046  }
0xb2: {  	s29 =	simm.s32 $0x9;
	_ =	strace $0x80000048  }
0xb3: {  	_ =	swait.ge [sflag:s29], $0x1  }
0xb4: {  	[sflag:s29] =	ssyncadd.s32 $0xFFFFFFFF  }
0xb5: {  	_ =	strace $0x90000048  }
0xb6: {  	_ =	sfence  }
0xb7: {  	s30 =	sld [smem:$0x0];
	_ =	sdelay $0x2  }
0xb8: {  	s31 =	sshll.u32 s1, $0xD;
	s1 =	sshrl.u32 s1, $0x2  }
0xb9: {  	s3 =	sand.u32 $0x4000, s31;
	s1 =	sadd.s32 s1, s30  }
0xba: {  	s0 =	sor.u32 s3, s0;
	s1 =	sshll.u32 s1, $0x11  }
0xbb: {  	s0 =	sor.u32 s1, s0  }
0xbc: {  	s0 =	sadd.s32 $0x8F2B, s0  }
0xbd: {  	[sflag:s0] =	ssyncadd.remote.s32 $0x1  }
0xbe: {  	_ =	sfence.sel $0xFFFF  }
0xbf: {  	[dreg:$0x0] =	wrdreg $0xFFFFFFFF;
	(pc) =	sbr.abs _section_cstart, $3  }
0xc0: {  	[dreg:$0x1] =	wrdreg $0xFFFFFFFF  }
0xc1: {  	_ =	task.clear_ibuf [dreg:s7], $0x2FFFF;
	_ =	strace $0x9FFFFFFF  }
0xc2: {  	(tm) =	ssettm $0x7FFFFFFF  }
0xc3: {  	_ =	shalt  }
tec
execute0_lowered:
.L_overlay_start_1:
0x0: {  	(tag) =	ssettag $0x1  }
0x1: {  	s0 =	rddreg [dreg:$0x0]  }
0x2: {  	s2 =	rddreg [dreg:$0x1]  }
0x3: {  	s3 =	simm.s32 $0x0;
	s1 =	srdreg.scid;
	s4 =	stileid.u32  }
0x4: {  	s21 =	simm.s32 $0xA00;
	s23 =	simm.s32 $0x1;
	s24 =	simm.s32 $0x80  }
0x5: {  	s30 =	simm.s32 $0x2;
	s31 =	simm.s32 $0x3;
	[smem:$0x7FF] =	sst s3  }
0x6: {  	s1 =	sand.u32 $0x1, s1;
	s5 =	sshll.u32 s4, $0x1;
	s4 =	sadd.s32 $0x227800, s0  }
0x7: {  	v0 =	vimm.s32 $0x76543210;
	v1 =	vimm.s32 $0x43424140;
	s6 =	sadd.s32 $0x9DC00, s0;
	s7 =	sadd.s32 $0x13A000, s0;
	s9 =	sor.u32 s1, s5  }
0x8: {  	v2 =	vimm.s32 $0x47464544;
	vm0 =	vcmask $0x1F10;
	v3 =	vimm.s32 $0x2;
	s8 =	sadd.s32 $0x2B1000, s0;
	s1 =	ssub.s32 $0x2, s1;
	s10 =	smul.u32 $0x4E20, s9  }
0x9: {  	v4 =	vimm.s32 $0x3;
	v5 =	vimm.s32 $0x4;
	v6 =	vimm.s32 $0x5;
	_ =	strace $0x80000047;
	s11 =	sshrl.u32 s1, $0x1;
	s12 =	smul.u32 $0x27100, s9  }
0xa: {  	v7 =	vimm.s32 $0x6;
	v8 =	vimm.s32 $0x7;
	v9 =	vimm.s32 $0x8;
	s5 =	sadd.s32 $0x1800, s0;
	s0 =	simm.s32 $0x0;
	s25 =	ssub.s32 s1, s11  }
0xb: {  	v10 =	vimm.s32 $0x9;
	v11 =	vimm.s32 $0xA;
	v0 =	vunpack.c.l.s4.s8 v0;
	s26 =	sadd.s32 s2, s10;
	s28 =	sadd.s32 s5, s10;
	s29 =	sshrl.u32 s12, $0x3  }
0xc: {  	v12 =	vimm.s32 $0xB;
	v1 =	vunpack.c.0.s8.s32 v1;
	v2 =	vunpack.c.0.s8.s32 v2;
	s11 =	sadd.s32 s6, s10;
	s12 =	smul.u32 $0x4E2, s9;
	s13 =	sadd.s32 s7, s10  }
0xd: {  	v13 =	vimm.s32 $0xC;
	v14 =	vimm.s32 $0xD;
	v0 =	vunpack.c.0.s8.s32 v0;
	s19 =	smax.u32 s25, $0x1;
	[dreg:$0x3] =	wrdreg s26;
	s1 =	sadd.s32 $0x50, s29  }
0xe: {  	v15 =	vimm.s32 $0xE;
	v16 =	vimm.s32 $0xF;
	v1 =	vsel vm0, v2, v1;
	[dreg:$0x4] =	wrdreg s28;
	s14 =	sadd.s32 s2, s1;
	s15 =	sadd.s32 s5, s1  }
0xf: {  	v2 =	vimm.s32 $0x1;
	v0 =	vcombine.low v0, v1;
	v1 =	vimm.s32 $0x0;
	s16 =	sadd.s32 s6, s1;
	s17 =	sadd.s32 s7, s1;
	s18 =	sadd.s32 $0xA, s12  }
.LBB2_1:
0x10: {  	s1 =	rddreg [dreg:$0x3]  }
0x11: {  	[tilespmem:s3], [sflag:$0x1] =	stream.linear.gather [hbm4b:s1+s3], $0x280, $0x38;
	[tilespmem:$0x16800] =	vst v63  }
0x12: {  	s22 =	rddreg [dreg:$0x4];
	s9 =	simm.s32 $0x280  }
0x13: {  	[tilespmem:s9], [sflag:$0x1] =	stream.linear.gather [hbm4b:s22+s3], $0x280, $0x38;
	[tilespmem:$0x16800] =	vst v63  }
0x14: {  	_ = 	snop  }
0x15: {  	[tilespmem:s21], [sflag:$0x1] =	stream.linear.gather [hbm4b:s11+s3], $0x280, $0x38;
	[tilespmem:$0x16800] =	vst v63  }
0x16: {  	s25 =	simm.s32 $0xC80  }
0x17: {  	[tilespmem:s25], [sflag:$0x1] =	stream.linear.gather [hbm4b:s13+s3], $0x280, $0x38;
	[tilespmem:$0x16800] =	vst v63  }
0x18: {  	_ =	swait.ge [sflag:s23], $0x280  }
0x19: {  	[sflag:s23] =	ssyncset.done $0x0  }
0x1a: {  	[sflag:s23] =	ssyncadd.s32 $0xFFFFFD80  }
0x1b: {  	_ =	swait.ge [sflag:s23], $0x280  }
0x1c: {  	[sflag:s23] =	ssyncset.done $0x0  }
0x1d: {  	s26 =	sand.u32 $0x380, s3;
	s28 =	sand.u32 $0x38, s3;
	[sflag:s23] =	ssyncadd.s32 $0xFFFFFD80  }
0x1e: {  	s1 =	sor.u32 s28, s26;
	_ =	swait.ge [sflag:s23], $0x280  }
0x1f: {  	v17 =	vor.u32 s1, v0;
	[sflag:s23] =	ssyncset.done $0x0  }
0x20: {  	[sflag:s23] =	ssyncadd.s32 $0xFFFFFD80  }
0x21: {  	_ =	swait.ge [sflag:s23], $0x280  }
0x22: {  	[sflag:s23] =	ssyncset.done $0x0  }
0x23: {  	[sflag:s23] =	ssyncadd.s32 $0xFFFFFD80  }
0x24: {  	s1 =	sadd.s32 $0x280, s1;
	v17 =	vld.idx.msk [tilespmem:v17+s3+$0x0], $0xffff  }
0x25: {  	v18 =	vor.u32 s1, v0;
	_ =	sdelay $0x2  }
0x26: {  	s1 =	simm.s32 $0x1410  }
0x27: {  	s29 =	simm.s32 $0x8;
	s20 =	simm.s32 $0x10;
	[tilespmem:s1+$0xFFFFFFF0] =	vst v17  }
0x28: {  	s22 =	sand.u32 $0x380, s20;
	s9 =	simm.s32 $0x10;
	s25 =	sand.u32 $0x38, s29;
	v17 =	vld.idx.msk [tilespmem:v18+s3+$0x0], $0xffff  }
.LBB2_2:
0x29: {  	p0 =	sne.s32 s9, $0x138;
	s10 =	sor.u32 s25, s22  }
0x2a: {  	v18 =	vor.u32 s10, v0;
	_ =	sdelay $0x3  }
0x2b: {  	[tilespmem:s1+$0x0] =	vst v17  }
0x2c: {  	v17 =	vld.idx.msk [tilespmem:v18+s3+$0x0], $0xffff  }
0x2d: {  	s10 =	sadd.s32 $0x280, s10  }
0x2e: {  	v18 =	vor.u32 s10, v0  }
.Ltmp0:
0x2f: {  	(pc) =	sbr.rel @p0 .LBB2_2-.Ltmp0, $4  }
0x30: {  	_ = 	snop  }
0x31: {  	s1 =	sadd.s32 $0x20, s1  }
0x32: {  	s20 =	sadd.s32 $0x10, s20;
	[tilespmem:s1+$0xFFFFFFF0] =	vst v17  }
0x33: {  	s25 =	sand.u32 $0x38, s9;
	s9 =	sadd.s32 $0x8, s9;
	s22 =	sand.u32 $0x380, s20;
	v17 =	vld.idx.msk [tilespmem:v18+s3+$0x0], $0xffff  }
0x34: {  	s9 =	sor.u32 s25, s22  }
0x35: {  	v18 =	vor.u32 s9, v0;
	_ =	sdelay $0x3  }
0x36: {  	[tilespmem:s1+$0x0] =	vst v17  }
0x37: {  	s9 =	sadd.s32 $0x280, s9;
	v17 =	vld.idx.msk [tilespmem:v18+s3+$0x0], $0xffff  }
0x38: {  	v18 =	vor.u32 s9, v0;
	_ =	sdelay $0x2  }
0x39: {  	s29 =	sadd.s32 $0x20, s1  }
0x3a: {  	[tilespmem:s29+$0xFFFFFFF0] =	vst v17  }
0x3b: {  	v17 =	vld.idx.msk [tilespmem:v18+s3+$0x0], $0xffff;
	_ =	sdelay $0x4  }
0x3c: {  	s10 =	simm.s32 $0x1E00;
	s9 =	simm.s32 $0x1400;
	[tilespmem:s29+$0x0] =	vst v17  }
0x3d: {  	[tilespmem:s10], [sflag:$0x2] =	stream.indirect.gather [hbm4b:s4+s24], $0x20, s9, s24, $0xb8;
	[tilespmem:$0x16800] =	vst v63  }
0x3e: {  	s20 =	simm.s32 $0x1480;
	s22 =	simm.s32 $0x2E00  }
0x3f: {  	[tilespmem:s22], [sflag:$0x2] =	stream.indirect.gather [hbm4b:s4+s24], $0x20, s20, s24, $0xb8;
	[tilespmem:$0x16800] =	vst v63  }
0x40: {  	s25 =	simm.s32 $0x1500;
	s26 =	simm.s32 $0x3E00  }
0x41: {  	[tilespmem:s26], [sflag:$0x2] =	stream.indirect.gather [hbm4b:s4+s24], $0x20, s25, s24, $0xb8;
	[tilespmem:$0x16800] =	vst v63  }
0x42: {  	s28 =	simm.s32 $0x1580;
	s29 =	simm.s32 $0x4E00  }
0x43: {  	[tilespmem:s29], [sflag:$0x2] =	stream.indirect.gather [hbm4b:s4+s24], $0x20, s28, s24, $0xb8;
	[tilespmem:$0x16800] =	vst v63  }
0x44: {  	s9 =	simm.s32 $0x1600;
	s10 =	simm.s32 $0x5E00  }
0x45: {  	[tilespmem:s10], [sflag:$0x2] =	stream.indirect.gather [hbm4b:s4+s24], $0x20, s9, s24, $0xb8;
	[tilespmem:$0x16800] =	vst v63  }
0x46: {  	s20 =	simm.s32 $0x1680;
	s22 =	simm.s32 $0x6E00  }
0x47: {  	[tilespmem:s22], [sflag:$0x2] =	stream.indirect.gather [hbm4b:s4+s24], $0x20, s20, s24, $0xb8;
	[tilespmem:$0x16800] =	vst v63  }
0x48: {  	s25 =	simm.s32 $0x1700;
	s26 =	simm.s32 $0x7E00  }
0x49: {  	[tilespmem:s26], [sflag:$0x2] =	stream.indirect.gather [hbm4b:s4+s24], $0x20, s25, s24, $0xb8;
	[tilespmem:$0x16800] =	vst v63  }
0x4a: {  	s28 =	simm.s32 $0x1780;
	s29 =	simm.s32 $0x8E00  }
0x4b: {  	[tilespmem:s29], [sflag:$0x2] =	stream.indirect.gather [hbm4b:s4+s24], $0x20, s28, s24, $0xb8;
	[tilespmem:$0x16800] =	vst v63  }
0x4c: {  	s9 =	simm.s32 $0x1800;
	s10 =	simm.s32 $0x9E00  }
0x4d: {  	[tilespmem:s10], [sflag:$0x2] =	stream.indirect.gather [hbm4b:s4+s24], $0x20, s9, s24, $0xb8;
	[tilespmem:$0x16800] =	vst v63  }
0x4e: {  	s20 =	simm.s32 $0x1880;
	s22 =	simm.s32 $0xAE00  }
0x4f: {  	[tilespmem:s22], [sflag:$0x2] =	stream.indirect.gather [hbm4b:s4+s24], $0x20, s20, s24, $0xb8;
	[tilespmem:$0x16800] =	vst v63  }
0x50: {  	s1 =	simm.s32 $0x0;
	s25 =	simm.s32 $0x500  }
0x51: {  	[tilespmem:s25], [sflag:$0x1] =	stream.linear.gather [hbm4b:s14+s1], $0x280, $0x38;
	[tilespmem:$0x16800] =	vst v63  }
0x52: {  	s26 =	simm.s32 $0x780  }
0x53: {  	[tilespmem:s26], [sflag:$0x1] =	stream.linear.gather [hbm4b:s15+s1], $0x280, $0x38;
	[tilespmem:$0x16800] =	vst v63  }
0x54: {  	s28 =	simm.s32 $0xF00  }
0x55: {  	[tilespmem:s28], [sflag:$0x1] =	stream.linear.gather [hbm4b:s16+s1], $0x280, $0x38;
	[tilespmem:$0x16800] =	vst v63  }
0x56: {  	p0 =	por $0x1, $0x1;
	p1 =	por $0x0, $0x0;
	s29 =	simm.s32 $0x1180  }
0x57: {  	[tilespmem:s29], [sflag:$0x1] =	stream.linear.gather [hbm4b:s17+s1], $0x280, $0x38;
	[tilespmem:$0x16800] =	vst v63  }
.LBB2_4:
0x58: {  	p2 =	seq.s32 s1, $0xF9  }
.Ltmp1:
0x59: {  	_ = 	snop;
	(pc) =	sbr.rel @p2 .LBB2_8-.Ltmp1, $3  }
0x5a: {  	_ =	sdelay $0x1  }
0x5b: {  	s22 =	sand.u32 $0x1, s1  }
0x5c: {  	s20 =	sxor.u32 $0x1, s22  }
0x5d: {  	_ =	swait.ge [sflag:s23], $0x280  }
0x5e: {  	[sflag:s23] =	ssyncset.done $0x0  }
0x5f: {  	[sflag:s23] =	ssyncadd.s32 $0xFFFFFD80  }
0x60: {  	s25 =	smul.u32 $0x500, s20;
	s9 =	simm.s32 $0x0;
	_ =	swait.ge [sflag:s23], $0x280  }
0x61: {  	s10 =	sand.u32 $0x380, s9;
	[sflag:s23] =	ssyncset.done $0x0  }
0x62: {  	s9 =	sand.u32 $0x38, s9;
	s10 =	sadd.s32 s25, s10;
	[sflag:s23] =	ssyncadd.s32 $0xFFFFFD80  }
0x63: {  	s9 =	sor.u32 s9, s10;
	_ =	swait.ge [sflag:s23], $0x280  }
0x64: {  	v17 =	vor.u32 s9, v0;
	[sflag:s23] =	ssyncset.done $0x0  }
0x65: {  	[sflag:s23] =	ssyncadd.s32 $0xFFFFFD80  }
0x66: {  	_ =	swait.ge [sflag:s23], $0x280  }
0x67: {  	[sflag:s23] =	ssyncset.done $0x0  }
0x68: {  	s10 =	simm.s32 $0x1;
	[sflag:s23] =	ssyncadd.s32 $0xFFFFFD80  }
0x69: {  	s10 =	simm.s32 @!p0 $0x0;
	s9 =	sadd.s32 $0x280, s9;
	v18 =	vld.idx.msk [tilespmem:v17+s3+$0x0], $0xffff  }
0x6a: {  	s10 =	smul.u32 $0x1400, s10;
	v17 =	vor.u32 s9, v0;
	_ =	sdelay $0x1  }
0x6b: {  	s10 =	sshrl.u32 s10, $0x2  }
0x6c: {  	s28 =	simm.s32 $0x10;
	s26 =	sadd.s32 $0x1410, s10  }
0x6d: {  	s29 =	simm.s32 $0x8;
	s10 =	sand.u32 $0x380, s28;
	s9 =	simm.s32 $0x10;
	[tilespmem:s26+$0xFFFFFFF0] =	vst v18  }
.LBB2_6:
0x6e: {  	p3 =	sne.s32 s9, $0x138;
	s10 =	sadd.s32 s25, s10;
	s29 =	sand.u32 $0x38, s29;
	v17 =	vld.idx.msk [tilespmem:v17+s3+$0x0], $0xffff  }
0x6f: {  	s10 =	sor.u32 s29, s10;
	s29 =	smov.u32 s9  }
0x70: {  	v18 =	vor.u32 s10, v0;
	_ =	sdelay $0x3  }
0x71: {  	[tilespmem:s26+$0x0] =	vst v17  }
0x72: {  	v18 =	vld.idx.msk [tilespmem:v18+s3+$0x0], $0xffff  }
0x73: {  	s10 =	sadd.s32 $0x280, s10  }
.Ltmp2:
0x74: {  	v17 =	vor.u32 s10, v0;
	(pc) =	sbr.rel @p3 .LBB2_6-.Ltmp2, $3  }
0x75: {  	_ =	sdelay $0x1  }
0x76: {  	s28 =	sadd.s32 $0x10, s28;
	s26 =	sadd.s32 $0x20, s26  }
0x77: {  	s9 =	sadd.s32 $0x8, s9;
	s10 =	sand.u32 $0x380, s28;
	[tilespmem:s26+$0xFFFFFFF0] =	vst v18  }
0x78: {  	_ =	sdelay $0x2  }
0x79: {  	s9 =	sadd.s32 s25, s10;
	s28 =	sand.u32 $0x38, s29  }
0x7a: {  	v17 =	vld.idx.msk [tilespmem:v17+s3+$0x0], $0xffff;
	s9 =	sor.u32 s28, s9  }
0x7b: {  	v18 =	vor.u32 s9, v0;
	_ =	sdelay $0x3  }
0x7c: {  	[tilespmem:s26+$0x0] =	vst v17  }
0x7d: {  	s9 =	sadd.s32 $0x280, s9;
	v17 =	vld.idx.msk [tilespmem:v18+s3+$0x0], $0xffff  }
0x7e: {  	v18 =	vor.u32 s9, v0;
	_ =	sdelay $0x2  }
0x7f: {  	s29 =	sadd.s32 $0x20, s26  }
0x80: {  	[tilespmem:s29+$0xFFFFFFF0] =	vst v17  }
0x81: {  	v17 =	vld.idx.msk [tilespmem:v18+s3+$0x0], $0xffff;
	_ =	sdelay $0x4  }
0x82: {  	[tilespmem:s29+$0x0] =	vst v17  }
.LBB2_8:
0x83: {  	_ =	swait.ge [sflag:s30], $0x1000  }
0x84: {  	[sflag:s30] =	ssyncset.done $0x0  }
0x85: {  	[sflag:s30] =	ssyncadd.s32 $0xFFFFF000  }
0x86: {  	_ =	swait.ge [sflag:s30], $0x1000  }
0x87: {  	[sflag:s30] =	ssyncset.done $0x0  }
0x88: {  	[sflag:s30] =	ssyncadd.s32 $0xFFFFF000  }
0x89: {  	_ =	swait.ge [sflag:s30], $0x1000  }
0x8a: {  	[sflag:s30] =	ssyncset.done $0x0  }
0x8b: {  	[sflag:s30] =	ssyncadd.s32 $0xFFFFF000  }
0x8c: {  	_ =	swait.ge [sflag:s30], $0x1000  }
0x8d: {  	[sflag:s30] =	ssyncset.done $0x0  }
0x8e: {  	[sflag:s30] =	ssyncadd.s32 $0xFFFFF000  }
0x8f: {  	_ =	swait.ge [sflag:s30], $0x1000  }
0x90: {  	[sflag:s30] =	ssyncset.done $0x0  }
0x91: {  	[sflag:s30] =	ssyncadd.s32 $0xFFFFF000  }
0x92: {  	_ =	swait.ge [sflag:s30], $0x1000  }
0x93: {  	[sflag:s30] =	ssyncset.done $0x0  }
0x94: {  	[sflag:s30] =	ssyncadd.s32 $0xFFFFF000  }
0x95: {  	_ =	swait.ge [sflag:s30], $0x1000  }
0x96: {  	[sflag:s30] =	ssyncset.done $0x0  }
0x97: {  	[sflag:s30] =	ssyncadd.s32 $0xFFFFF000  }
0x98: {  	_ =	swait.ge [sflag:s30], $0x1000  }
0x99: {  	[sflag:s30] =	ssyncset.done $0x0  }
0x9a: {  	[sflag:s30] =	ssyncadd.s32 $0xFFFFF000  }
0x9b: {  	_ =	swait.ge [sflag:s30], $0x1000  }
0x9c: {  	s9 =	smul.u32 @!p2 $0x28000, s20;
	[sflag:s30] =	ssyncset.done $0x0  }
0x9d: {  	s10 =	smul.u32 @!p2 $0x1400, s20;
	[sflag:s30] =	ssyncadd.s32 $0xFFFFF000  }
0x9e: {  	s20 =	smul.u32 @!p2 $0x500, s20;
	s25 =	simm.s32 @!p2 $0x80;
	_ =	swait.ge [sflag:s30], $0x1000  }
0x9f: {  	s9 =	sshrl.u32 @!p2 s9, $0x2;
	s10 =	sshrl.u32 @!p2 s10, $0x2;
	[sflag:s30] =	ssyncset.done $0x0  }
0xa0: {  	s9 =	sor.u32 @!p2 $0x1E00, s9;
	s10 =	sadd.s32 @!p2 $0x1400, s10;
	[sflag:s30] =	ssyncadd.s32 $0xFFFFF000  }
0xa1: {  	[tilespmem:s9], [sflag:$0x2] =	stream.indirect.gather @!p2 [hbm4b:s4+s25], $0x20, s10, s25, $0xb8;
	[tilespmem:$0x16800] =	vst v63  }
0xa2: {  	s9 =	sshll.u32 @!p2 s20, $0x5  }
0xa3: {  	s26 =	sadd.s32 @!p2 $0x1480, s20;
	s10 =	sadd.s32 @!p2 $0x2E00, s9  }
0xa4: {  	[tilespmem:s10], [sflag:$0x2] =	stream.indirect.gather @!p2 [hbm4b:s4+s25], $0x20, s26, s25, $0xb8;
	[tilespmem:$0x16800] =	vst v63  }
0xa5: {  	s10 =	sadd.s32 @!p2 $0x3E00, s9;
	s26 =	sadd.s32 @!p2 $0x1500, s20  }
0xa6: {  	[tilespmem:s10], [sflag:$0x2] =	stream.indirect.gather @!p2 [hbm4b:s4+s25], $0x20, s26, s25, $0xb8;
	[tilespmem:$0x16800] =	vst v63  }
0xa7: {  	s10 =	sadd.s32 @!p2 $0x4E00, s9;
	s26 =	sadd.s32 @!p2 $0x1580, s20  }
0xa8: {  	[tilespmem:s10], [sflag:$0x2] =	stream.indirect.gather @!p2 [hbm4b:s4+s25], $0x20, s26, s25, $0xb8;
	[tilespmem:$0x16800] =	vst v63  }
0xa9: {  	s28 =	sadd.s32 @!p2 $0x1600, s20;
	s10 =	simm.s32 $0x1;
	s26 =	sadd.s32 @!p2 $0x5E00, s9  }
0xaa: {  	[tilespmem:s26], [sflag:$0x2] =	stream.indirect.gather @!p2 [hbm4b:s4+s25], $0x20, s28, s25, $0xb8;
	[tilespmem:$0x16800] =	vst v63  }
0xab: {  	s10 =	simm.s32 @!p1 $0x0;
	s26 =	sadd.s32 @!p2 $0x6E00, s9;
	s28 =	sadd.s32 @!p2 $0x1680, s20  }
0xac: {  	[tilespmem:s26], [sflag:$0x2] =	stream.indirect.gather @!p2 [hbm4b:s4+s25], $0x20, s28, s25, $0xb8;
	[tilespmem:$0x16800] =	vst v63  }
0xad: {  	s26 =	smul.u32 $0x1400, s10  }
0xae: {  	s29 =	sadd.s32 @!p2 $0x1700, s20;
	s28 =	sadd.s32 @!p2 $0x7E00, s9;
	s10 =	smul.u32 $0x28000, s10  }
0xaf: {  	[tilespmem:s28], [sflag:$0x2] =	stream.indirect.gather @!p2 [hbm4b:s4+s25], $0x20, s29, s25, $0xb8;
	[tilespmem:$0x16800] =	vst v63  }
0xb0: {  	s22 =	smul.u32 $0x500, s22;
	s26 =	sshrl.u32 s26, $0x2  }
0xb1: {  	s28 =	sadd.s32 @!p2 $0x8E00, s9;
	s29 =	sadd.s32 @!p2 $0x1780, s20;
	s10 =	sshrl.u32 s10, $0x2  }
0xb2: {  	[tilespmem:s28], [sflag:$0x2] =	stream.indirect.gather @!p2 [hbm4b:s4+s25], $0x20, s29, s25, $0xb8;
	[tilespmem:$0x16800] =	vst v63  }
0xb3: {  	s28 =	sadd.s32 @!p2 $0x9E00, s9;
	s29 =	sor.u32 @!p2 $0x1800, s20;
	s9 =	sadd.s32 @!p2 $0xAE00, s9  }
0xb4: {  	[tilespmem:s28], [sflag:$0x2] =	stream.indirect.gather @!p2 [hbm4b:s4+s25], $0x20, s29, s25, $0xb8;
	[tilespmem:$0x16800] =	vst v63  }
0xb5: {  	s20 =	sor.u32 @!p2 $0x1880, s20;
	s28 =	simm.s32 $0x0;
	s29 =	simm.s32 $0x0  }
0xb6: {  	[tilespmem:s9], [sflag:$0x2] =	stream.indirect.gather @!p2 [hbm4b:s4+s25], $0x20, s20, s25, $0xb8;
	[tilespmem:$0x16800] =	vst v63  }
0xb7: {  	s25 =	sadd.s32 $0x15E10, s26;
	s26 =	sadd.s32 $0x2000, s10;
	s20 =	sadd.s32 $0x1, s1  }
.LBB2_9:
0xb8: {  	v20 =	vld [tilespmem:s26+$0xFFFFFE10]  }
0xb9: {  	s9 =	sand.u32 $0x380, s28;
	v21 =	vld [tilespmem:s26+$0xFFFFFE20]  }
0xba: {  	s10 =	sand.u32 $0x38, s29;
	v22 =	vld [tilespmem:s26+$0xFFFFFE30];
	s9 =	sadd.s32 s22, s9  }
0xbb: {  	v23 =	vld [tilespmem:s26+$0xFFFFFE40];
	s9 =	sor.u32 s10, s9  }
0xbc: {  	v24 =	vld [tilespmem:s26+$0xFFFFFE50];
	v17 =	vor.u32 s9, v0  }
0xbd: {  	v25 =	vld [tilespmem:s26+$0xFFFFFE60]  }
0xbe: {  	v26 =	vld [tilespmem:s26+$0xFFFFFE70]  }
0xbf: {  	v27 =	vld [tilespmem:s26+$0xFFFFFE80]  }
0xc0: {  	v28 =	vld [tilespmem:s26+$0xFFFFFE90];
	s9 =	sadd.s32 $0x280, s9  }
0xc1: {  	v18 =	vor.u32 s9, v0;
	v19 =	vld.idx.msk [tilespmem:v17+s21+$0x0], $0xffff  }
0xc2: {  	v29 =	vld [tilespmem:s26+$0xFFFFFEA0]  }
0xc3: {  	v30 =	vld [tilespmem:s26+$0xFFFFFEB0]  }
0xc4: {  	v31 =	vld [tilespmem:s26+$0xFFFFFEC0]  }
0xc5: {  	v32 =	vld [tilespmem:s26+$0xFFFFFED0]  }
0xc6: {  	v17 =	vld.idx.msk [tilespmem:v18+s21+$0x0], $0xffff;
	v34 =	vperm.xlane v19, v1;
	v36 =	vperm.xlane v19, v2  }
0xc7: {  	v18 =	vld [tilespmem:s26+$0xFFFFFE00];
	v38 =	vperm.xlane v19, v3;
	v52 =	vperm.xlane v19, v4  }
0xc8: {  	v33 =	vld [tilespmem:s26+$0xFFFFFEE0];
	v41 =	vperm.xlane v19, v5;
	v43 =	vperm.xlane v19, v6  }
0xc9: {  	v35 =	vld [tilespmem:s26+$0xFFFFFEF0];
	v55 =	vperm.xlane v19, v7;
	v58 =	vperm.xlane v19, v8  }
0xca: {  	v37 =	vld [tilespmem:s26+$0xFFFFFF00];
	v61 =	vperm.xlane v19, v9;
	v45 =	vperm.xlane v19, v10  }
0xcb: {  	v51 =	vld [tilespmem:s26+$0xFFFFFF10];
	v47 =	vperm.xlane v19, v11;
	v50 =	vperm.xlane v19, v12  }
0xcc: {  	v39 =	vld [tilespmem:s26+$0xFFFFFF20];
	v18 =	vmul.f32 v18, v34;
	v20 =	vmul.f32 v20, v34  }
0xcd: {  	v40 =	vld [tilespmem:s26+$0xFFFFFF30];
	v21 =	vmul.f32 v21, v36;
	v22 =	vmul.f32 v22, v36  }
0xce: {  	v42 =	vld [tilespmem:s26+$0xFFFFFF40];
	v23 =	vmul.f32 v23, v38;
	v24 =	vmul.f32 v24, v38  }
0xcf: {  	v53 =	vld [tilespmem:s26+$0xFFFFFF50];
	v25 =	vmul.f32 v25, v52;
	v27 =	vmul.f32 v27, v41  }
0xd0: {  	v44 =	vld [tilespmem:s26+$0xFFFFFF60];
	v26 =	vmul.f32 v26, v52;
	v28 =	vmul.f32 v28, v41  }
0xd1: {  	v36 =	vld [tilespmem:s26+$0xFFFFFF70];
	v54 =	vmul.f32 v29, v43;
	v56 =	vmul.f32 v30, v43  }
0xd2: {  	v41 =	vld [tilespmem:s26+$0xFFFFFF80];
	v57 =	vmul.f32 v31, v55;
	v59 =	vmul.f32 v32, v55  }
0xd3: {  	v30 =	vld [tilespmem:s26+$0xFFFFFF90];
	v60 =	vmul.f32 v33, v58;
	v62 =	vmul.f32 v35, v58  }
0xd4: {  	v43 =	vld [tilespmem:s26+$0xFFFFFFA0];
	v63 =	vmul.f32 v37, v61;
	v46 =	vmul.f32 v51, v61  }
0xd5: {  	v29 =	vld [tilespmem:s26+$0xFFFFFFB0];
	v48 =	vmul.f32 v39, v45;
	v35 =	vmul.f32 v40, v45;
	v18 =	vadd.f32 $0.0e+00, v18  }
0xd6: {  	v33 =	vld [tilespmem:s26+$0xFFFFFFC0];
	v49 =	vmul.f32 v42, v47;
	v20 =	vadd.f32 $0.0e+00, v20;
	v21 =	vadd.f32 $0.0e+00, v21  }
0xd7: {  	v31 =	vld [tilespmem:s26+$0xFFFFFFD0];
	v52 =	vmul.f32 v53, v47;
	v22 =	vadd.f32 $0.0e+00, v22;
	v23 =	vadd.f32 $0.0e+00, v23  }
0xd8: {  	v37 =	vld [tilespmem:s26+$0xFFFFFFE0];
	v55 =	vperm.xlane v19, v13;
	v24 =	vadd.f32 $0.0e+00, v24;
	v25 =	vadd.f32 $0.0e+00, v25  }
0xd9: {  	v34 =	vld [tilespmem:s26+$0xFFFFFFF0];
	v58 =	vperm.xlane v19, v14;
	v26 =	vadd.f32 $0.0e+00, v26;
	v18 =	vadd.f32 v27, v18  }
0xda: {  	v39 =	vld [tilespmem:s26+$0x0];
	v61 =	vperm.xlane v19, v15;
	v20 =	vadd.f32 v28, v20;
	v21 =	vadd.f32 v54, v21  }
0xdb: {  	v51 =	vld [tilespmem:s26+$0x10];
	v19 =	vperm.xlane v19, v16;
	v22 =	vadd.f32 v56, v22;
	v23 =	vadd.f32 v57, v23  }
0xdc: {  	v53 =	vld [tilespmem:s26+$0x20];
	v24 =	vadd.f32 v59, v24;
	v54 =	vmul.f32 v44, v50;
	v57 =	vmul.f32 v36, v50  }
0xdd: {  	v40 =	vld [tilespmem:s26+$0x40];
	v25 =	vadd.f32 v60, v25;
	v59 =	vmul.f32 v41, v55;
	v30 =	vmul.f32 v30, v55  }
0xde: {  	v47 =	vld [tilespmem:s26+$0x90];
	v26 =	vadd.f32 v62, v26;
	v60 =	vmul.f32 v43, v58;
	v36 =	vmul.f32 v33, v61  }
0xdf: {  	v56 =	vld [tilespmem:s26+$0x30];
	v45 =	vmul.f32 v31, v61;
	v50 =	vperm.xlane v17, v2;
	v18 =	vadd.f32 v63, v18  }
0xe0: {  	v62 =	vld [tilespmem:s26+$0x60];
	v41 =	vperm.xlane v17, v11;
	v20 =	vadd.f32 v46, v20;
	v21 =	vadd.f32 v48, v21  }
0xe1: {  	v44 =	vld [tilespmem:s26+$0x80];
	v22 =	vadd.f32 v35, v22;
	v23 =	vadd.f32 v49, v23;
	v63 =	vmul.f32 v29, v58  }
0xe2: {  	v55 =	vld [tilespmem:s26+$0xD0];
	v24 =	vadd.f32 v52, v24;
	v46 =	vperm.xlane v17, v1;
	v48 =	vmul.f32 v37, v19  }
0xe3: {  	v43 =	vld [tilespmem:s26+$0x110];
	v25 =	vadd.f32 v54, v25;
	v19 =	vmul.f32 v34, v19;
	v54 =	vperm.xlane v17, v3  }
0xe4: {  	v35 =	vld [tilespmem:s26+$0x50];
	v26 =	vadd.f32 v57, v26;
	v53 =	vmul.f32 v53, v50;
	v18 =	vadd.f32 v59, v18  }
0xe5: {  	v29 =	vld [tilespmem:s26+$0x70];
	v57 =	vperm.xlane v17, v4;
	v20 =	vadd.f32 v30, v20;
	v21 =	vadd.f32 v60, v21  }
0xe6: {  	v34 =	vld [tilespmem:s26+$0xA0];
	v22 =	vadd.f32 v63, v22;
	v23 =	vadd.f32 v36, v23;
	v49 =	vmul.f32 v39, v46  }
0xe7: {  	v37 =	vld [tilespmem:s26+$0xB0];
	v24 =	vadd.f32 v45, v24;
	v51 =	vmul.f32 v51, v46;
	v59 =	vmul.f32 v40, v54  }
0xe8: {  	v52 =	vld [tilespmem:s26+$0xC0];
	v25 =	vadd.f32 v48, v25;
	v45 =	vperm.xlane v17, v6;
	v48 =	vperm.xlane v17, v7  }
0xe9: {  	v58 =	vld [tilespmem:s26+$0xE0];
	v19 =	vadd.f32 v19, v26;
	v56 =	vmul.f32 v56, v50;
	v61 =	vmul.f32 v62, v57  }
0xea: {  	v60 =	vld [tilespmem:s26+$0xF0];
	v62 =	vperm.xlane v17, v5;
	v18 =	vadd.f32 v49, v18;
	v20 =	vadd.f32 v51, v20  }
0xeb: {  	v63 =	vld [tilespmem:s26+$0x100];
	v21 =	vadd.f32 v53, v21;
	v31 =	vmul.f32 v35, v54;
	v42 =	vmul.f32 v29, v57  }
0xec: {  	v46 =	vld [tilespmem:s26+$0x120];
	v23 =	vadd.f32 v59, v23;
	v44 =	vmul.f32 v44, v62;
	v47 =	vmul.f32 v47, v62  }
0xed: {  	v49 =	vld [tilespmem:s26+$0x130];
	v22 =	vadd.f32 v56, v22;
	v50 =	vmul.f32 v34, v45;
	v30 =	vmul.f32 v37, v45  }
0xee: {  	v51 =	vld [tilespmem:s26+$0x140];
	v25 =	vadd.f32 v61, v25;
	v27 =	vmul.f32 v52, v48;
	v52 =	vperm.xlane v17, v8  }
0xef: {  	v53 =	vld [tilespmem:s26+$0x150];
	v54 =	vmul.f32 v55, v48;
	v24 =	vadd.f32 v31, v24;
	v19 =	vadd.f32 v42, v19  }
0xf0: {  	v55 =	vld [tilespmem:s26+$0x160];
	v57 =	vperm.xlane v17, v9;
	v18 =	vadd.f32 v44, v18;
	v20 =	vadd.f32 v47, v20  }
0xf1: {  	v61 =	vld [tilespmem:s26+$0x180];
	v21 =	vadd.f32 v50, v21;
	v56 =	vmul.f32 v58, v52;
	v59 =	vmul.f32 v60, v52  }
0xf2: {  	v22 =	vadd.f32 v30, v22;
	v58 =	vld [tilespmem:s26+$0x170];
	v60 =	vperm.xlane v17, v10;
	v62 =	vmul.f32 v63, v57  }
0xf3: {  	v23 =	vadd.f32 v27, v23;
	v29 =	vmul.f32 v43, v57;
	v63 =	vld [tilespmem:s26+$0x190];
	v52 =	vperm.xlane v17, v14  }
0xf4: {  	v42 =	vld [tilespmem:s26+$0x1A0];
	v24 =	vadd.f32 v54, v24;
	v25 =	vadd.f32 v56, v25;
	v40 =	vmul.f32 v46, v60  }
0xf5: {  	v44 =	vld [tilespmem:s26+$0x1B0];
	v19 =	vadd.f32 v59, v19;
	v43 =	vmul.f32 v49, v60;
	v45 =	vmul.f32 v51, v41  }
0xf6: {  	v47 =	vld [tilespmem:s26+$0x1C0];
	v18 =	vadd.f32 v62, v18;
	v46 =	vperm.xlane v17, v12;
	v48 =	vmul.f32 v53, v41  }
0xf7: {  	v50 =	vld [tilespmem:s26+$0x1D0];
	v20 =	vadd.f32 v29, v20;
	v49 =	vperm.xlane v17, v13;
	v59 =	vperm.xlane v17, v15  }
0xf8: {  	v53 =	vld [tilespmem:s26+$0x1E0];
	v17 =	vperm.xlane v17, v16;
	v21 =	vadd.f32 v40, v21;
	v51 =	vmul.f32 v55, v46  }
0xf9: {  	v56 =	vld [tilespmem:s26+$0x1F0];
	v22 =	vadd.f32 v43, v22;
	v55 =	vmul.f32 v61, v49;
	v54 =	vmul.f32 v58, v46  }
0xfa: {  	v23 =	vadd.f32 v45, v23;
	v57 =	vmul.f32 v63, v49;
	v58 =	vmul.f32 v42, v52  }
0xfb: {  	v24 =	vadd.f32 v48, v24;
	v60 =	vmul.f32 v44, v52;
	v61 =	vmul.f32 v47, v59  }
0xfc: {  	v63 =	vmul.f32 v50, v59;
	v25 =	vadd.f32 v51, v25;
	v18 =	vadd.f32 v55, v18  }
0xfd: {  	v19 =	vadd.f32 v54, v19;
	v20 =	vadd.f32 v57, v20;
	v62 =	vmul.f32 v53, v17  }
0xfe: {  	v21 =	vadd.f32 v58, v21;
	v22 =	vadd.f32 v60, v22;
	v17 =	vmul.f32 v56, v17  }
0xff: {  	v23 =	vadd.f32 v61, v23;
	v25 =	vadd.f32 v62, v25  }
0x100: {  	v24 =	vadd.f32 v63, v24;
	v17 =	vadd.f32 v17, v19  }
0x101: {  	p2 =	sne.s32 s29, $0x138;
	v18 =	vadd.f32 v21, v18;
	v19 =	vadd.f32 v25, v23  }
.Ltmp3:
0x102: {  	v20 =	vadd.f32 v22, v20;
	v17 =	vadd.f32 v17, v24;
	(pc) =	sbr.rel @p2 .LBB2_9-.Ltmp3, $4  }
0x103: {  	v18 =	vadd.f32 v19, v18  }
0x104: {  	v17 =	vadd.f32 v17, v20  }
0x105: {  	s28 =	sadd.s32 $0x10, s28;
	[tilespmem:s25+$0xFFFFFFF0] =	vst v18  }
0x106: {  	s29 =	sadd.s32 $0x8, s29;
	s26 =	sadd.s32 $0x400, s26;
	[tilespmem:s25+$0x0] =	vst v17;
	s25 =	sadd.s32 $0x20, s25  }
0x107: {  	p2 =	seq.s32 s1, $0x0;
	s9 =	smul.u32 $0x5, s1  }
0x108: {  	s10 =	simm.s32 @!p2 $0x3  }
0x109: {  	_ =	swait.ge @!p2 [sflag:s10], $0x500;
	s25 =	sadd.s32 s12, s9  }
0x10a: {  	s29 =	sadd.s32 $0x15E00, s22;
	[sflag:s10] =	ssyncset.done @!p2 $0x0;
	s25 =	sshll.u32 s25, $0x5  }
0x10b: {  	[sflag:s10] =	ssyncadd.s32 @!p2 $0xFFFFFB00;
	s28 =	sadd.s32 s8, s25;
	p2 =	sgt.u32 s1, $0xF7  }
0x10c: {  	[hbm4b:s28+s3] =	stream.linear.scatter [tilespmem:s29], [sflag:$0x3], $0x500, $0x38;
	[tilespmem:$0x16800] =	vst v63  }
0x10d: {  	s1 =	sadd.s32 @!p2 s9, s18  }
0x10e: {  	s1 =	sshll.u32 @!p2 s1, $0x4  }
0x10f: {  	s1 =	sand.u32 @!p2 $0x1FFFFFF0, s1  }
0x110: {  	s10 =	simm.s32 @!p2 $0x0;
	s9 =	sadd.s32 @!p2 s2, s1  }
0x111: {  	[tilespmem:s22], [sflag:$0x1] =	stream.linear.gather @!p2 [hbm4b:s9+s10], $0x280, $0x38;
	[tilespmem:$0x16800] =	vst v63  }
0x112: {  	s25 =	sadd.s32 @!p2 s5, s1;
	s9 =	sadd.s32 @!p2 $0x280, s22  }
0x113: {  	[tilespmem:s9], [sflag:$0x1] =	stream.linear.gather @!p2 [hbm4b:s25+s10], $0x280, $0x38;
	[tilespmem:$0x16800] =	vst v63  }
0x114: {  	s9 =	sadd.s32 @!p2 $0xA00, s22;
	s25 =	sadd.s32 @!p2 s6, s1  }
0x115: {  	[tilespmem:s9], [sflag:$0x1] =	stream.linear.gather @!p2 [hbm4b:s25+s10], $0x280, $0x38;
	[tilespmem:$0x16800] =	vst v63  }
0x116: {  	s1 =	sadd.s32 @!p2 s7, s1;
	s9 =	sadd.s32 @!p2 $0xC80, s22  }
0x117: {  	[tilespmem:s9], [sflag:$0x1] =	stream.linear.gather @!p2 [hbm4b:s1+s10], $0x280, $0x38;
	[tilespmem:$0x16800] =	vst v63  }
0x118: {  	p2 =	sne.s32 s20, $0xFA  }
.Ltmp4:
0x119: {  	_ = 	snop;
	(pc) =	sbr.rel @p2 .LBB2_4-.Ltmp4, $2  }
0x11a: {  	_ =	sdelay $0x2  }
0x11b: {  	p0 =	por !p0, !p0;
	p1 =	por !p1, !p1;
	s1 =	smov.u32 s20  }
0x11c: {  	s0 =	sadd.s32 $0x1, s0  }
0x11d: {  	p0 =	sne.s32 s0, s19  }
.Ltmp5:
0x11e: {  	_ = 	snop;
	(pc) =	sbr.rel @p0 .LBB2_1-.Ltmp5, $4  }
0x11f: {  	_ = 	snop  }
0x120: {  	_ =	swait.ge [sflag:s31], $0x500  }
0x121: {  	[sflag:s31] =	ssyncset.done $0x0  }
0x122: {  	[sflag:s31] =	ssyncadd.s32 $0xFFFFFB00  }
0x123: {  	_ =	sfence.sel $0x180000  }
0x124: {  	[bflag:$0x0] =	sbarrier.arrive $0xFFFF  }
0x125: {  	_ =	strace $0x90000047  }
0x126: {  	s0 =	stileid.u32;
	[bflag:$0x2] =	sbarrier.arrive $0xFFFF  }
0x127: {  	p0 =	sne.s32 s0, $0x0;
	s0 =	rddreg [dreg:$0x2]  }
0x128: {  	s0 =	sadd.s32 @!p0 $0x100000, s0  }
0x129: {  	[sflag:s0] =	ssyncadd.tile.s32 @!p0 $0x1;
	_ =	shalt  }
.Lfunc_end2:
_tile_overlayer_lowered:
.L_overlay_start_2:
0x12a: {  	(tag) =	ssettag $0x2  }
0x12b: {  	s0 =	rddreg [dreg:$0x0];
	s2 =	stileid.u32  }
0x12c: {  	s1 =	rddreg [dreg:$0x1];
	p0 =	sne.s32 s2, $0x0  }
0x12d: {  	s3 =	rddreg [dreg:$0x2];
	[bflag:$0x3] =	sbarrier.arrive $0xFFFF;
	s2 =	simm.s32 @!p0 $0x1C04  }
0x12e: {  	[timem:s3], [sflag:s2] =	dma.local @!p0 [hbm:s0], s1  }
0x12f: {  	s0 =	simm.s32 @!p0 $0x4  }
0x130: {  	_ =	swait.ge @!p0 [sflag:s0], s1  }
0x131: {  	s1 =	ssub.s32 @!p0 $0x0, s1;
	[sflag:s0] =	ssyncset.done @!p0 $0x0  }
0x132: {  	[sflag:s0] =	ssyncadd.s32 @!p0 s1  }
0x133: {  	[bflag:$0x3] =	sbarrier.arrive $0xFFFF  }
0x134: {  	_ =	shalt  }

</sc_bundles>
